<compile_context>
chip_gen: v7x
topology: tpu7x:2x2x1
jax: 0.10.2.dev20260603
libtpu: 0.0.44.dev20260713+nightly
codegen_flags: <defaults>
</compile_context>

<pallas_src>
import functools

import jax
import jax.numpy as jnp
from jax import lax
from jax.experimental import pallas as pl
from jax.experimental.pallas import tpu as pltpu
from jax.experimental.pallas import tpu_sc as plsc

N = 10000
E = 320000
IN_DIM = 128
HID1 = 128
HID2 = 64
N_CLASSES = 32

NC = 2
NS = 16
NW = NC * NS
CHUNK = 128
NBUF = 4
E_PAD = 327680
NCH1 = E_PAD // (NS * CHUNK)
NCH2 = E_PAD // (NW * CHUNK)
DUMMY = N
NPAD = 10112
RPS = NPAD // NS

_mesh = plsc.VectorSubcoreMesh(core_axis_name="c", subcore_axis_name="s")
_sc_params = pltpu.CompilerParams(use_tc_tiling_on_sc=False)


def _zero_rows(zbuf, acc, row0, width):
    del width
    for q in range(RPS // CHUNK):
        pltpu.sync_copy(zbuf, acc.at[pl.ds(row0 + q * CHUNK, CHUNK)])
    rem = RPS - (RPS // CHUNK) * CHUNK
    if rem:
        pltpu.sync_copy(zbuf.at[pl.ds(0, rem)],
                        acc.at[pl.ds(row0 + (RPS // CHUNK) * CHUNK, rem)])


@functools.partial(
    pl.kernel,
    out_type=jax.ShapeDtypeStruct((NC * NPAD, 16), jnp.float32),
    mesh=_mesh,
    compiler_params=_sc_params,
    scratch_types=[
        pltpu.VMEM((NCH2, CHUNK), jnp.int32),
        pltpu.VMEM((CHUNK, 16), jnp.float32),
        pltpu.VMEM((CHUNK, 16), jnp.float32),
        pltpu.VMEM_SHARED((NPAD, 16), jnp.float32),
    ],
)
def _sc_degree(dst_hbm, out_hbm, idx_v, ones_v, zbuf, acc):
    c = lax.axis_index("c")
    s = lax.axis_index("s")
    w = c * NS + s
    row0 = s * RPS
    pltpu.sync_copy(dst_hbm.at[w], idx_v)

    @pl.loop(0, CHUNK)
    def _(r):
        ones_v[r, pl.ds(0, 16)] = jnp.full((16,), 1.0, jnp.float32)
        zbuf[r, pl.ds(0, 16)] = jnp.zeros((16,), jnp.float32)

    _zero_rows(zbuf, acc, row0, 16)
    plsc.subcore_barrier()

    @pl.loop(0, NCH2)
    def _(j):
        pltpu.sync_copy(ones_v, acc.at[idx_v.at[j]], add=True)

    plsc.subcore_barrier()
    pltpu.sync_copy(acc.at[pl.ds(row0, RPS)],
                    out_hbm.at[pl.ds(c * NPAD + row0, RPS)])


def _make_sc_aggregate(nch, rows_in, dst_by_s):

    @functools.partial(
        pl.kernel,
        out_type=jax.ShapeDtypeStruct((NC * NPAD, HID2), jnp.float32),
        mesh=_mesh,
        compiler_params=_sc_params,
        scratch_types=[
            pltpu.VMEM((nch, CHUNK), jnp.int32),
            pltpu.VMEM((nch, CHUNK), jnp.int32),
            [pltpu.VMEM((CHUNK, HID2), jnp.float32)] * NBUF,
            pltpu.VMEM((CHUNK, HID2), jnp.float32),
            [pltpu.SemaphoreType.DMA] * NBUF,
            [pltpu.SemaphoreType.DMA] * NBUF,
            pltpu.VMEM_SHARED((NPAD, HID2), jnp.float32),
        ],
    )
    def _sc_aggregate(h_hbm, src_hbm, dst_hbm, out_hbm,
                      src_v, dst_v, bufs, zbuf, gsems, ssems, acc):
        c = lax.axis_index("c")
        s = lax.axis_index("s")
        w = c * NS + s
        row0 = s * RPS
        pltpu.sync_copy(src_hbm.at[w], src_v)
        pltpu.sync_copy(dst_hbm.at[s if dst_by_s else w], dst_v)
        for b in range(NBUF):
            pltpu.async_copy(h_hbm.at[src_v.at[b]], bufs[b], gsems[b])

        @pl.loop(0, CHUNK)
        def _(r):
            for k in range(0, HID2, 16):
                zbuf[r, pl.ds(k, 16)] = jnp.zeros((16,), jnp.float32)

        _zero_rows(zbuf, acc, row0, HID2)
        plsc.subcore_barrier()

        @pl.loop(0, nch - NBUF, step=NBUF)
        def _(j):
            for b in range(NBUF):
                pltpu.make_async_copy(
                    h_hbm.at[src_v.at[j + b]], bufs[b], gsems[b]).wait()
                pltpu.async_copy(
                    bufs[b], acc.at[dst_v.at[j + b]], ssems[b], add=True)
            for b in range(NBUF):
                pltpu.make_async_copy(
                    bufs[b], acc.at[dst_v.at[j + b]], ssems[b]).wait()
                pltpu.async_copy(
                    h_hbm.at[src_v.at[j + b + NBUF]], bufs[b], gsems[b])

        for b in range(NBUF):
            j = nch - NBUF + b
            pltpu.make_async_copy(
                h_hbm.at[src_v.at[j]], bufs[b], gsems[b]).wait()
            pltpu.async_copy(
                bufs[b], acc.at[dst_v.at[j]], ssems[b], add=True)
        for b in range(NBUF):
            j = nch - NBUF + b
            pltpu.make_async_copy(
                bufs[b], acc.at[dst_v.at[j]], ssems[b]).wait()

        plsc.subcore_barrier()
        pltpu.sync_copy(acc.at[pl.ds(row0, RPS)],
                        out_hbm.at[pl.ds(c * NPAD + row0, RPS)])

    return _sc_aggregate


_sc_agg_l1 = _make_sc_aggregate(NCH1, NC * NPAD, True)
_sc_agg_l2 = _make_sc_aggregate(NCH2, NPAD, False)


def _tc_mm_norm(x, w, degp):

    def body(x_ref, w_ref, dp_ref, h1_ref, dis_ref, hs_ref):
        h1 = jnp.dot(x_ref[...], w_ref[...],
                     preferred_element_type=jnp.float32)
        deg = dp_ref[0:NPAD, 0:1] + dp_ref[NPAD:, 0:1] + 1.0
        dis = lax.rsqrt(deg)
        dis_ref[...] = dis
        h1_ref[pl.ds(0, N), :] = h1
        hs_ref[pl.ds(0, N), :] = h1 * dis[:N]

    return pl.pallas_call(
        body,
        out_shape=(
            jax.ShapeDtypeStruct((NPAD, IN_DIM), jnp.float32),
            jax.ShapeDtypeStruct((NPAD, 1), jnp.float32),
            jax.ShapeDtypeStruct((NPAD, IN_DIM), jnp.float32),
        ),
    )(x, w, degp)


def _tc_layer(agg, h, dis, b, w):

    def body(a_ref, h_ref, dis_ref, b_ref, w_ref, h2_ref, h2s_ref):
        dis = dis_ref[0:N]
        agg = jnp.concatenate(
            [a_ref[0:N], a_ref[NPAD:NPAD + N]], axis=1)
        pre = agg * dis + h_ref[0:N] * (dis * dis) + b_ref[...]
        o1 = jnp.maximum(pre, 0.0)
        h2 = jnp.dot(o1, w_ref[...], preferred_element_type=jnp.float32)
        h2_ref[pl.ds(0, N), :] = h2
        h2s_ref[pl.ds(0, N), :] = h2 * dis

    d2 = w.shape[1]
    return pl.pallas_call(
        body,
        out_shape=(
            jax.ShapeDtypeStruct((NPAD, d2), jnp.float32),
            jax.ShapeDtypeStruct((NPAD, d2), jnp.float32),
        ),
    )(agg, h, dis, b, w)


def _tc_final(agg, h, dis, b, wf, bf):

    def body(a_ref, h_ref, dis_ref, b_ref, w_ref, bf_ref, o_ref):
        dis = dis_ref[0:N]
        pre = ((a_ref[0:N] + a_ref[NPAD:NPAD + N]) * dis
               + h_ref[0:N] * (dis * dis) + b_ref[...])
        o2 = jnp.maximum(pre, 0.0)
        o_ref[...] = jnp.dot(o2, w_ref[...],
                             preferred_element_type=jnp.float32) + bf_ref[...]

    return pl.pallas_call(
        body,
        out_shape=jax.ShapeDtypeStruct((N, N_CLASSES), jnp.float32),
    )(agg, h, dis, b, wf, bf)


def kernel(x, edge_index, W1, b1, W2, b2, Wf, bf):
    src = edge_index[0].astype(jnp.int32)
    dst = edge_index[1].astype(jnp.int32)
    pad = DUMMY + jnp.arange(E_PAD - E, dtype=jnp.int32) % (NPAD - N)
    dst_p = lax.optimization_barrier(jnp.concatenate([dst, pad]))
    src_p = jnp.concatenate([src, pad])

    src16 = src_p.reshape(NS, NCH1, CHUNK)
    dst16 = dst_p.reshape(NS, NCH1, CHUNK)
    src_l1 = jnp.concatenate([src16 * 2, src16 * 2 + 1], axis=0)

    src_l2 = src_p.reshape(NW, NCH2, CHUNK)
    dst_l2 = dst_p.reshape(NW, NCH2, CHUNK)

    degp = _sc_degree(dst_l2)
    h1, dis, h1s = _tc_mm_norm(x, W1, degp)

    agg1 = _sc_agg_l1(h1s.reshape(NC * NPAD, HID2), src_l1, dst16)
    h2, h2s = _tc_layer(agg1, h1, dis, b1.reshape(1, HID1), W2)

    agg2 = _sc_agg_l2(h2s, src_l2, dst_l2)
    return _tc_final(agg2, h2, dis, b2.reshape(1, HID2), Wf,
                     bf.reshape(1, N_CLASSES))

# --- scband reference (transcript-rebuilt; emitter-appended) ---
"""Pipeline reference for scband-gesture-recognition-8452495638614 (READ-ONLY COPY).

The authoritative reference and input builder live on the scoring server;
editing this copy changes nothing except your own understanding.
"""

import jax, jax.numpy as jnp
import numpy as np

N_NODES = 10000
N_EDGES = 320000
IN_DIM = 128
HID1 = 128
HID2 = 64
N_CLASSES = 32


def gcn_conv(x, src, dst, W, b, n):
    # PyG GCNConv: linear first, then symmetric normalized aggregation, then bias
    h = x @ W
    deg = jnp.zeros((n,), dtype=x.dtype).at[dst].add(1.0)
    dis = jnp.where(deg > 0, deg ** -0.5, 0.0)
    norm = dis[src] * dis[dst]
    msg = h[src] * norm[:, None]
    out = jax.ops.segment_sum(msg, dst, num_segments=n)
    return out + b


def setup_inputs(seed: int = 0) -> dict:
    key = jax.random.key(seed)
    ks = jax.random.split(key, 9)
    x = jax.random.normal(ks[0], (N_NODES, IN_DIM), dtype=jnp.float32)
    edge_index = jax.random.randint(ks[1], (2, N_EDGES), 0, N_NODES, dtype=jnp.int64)
    W1 = jax.random.normal(ks[2], (IN_DIM, HID1), dtype=jnp.float32) * 0.05
    b1 = jnp.zeros((HID1,), dtype=jnp.float32)
    W2 = jax.random.normal(ks[3], (HID1, HID2), dtype=jnp.float32) * 0.05
    b2 = jnp.zeros((HID2,), dtype=jnp.float32)
    Wf = jax.random.normal(ks[4], (HID2, N_CLASSES), dtype=jnp.float32) * 0.05
    bf = jnp.zeros((N_CLASSES,), dtype=jnp.float32)
    return {"x": x, "edge_index": edge_index, "W1": W1, "b1": b1, "W2": W2, "b2": b2, "Wf": Wf, "bf": bf}


def reference(x, edge_index, W1, b1, W2, b2, Wf, bf):
    n = x.shape[0]
    # add self loops (PyG GCNConv default add_self_loops=True)
    loop = jnp.arange(n, dtype=edge_index.dtype)
    src = jnp.concatenate([edge_index[0], loop])
    dst = jnp.concatenate([edge_index[1], loop])
    out = gcn_conv(x, src, dst, W1, b1, n)
    out = jax.nn.relu(out)
    out = gcn_conv(out, src, dst, W2, b2, n)
    out = jax.nn.relu(out)
    out = out @ Wf + bf
    return out

if __name__ == "__main__":
    import jax
    _d = setup_inputs()
    print(jax.jit(kernel)(*tuple(_d.values())))

</pallas_src>

<mosaic_0001>
#map = affine_map<(d0, d1) -> (0, 0, 0)>
#map1 = affine_map<(d0, d1) -> (0, 0)>
module attributes {stable_mosaic.version = 14 : i64} {
  func.func @_sc_degree(%arg0: i32, %arg1: i32, %arg2: memref<32x80x128xi32, #tpu.memory_space<hbm>>, %arg3: memref<20224x16xf32, #tpu.memory_space<hbm>>, %arg4: memref<80x128xi32, #tpu.memory_space<vmem>>, %arg5: memref<128x16xf32, #tpu.memory_space<vmem>>, %arg6: memref<128x16xf32, #tpu.memory_space<vmem>>, %arg7: memref<10112x16xf32, #tpu.memory_space<vmem_shared>>) attributes {dimension_semantics = [#tpu.dimension_semantics<core_parallel>, #tpu.dimension_semantics<subcore_parallel>], iteration_bounds = array<i64: 2, 16>, scalar_prefetch = 0 : i64, scratch_operands = 4 : i64, tpu.core_type = #tpu.core_type<sc_vector_subcore>, window_params = [{transform_indices = #map}, {transform_indices = #map1}]} {
    %mul3A = arith.constant 16 : i32
    %mul3A_0 = arith.muli %arg0, %mul3A : i32
    %add3A = arith.addi %mul3A_0, %arg1 : i32
    %mul3A_1 = arith.constant 632 : i32
    %mul3A_2 = arith.muli %arg1, %mul3A_1 : i32
    "tpu.region"() ({
      %run_scoped3A = tpu.sem_alloc : memref<!tpu.dma_semaphore, #tpu.memory_space<semaphore_mem>>
      %dma_start3A = arith.constant 0 : i32
      %dma_start3A_26 = arith.constant 0 : i32
      %dma_start3A_27 = tpu.memref_slice %arg2[%add3A, %dma_start3A, %dma_start3A_26] : memref<32x80x128xi32, #tpu.memory_space<hbm>> -> memref<1x80x128xi32, #tpu.memory_space<hbm>>
      %dma_start3A_28 = tpu.memref_squeeze %dma_start3A_27 : memref<1x80x128xi32, #tpu.memory_space<hbm>> -> memref<80x128xi32, #tpu.memory_space<hbm>>
      %dma_start3A_29 = arith.constant 0 : i32
      %dma_start3A_30 = arith.constant 0 : i32
      %dma_start3A_31 = tpu.memref_slice %arg2[%add3A, %dma_start3A_29, %dma_start3A_30] : memref<32x80x128xi32, #tpu.memory_space<hbm>> -> memref<1x80x128xi32, #tpu.memory_space<hbm>>
      %dma_start3A_32 = tpu.memref_squeeze %dma_start3A_31 : memref<1x80x128xi32, #tpu.memory_space<hbm>> -> memref<80x128xi32, #tpu.memory_space<hbm>>
      tpu.enqueue_dma source(%dma_start3A_32 : memref<80x128xi32, #tpu.memory_space<hbm>>) target(%arg4 : memref<80x128xi32, #tpu.memory_space<vmem>>) target_semaphore(%run_scoped3A : memref<!tpu.dma_semaphore, #tpu.memory_space<semaphore_mem>>)
      %dma_wait3A = arith.constant 0 : i32
      %dma_wait3A_33 = arith.constant 0 : i32
      %dma_wait3A_34 = tpu.memref_slice %arg2[%add3A, %dma_wait3A, %dma_wait3A_33] : memref<32x80x128xi32, #tpu.memory_space<hbm>> -> memref<1x80x128xi32, #tpu.memory_space<hbm>>
      %dma_wait3A_35 = tpu.memref_squeeze %dma_wait3A_34 : memref<1x80x128xi32, #tpu.memory_space<hbm>> -> memref<80x128xi32, #tpu.memory_space<hbm>>
      %dma_wait3A_36 = arith.constant 0 : i32
      %dma_wait3A_37 = arith.constant 0 : i32
      %dma_wait3A_38 = tpu.memref_slice %arg2[%add3A, %dma_wait3A_36, %dma_wait3A_37] : memref<32x80x128xi32, #tpu.memory_space<hbm>> -> memref<1x80x128xi32, #tpu.memory_space<hbm>>
      %dma_wait3A_39 = tpu.memref_squeeze %dma_wait3A_38 : memref<1x80x128xi32, #tpu.memory_space<hbm>> -> memref<80x128xi32, #tpu.memory_space<hbm>>
      tpu.wait_dma2 semaphore(%run_scoped3A : memref<!tpu.dma_semaphore, #tpu.memory_space<semaphore_mem>>) src(%dma_wait3A_39 : memref<80x128xi32, #tpu.memory_space<hbm>>) dst(%arg4 : memref<80x128xi32, #tpu.memory_space<vmem>>)
      tpu.yield
    }) : () -> ()
    %scan3A = arith.constant 0 : i32
    %scan3A_3 = arith.constant 128 : i32
    %scan3A_4 = arith.addi %scan3A, %scan3A_3 : i32
    %scan3A_5 = arith.constant 1 : i32
    scf.for %scan3A_26 = %scan3A to %scan3A_4 step %scan3A_5  : i32 {
      %mul3A_27 = arith.constant 1 : i32
      %mul3A_28 = arith.muli %scan3A_26, %mul3A_27 : i32
      %add3A_29 = arith.constant 0 : i32
      %add3A_30 = arith.addi %add3A_29, %mul3A_28 : i32
      %broadcast_in_dim3A = arith.constant 1.000000e+00 : f32
      %broadcast_in_dim3A_31 = vector.broadcast %broadcast_in_dim3A : f32 to vector<16xf32>
      %swap3A = arith.index_cast %add3A_30 : i32 to index
      %swap3A_32 = arith.constant 0 : index
      %swap3A_33 = tpu.vector_load %arg5[%swap3A, %swap3A_32] {strides = array<i32>} : memref<128x16xf32, #tpu.memory_space<vmem>>, vector<1x16xf32>,
      %swap3A_34 = vector.shape_cast %swap3A_33 : vector<1x16xf32> to vector<16xf32>
      %swap3A_35 = vector.shape_cast %broadcast_in_dim3A_31 : vector<16xf32> to vector<1x16xf32>
      tpu.vector_store %arg5[%swap3A, %swap3A_32], %swap3A_35 {strides = array<i32>} : memref<128x16xf32, #tpu.memory_space<vmem>>, vector<1x16xf32>,
      %broadcast_in_dim3A_36 = arith.constant 0.000000e+00 : f32
      %broadcast_in_dim3A_37 = vector.broadcast %broadcast_in_dim3A_36 : f32 to vector<16xf32>
      %swap3A_38 = arith.index_cast %add3A_30 : i32 to index
      %swap3A_39 = arith.constant 0 : index
      %swap3A_40 = tpu.vector_load %arg6[%swap3A_38, %swap3A_39] {strides = array<i32>} : memref<128x16xf32, #tpu.memory_space<vmem>>, vector<1x16xf32>,
      %swap3A_41 = vector.shape_cast %swap3A_40 : vector<1x16xf32> to vector<16xf32>
      %swap3A_42 = vector.shape_cast %broadcast_in_dim3A_37 : vector<16xf32> to vector<1x16xf32>
      tpu.vector_store %arg6[%swap3A_38, %swap3A_39], %swap3A_42 {strides = array<i32>} : memref<128x16xf32, #tpu.memory_space<vmem>>, vector<1x16xf32>,
    }
    %scan3A_6 = arith.constant 128 : i32
    %add3A_7 = arith.constant 0 : i32
    %add3A_8 = arith.addi %mul3A_2, %add3A_7 : i32
    "tpu.region"() ({
      %run_scoped3A = tpu.sem_alloc : memref<!tpu.dma_semaphore, #tpu.memory_space<semaphore_mem>>
      %dma_start3A = arith.constant 0 : i32
      %dma_start3A_26 = tpu.memref_slice %arg7[%add3A_8, %dma_start3A] : memref<10112x16xf32, #tpu.memory_space<vmem_shared>> -> memref<128x16xf32, #tpu.memory_space<vmem_shared>>
      %dma_start3A_27 = arith.constant 0 : i32
      %dma_start3A_28 = tpu.memref_slice %arg7[%add3A_8, %dma_start3A_27] : memref<10112x16xf32, #tpu.memory_space<vmem_shared>> -> memref<128x16xf32, #tpu.memory_space<vmem_shared>>
      tpu.enqueue_dma source(%arg6 : memref<128x16xf32, #tpu.memory_space<vmem>>) target(%dma_start3A_28 : memref<128x16xf32, #tpu.memory_space<vmem_shared>>) target_semaphore(%run_scoped3A : memref<!tpu.dma_semaphore, #tpu.memory_space<semaphore_mem>>)
      %dma_wait3A = arith.constant 0 : i32
      %dma_wait3A_29 = tpu.memref_slice %arg7[%add3A_8, %dma_wait3A] : memref<10112x16xf32, #tpu.memory_space<vmem_shared>> -> memref<128x16xf32, #tpu.memory_space<vmem_shared>>
      %dma_wait3A_30 = arith.constant 0 : i32
      %dma_wait3A_31 = tpu.memref_slice %arg7[%add3A_8, %dma_wait3A_30] : memref<10112x16xf32, #tpu.memory_space<vmem_shared>> -> memref<128x16xf32, #tpu.memory_space<vmem_shared>>
      tpu.wait_dma2 semaphore(%run_scoped3A : memref<!tpu.dma_semaphore, #tpu.memory_space<semaphore_mem>>) src(%arg6 : memref<128x16xf32, #tpu.memory_space<vmem>>) dst(%dma_wait3A_31 : memref<128x16xf32, #tpu.memory_space<vmem_shared>>)
      tpu.yield
    }) : () -> ()
    %add3A_9 = arith.constant 128 : i32
    %add3A_10 = arith.addi %mul3A_2, %add3A_9 : i32
    "tpu.region"() ({
      %run_scoped3A = tpu.sem_alloc : memref<!tpu.dma_semaphore, #tpu.memory_space<semaphore_mem>>
      %dma_start3A = arith.constant 0 : i32
      %dma_start3A_26 = tpu.memref_slice %arg7[%add3A_10, %dma_start3A] : memref<10112x16xf32, #tpu.memory_space<vmem_shared>> -> memref<128x16xf32, #tpu.memory_space<vmem_shared>>
      %dma_start3A_27 = arith.constant 0 : i32
      %dma_start3A_28 = tpu.memref_slice %arg7[%add3A_10, %dma_start3A_27] : memref<10112x16xf32, #tpu.memory_space<vmem_shared>> -> memref<128x16xf32, #tpu.memory_space<vmem_shared>>
      tpu.enqueue_dma source(%arg6 : memref<128x16xf32, #tpu.memory_space<vmem>>) target(%dma_start3A_28 : memref<128x16xf32, #tpu.memory_space<vmem_shared>>) target_semaphore(%run_scoped3A : memref<!tpu.dma_semaphore, #tpu.memory_space<semaphore_mem>>)
      %dma_wait3A = arith.constant 0 : i32
      %dma_wait3A_29 = tpu.memref_slice %arg7[%add3A_10, %dma_wait3A] : memref<10112x16xf32, #tpu.memory_space<vmem_shared>> -> memref<128x16xf32, #tpu.memory_space<vmem_shared>>
      %dma_wait3A_30 = arith.constant 0 : i32
      %dma_wait3A_31 = tpu.memref_slice %arg7[%add3A_10, %dma_wait3A_30] : memref<10112x16xf32, #tpu.memory_space<vmem_shared>> -> memref<128x16xf32, #tpu.memory_space<vmem_shared>>
      tpu.wait_dma2 semaphore(%run_scoped3A : memref<!tpu.dma_semaphore, #tpu.memory_space<semaphore_mem>>) src(%arg6 : memref<128x16xf32, #tpu.memory_space<vmem>>) dst(%dma_wait3A_31 : memref<128x16xf32, #tpu.memory_space<vmem_shared>>)
      tpu.yield
    }) : () -> ()
    %add3A_11 = arith.constant 256 : i32
    %add3A_12 = arith.addi %mul3A_2, %add3A_11 : i32
    "tpu.region"() ({
      %run_scoped3A = tpu.sem_alloc : memref<!tpu.dma_semaphore, #tpu.memory_space<semaphore_mem>>
      %dma_start3A = arith.constant 0 : i32
      %dma_start3A_26 = tpu.memref_slice %arg7[%add3A_12, %dma_start3A] : memref<10112x16xf32, #tpu.memory_space<vmem_shared>> -> memref<128x16xf32, #tpu.memory_space<vmem_shared>>
      %dma_start3A_27 = arith.constant 0 : i32
      %dma_start3A_28 = tpu.memref_slice %arg7[%add3A_12, %dma_start3A_27] : memref<10112x16xf32, #tpu.memory_space<vmem_shared>> -> memref<128x16xf32, #tpu.memory_space<vmem_shared>>
      tpu.enqueue_dma source(%arg6 : memref<128x16xf32, #tpu.memory_space<vmem>>) target(%dma_start3A_28 : memref<128x16xf32, #tpu.memory_space<vmem_shared>>) target_semaphore(%run_scoped3A : memref<!tpu.dma_semaphore, #tpu.memory_space<semaphore_mem>>)
      %dma_wait3A = arith.constant 0 : i32
      %dma_wait3A_29 = tpu.memref_slice %arg7[%add3A_12, %dma_wait3A] : memref<10112x16xf32, #tpu.memory_space<vmem_shared>> -> memref<128x16xf32, #tpu.memory_space<vmem_shared>>
      %dma_wait3A_30 = arith.constant 0 : i32
      %dma_wait3A_31 = tpu.memref_slice %arg7[%add3A_12, %dma_wait3A_30] : memref<10112x16xf32, #tpu.memory_space<vmem_shared>> -> memref<128x16xf32, #tpu.memory_space<vmem_shared>>
      tpu.wait_dma2 semaphore(%run_scoped3A : memref<!tpu.dma_semaphore, #tpu.memory_space<semaphore_mem>>) src(%arg6 : memref<128x16xf32, #tpu.memory_space<vmem>>) dst(%dma_wait3A_31 : memref<128x16xf32, #tpu.memory_space<vmem_shared>>)
      tpu.yield
    }) : () -> ()
    %add3A_13 = arith.constant 384 : i32
    %add3A_14 = arith.addi %mul3A_2, %add3A_13 : i32
    "tpu.region"() ({
      %run_scoped3A = tpu.sem_alloc : memref<!tpu.dma_semaphore, #tpu.memory_space<semaphore_mem>>
      %dma_start3A = arith.constant 0 : i32
      %dma_start3A_26 = tpu.memref_slice %arg7[%add3A_14, %dma_start3A] : memref<10112x16xf32, #tpu.memory_space<vmem_shared>> -> memref<128x16xf32, #tpu.memory_space<vmem_shared>>
      %dma_start3A_27 = arith.constant 0 : i32
      %dma_start3A_28 = tpu.memref_slice %arg7[%add3A_14, %dma_start3A_27] : memref<10112x16xf32, #tpu.memory_space<vmem_shared>> -> memref<128x16xf32, #tpu.memory_space<vmem_shared>>
      tpu.enqueue_dma source(%arg6 : memref<128x16xf32, #tpu.memory_space<vmem>>) target(%dma_start3A_28 : memref<128x16xf32, #tpu.memory_space<vmem_shared>>) target_semaphore(%run_scoped3A : memref<!tpu.dma_semaphore, #tpu.memory_space<semaphore_mem>>)
      %dma_wait3A = arith.constant 0 : i32
      %dma_wait3A_29 = tpu.memref_slice %arg7[%add3A_14, %dma_wait3A] : memref<10112x16xf32, #tpu.memory_space<vmem_shared>> -> memref<128x16xf32, #tpu.memory_space<vmem_shared>>
      %dma_wait3A_30 = arith.constant 0 : i32
      %dma_wait3A_31 = tpu.memref_slice %arg7[%add3A_14, %dma_wait3A_30] : memref<10112x16xf32, #tpu.memory_space<vmem_shared>> -> memref<128x16xf32, #tpu.memory_space<vmem_shared>>
      tpu.wait_dma2 semaphore(%run_scoped3A : memref<!tpu.dma_semaphore, #tpu.memory_space<semaphore_mem>>) src(%arg6 : memref<128x16xf32, #tpu.memory_space<vmem>>) dst(%dma_wait3A_31 : memref<128x16xf32, #tpu.memory_space<vmem_shared>>)
      tpu.yield
    }) : () -> ()
    %add3A_15 = arith.constant 512 : i32
    %add3A_16 = arith.addi %mul3A_2, %add3A_15 : i32
    "tpu.region"() ({
      %run_scoped3A = tpu.sem_alloc : memref<!tpu.dma_semaphore, #tpu.memory_space<semaphore_mem>>
      %dma_start3A = arith.constant 0 : i32
      %dma_start3A_26 = arith.constant 0 : i32
      %dma_start3A_27 = tpu.memref_slice %arg6[%dma_start3A, %dma_start3A_26] : memref<128x16xf32, #tpu.memory_space<vmem>> -> memref<120x16xf32, #tpu.memory_space<vmem>>
      %dma_start3A_28 = arith.constant 0 : i32
      %dma_start3A_29 = tpu.memref_slice %arg7[%add3A_16, %dma_start3A_28] : memref<10112x16xf32, #tpu.memory_space<vmem_shared>> -> memref<120x16xf32, #tpu.memory_space<vmem_shared>>
      %dma_start3A_30 = arith.constant 0 : i32
      %dma_start3A_31 = tpu.memref_slice %arg7[%add3A_16, %dma_start3A_30] : memref<10112x16xf32, #tpu.memory_space<vmem_shared>> -> memref<120x16xf32, #tpu.memory_space<vmem_shared>>
      %dma_start3A_32 = arith.constant 0 : i32
      %dma_start3A_33 = arith.constant 0 : i32
      %dma_start3A_34 = tpu.memref_slice %arg6[%dma_start3A_32, %dma_start3A_33] : memref<128x16xf32, #tpu.memory_space<vmem>> -> memref<120x16xf32, #tpu.memory_space<vmem>>
      tpu.enqueue_dma source(%dma_start3A_34 : memref<120x16xf32, #tpu.memory_space<vmem>>) target(%dma_start3A_31 : memref<120x16xf32, #tpu.memory_space<vmem_shared>>) target_semaphore(%run_scoped3A : memref<!tpu.dma_semaphore, #tpu.memory_space<semaphore_mem>>)
      %dma_wait3A = arith.constant 0 : i32
      %dma_wait3A_35 = arith.constant 0 : i32
      %dma_wait3A_36 = tpu.memref_slice %arg6[%dma_wait3A, %dma_wait3A_35] : memref<128x16xf32, #tpu.memory_space<vmem>> -> memref<120x16xf32, #tpu.memory_space<vmem>>
      %dma_wait3A_37 = arith.constant 0 : i32
      %dma_wait3A_38 = tpu.memref_slice %arg7[%add3A_16, %dma_wait3A_37] : memref<10112x16xf32, #tpu.memory_space<vmem_shared>> -> memref<120x16xf32, #tpu.memory_space<vmem_shared>>
      %dma_wait3A_39 = arith.constant 0 : i32
      %dma_wait3A_40 = tpu.memref_slice %arg7[%add3A_16, %dma_wait3A_39] : memref<10112x16xf32, #tpu.memory_space<vmem_shared>> -> memref<120x16xf32, #tpu.memory_space<vmem_shared>>
      %dma_wait3A_41 = arith.constant 0 : i32
      %dma_wait3A_42 = arith.constant 0 : i32
      %dma_wait3A_43 = tpu.memref_slice %arg6[%dma_wait3A_41, %dma_wait3A_42] : memref<128x16xf32, #tpu.memory_space<vmem>> -> memref<120x16xf32, #tpu.memory_space<vmem>>
      tpu.wait_dma2 semaphore(%run_scoped3A : memref<!tpu.dma_semaphore, #tpu.memory_space<semaphore_mem>>) src(%dma_wait3A_43 : memref<120x16xf32, #tpu.memory_space<vmem>>) dst(%dma_wait3A_40 : memref<120x16xf32, #tpu.memory_space<vmem_shared>>)
      tpu.yield
    }) : () -> ()
    %barrier3A = arith.constant 0 : index
    tpu.barrier barrier_id(%barrier3A)
    %scan3A_17 = arith.constant 0 : i32
    %scan3A_18 = arith.constant 80 : i32
    %scan3A_19 = arith.addi %scan3A_17, %scan3A_18 : i32
    %scan3A_20 = arith.constant 1 : i32
    scf.for %scan3A_26 = %scan3A_17 to %scan3A_19 step %scan3A_20  : i32 {
      %mul3A_27 = arith.constant 1 : i32
      %mul3A_28 = arith.muli %scan3A_26, %mul3A_27 : i32
      %add3A_29 = arith.constant 0 : i32
      %add3A_30 = arith.addi %add3A_29, %mul3A_28 : i32
      "tpu.region"() ({
        %run_scoped3A = tpu.sem_alloc : memref<!tpu.dma_semaphore, #tpu.memory_space<semaphore_mem>>
        %dma_start3A = arith.constant 0 : i32
        %dma_start3A_31 = tpu.memref_slice %arg4[%add3A_30, %dma_start3A] : memref<80x128xi32, #tpu.memory_space<vmem>> -> memref<1x128xi32, #tpu.memory_space<vmem>>
        %dma_start3A_32 = tpu.memref_squeeze %dma_start3A_31 : memref<1x128xi32, #tpu.memory_space<vmem>> -> memref<128xi32, #tpu.memory_space<vmem>>
        %dma_start3A_33 = arith.constant 0 : i32
        %dma_start3A_34 = arith.constant 0 : i32
        %dma_start3A_35 = tpu.memref_slice %arg7[%dma_start3A_33, %dma_start3A_34] : memref<10112x16xf32, #tpu.memory_space<vmem_shared>> -> memref<10112x16xf32, #tpu.memory_space<vmem_shared>>
        tpu.enqueue_indirect_dma source(%arg5 : memref<128x16xf32, #tpu.memory_space<vmem>>) target(%dma_start3A_35 : memref<10112x16xf32, #tpu.memory_space<vmem_shared>>) offsets(%dma_start3A_32 : memref<128xi32, #tpu.memory_space<vmem>>) semaphore(%run_scoped3A : memref<!tpu.dma_semaphore, #tpu.memory_space<semaphore_mem>>) {add = true}
        %dma_wait3A = arith.constant 0 : i32
        %dma_wait3A_36 = tpu.memref_slice %arg4[%add3A_30, %dma_wait3A] : memref<80x128xi32, #tpu.memory_space<vmem>> -> memref<1x128xi32, #tpu.memory_space<vmem>>
        %dma_wait3A_37 = tpu.memref_squeeze %dma_wait3A_36 : memref<1x128xi32, #tpu.memory_space<vmem>> -> memref<128xi32, #tpu.memory_space<vmem>>
        %dma_wait3A_38 = arith.constant 0 : i32
        %dma_wait3A_39 = arith.constant 0 : i32
        %dma_wait3A_40 = tpu.memref_slice %arg7[%dma_wait3A_38, %dma_wait3A_39] : memref<10112x16xf32, #tpu.memory_space<vmem_shared>> -> memref<10112x16xf32, #tpu.memory_space<vmem_shared>>
        tpu.wait_indirect_dma semaphore(%run_scoped3A : memref<!tpu.dma_semaphore, #tpu.memory_space<semaphore_mem>>) src(%arg5 : memref<128x16xf32, #tpu.memory_space<vmem>>) dst(%dma_wait3A_40 : memref<10112x16xf32, #tpu.memory_space<vmem_shared>>)
        tpu.yield
      }) : () -> ()
    }
    %scan3A_21 = arith.constant 80 : i32
    %barrier3A_22 = arith.constant 0 : index
    tpu.barrier barrier_id(%barrier3A_22)
    %mul3A_23 = arith.constant 10112 : i32
    %mul3A_24 = arith.muli %arg0, %mul3A_23 : i32
    %add3A_25 = arith.addi %mul3A_24, %mul3A_2 : i32
    "tpu.region"() ({
      %run_scoped3A = tpu.sem_alloc : memref<!tpu.dma_semaphore, #tpu.memory_space<semaphore_mem>>
      %dma_start3A = arith.constant 0 : i32
      %dma_start3A_26 = tpu.memref_slice %arg3[%add3A_25, %dma_start3A] : memref<20224x16xf32, #tpu.memory_space<hbm>> -> memref<632x16xf32, #tpu.memory_space<hbm>>
      %dma_start3A_27 = arith.constant 0 : i32
      %dma_start3A_28 = tpu.memref_slice %arg7[%mul3A_2, %dma_start3A_27] : memref<10112x16xf32, #tpu.memory_space<vmem_shared>> -> memref<632x16xf32, #tpu.memory_space<vmem_shared>>
      tpu.enqueue_dma source(%dma_start3A_28 : memref<632x16xf32, #tpu.memory_space<vmem_shared>>) target(%dma_start3A_26 : memref<632x16xf32, #tpu.memory_space<hbm>>) target_semaphore(%run_scoped3A : memref<!tpu.dma_semaphore, #tpu.memory_space<semaphore_mem>>)
      %dma_wait3A = arith.constant 0 : i32
      %dma_wait3A_29 = tpu.memref_slice %arg3[%add3A_25, %dma_wait3A] : memref<20224x16xf32, #tpu.memory_space<hbm>> -> memref<632x16xf32, #tpu.memory_space<hbm>>
      %dma_wait3A_30 = arith.constant 0 : i32
      %dma_wait3A_31 = tpu.memref_slice %arg7[%mul3A_2, %dma_wait3A_30] : memref<10112x16xf32, #tpu.memory_space<vmem_shared>> -> memref<632x16xf32, #tpu.memory_space<vmem_shared>>
      tpu.wait_dma2 semaphore(%run_scoped3A : memref<!tpu.dma_semaphore, #tpu.memory_space<semaphore_mem>>) src(%dma_wait3A_31 : memref<632x16xf32, #tpu.memory_space<vmem_shared>>) dst(%dma_wait3A_29 : memref<632x16xf32, #tpu.memory_space<hbm>>)
      tpu.yield
    }) : () -> ()
    return
  }
}

#map = affine_map<(d0, d1) -> (0, 0)>
#map1 = affine_map<(d0, d1) -> (0, 0, 0)>
module attributes {stable_mosaic.version = 14 : i64} {
  func.func @_sc_aggregate(%arg0: i32, %arg1: i32, %arg2: memref<10112x64xf32, #tpu.memory_space<hbm>>, %arg3: memref<32x80x128xi32, #tpu.memory_space<hbm>>, %arg4: memref<32x80x128xi32, #tpu.memory_space<hbm>>, %arg5: memref<20224x64xf32, #tpu.memory_space<hbm>>, %arg6: memref<80x128xi32, #tpu.memory_space<vmem>>, %arg7: memref<80x128xi32, #tpu.memory_space<vmem>>, %arg8: memref<128x64xf32, #tpu.memory_space<vmem>>, %arg9: memref<128x64xf32, #tpu.memory_space<vmem>>, %arg10: memref<128x64xf32, #tpu.memory_space<vmem>>, %arg11: memref<128x64xf32, #tpu.memory_space<vmem>>, %arg12: memref<128x64xf32, #tpu.memory_space<vmem>>, %arg13: memref<!tpu.dma_semaphore, #tpu.memory_space<semaphore_mem>>, %arg14: memref<!tpu.dma_semaphore, #tpu.memory_space<semaphore_mem>>, %arg15: memref<!tpu.dma_semaphore, #tpu.memory_space<semaphore_mem>>, %arg16: memref<!tpu.dma_semaphore, #tpu.memory_space<semaphore_mem>>, %arg17: memref<!tpu.dma_semaphore, #tpu.memory_space<semaphore_mem>>, %arg18: memref<!tpu.dma_semaphore, #tpu.memory_space<semaphore_mem>>, %arg19: memref<!tpu.dma_semaphore, #tpu.memory_space<semaphore_mem>>, %arg20: memref<!tpu.dma_semaphore, #tpu.memory_space<semaphore_mem>>, %arg21: memref<10112x64xf32, #tpu.memory_space<vmem_shared>>) attributes {dimension_semantics = [#tpu.dimension_semantics<core_parallel>, #tpu.dimension_semantics<subcore_parallel>], iteration_bounds = array<i64: 2, 16>, scalar_prefetch = 0 : i64, scratch_operands = 16 : i64, tpu.core_type = #tpu.core_type<sc_vector_subcore>, window_params = [{transform_indices = #map}, {transform_indices = #map1}, {transform_indices = #map1}, {transform_indices = #map}]} {
    %mul3A = arith.constant 16 : i32
    %mul3A_0 = arith.muli %arg0, %mul3A : i32
    %add3A = arith.addi %mul3A_0, %arg1 : i32
    %mul3A_1 = arith.constant 632 : i32
    %mul3A_2 = arith.muli %arg1, %mul3A_1 : i32
    "tpu.region"() ({
      %run_scoped3A = tpu.sem_alloc : memref<!tpu.dma_semaphore, #tpu.memory_space<semaphore_mem>>
      %dma_start3A_136 = arith.constant 0 : i32
      %dma_start3A_137 = arith.constant 0 : i32
      %dma_start3A_138 = tpu.memref_slice %arg3[%add3A, %dma_start3A_136, %dma_start3A_137] : memref<32x80x128xi32, #tpu.memory_space<hbm>> -> memref<1x80x128xi32, #tpu.memory_space<hbm>>
      %dma_start3A_139 = tpu.memref_squeeze %dma_start3A_138 : memref<1x80x128xi32, #tpu.memory_space<hbm>> -> memref<80x128xi32, #tpu.memory_space<hbm>>
      %dma_start3A_140 = arith.constant 0 : i32
      %dma_start3A_141 = arith.constant 0 : i32
      %dma_start3A_142 = tpu.memref_slice %arg3[%add3A, %dma_start3A_140, %dma_start3A_141] : memref<32x80x128xi32, #tpu.memory_space<hbm>> -> memref<1x80x128xi32, #tpu.memory_space<hbm>>
      %dma_start3A_143 = tpu.memref_squeeze %dma_start3A_142 : memref<1x80x128xi32, #tpu.memory_space<hbm>> -> memref<80x128xi32, #tpu.memory_space<hbm>>
      tpu.enqueue_dma source(%dma_start3A_143 : memref<80x128xi32, #tpu.memory_space<hbm>>) target(%arg6 : memref<80x128xi32, #tpu.memory_space<vmem>>) target_semaphore(%run_scoped3A : memref<!tpu.dma_semaphore, #tpu.memory_space<semaphore_mem>>)
      %dma_wait3A_144 = arith.constant 0 : i32
      %dma_wait3A_145 = arith.constant 0 : i32
      %dma_wait3A_146 = tpu.memref_slice %arg3[%add3A, %dma_wait3A_144, %dma_wait3A_145] : memref<32x80x128xi32, #tpu.memory_space<hbm>> -> memref<1x80x128xi32, #tpu.memory_space<hbm>>
      %dma_wait3A_147 = tpu.memref_squeeze %dma_wait3A_146 : memref<1x80x128xi32, #tpu.memory_space<hbm>> -> memref<80x128xi32, #tpu.memory_space<hbm>>
      %dma_wait3A_148 = arith.constant 0 : i32
      %dma_wait3A_149 = arith.constant 0 : i32
      %dma_wait3A_150 = tpu.memref_slice %arg3[%add3A, %dma_wait3A_148, %dma_wait3A_149] : memref<32x80x128xi32, #tpu.memory_space<hbm>> -> memref<1x80x128xi32, #tpu.memory_space<hbm>>
      %dma_wait3A_151 = tpu.memref_squeeze %dma_wait3A_150 : memref<1x80x128xi32, #tpu.memory_space<hbm>> -> memref<80x128xi32, #tpu.memory_space<hbm>>
      tpu.wait_dma2 semaphore(%run_scoped3A : memref<!tpu.dma_semaphore, #tpu.memory_space<semaphore_mem>>) src(%dma_wait3A_151 : memref<80x128xi32, #tpu.memory_space<hbm>>) dst(%arg6 : memref<80x128xi32, #tpu.memory_space<vmem>>)
      tpu.yield
    }) : () -> ()
    "tpu.region"() ({
      %run_scoped3A = tpu.sem_alloc : memref<!tpu.dma_semaphore, #tpu.memory_space<semaphore_mem>>
      %dma_start3A_136 = arith.constant 0 : i32
      %dma_start3A_137 = arith.constant 0 : i32
      %dma_start3A_138 = tpu.memref_slice %arg4[%add3A, %dma_start3A_136, %dma_start3A_137] : memref<32x80x128xi32, #tpu.memory_space<hbm>> -> memref<1x80x128xi32, #tpu.memory_space<hbm>>
      %dma_start3A_139 = tpu.memref_squeeze %dma_start3A_138 : memref<1x80x128xi32, #tpu.memory_space<hbm>> -> memref<80x128xi32, #tpu.memory_space<hbm>>
      %dma_start3A_140 = arith.constant 0 : i32
      %dma_start3A_141 = arith.constant 0 : i32
      %dma_start3A_142 = tpu.memref_slice %arg4[%add3A, %dma_start3A_140, %dma_start3A_141] : memref<32x80x128xi32, #tpu.memory_space<hbm>> -> memref<1x80x128xi32, #tpu.memory_space<hbm>>
      %dma_start3A_143 = tpu.memref_squeeze %dma_start3A_142 : memref<1x80x128xi32, #tpu.memory_space<hbm>> -> memref<80x128xi32, #tpu.memory_space<hbm>>
      tpu.enqueue_dma source(%dma_start3A_143 : memref<80x128xi32, #tpu.memory_space<hbm>>) target(%arg7 : memref<80x128xi32, #tpu.memory_space<vmem>>) target_semaphore(%run_scoped3A : memref<!tpu.dma_semaphore, #tpu.memory_space<semaphore_mem>>)
      %dma_wait3A_144 = arith.constant 0 : i32
      %dma_wait3A_145 = arith.constant 0 : i32
      %dma_wait3A_146 = tpu.memref_slice %arg4[%add3A, %dma_wait3A_144, %dma_wait3A_145] : memref<32x80x128xi32, #tpu.memory_space<hbm>> -> memref<1x80x128xi32, #tpu.memory_space<hbm>>
      %dma_wait3A_147 = tpu.memref_squeeze %dma_wait3A_146 : memref<1x80x128xi32, #tpu.memory_space<hbm>> -> memref<80x128xi32, #tpu.memory_space<hbm>>
      %dma_wait3A_148 = arith.constant 0 : i32
      %dma_wait3A_149 = arith.constant 0 : i32
      %dma_wait3A_150 = tpu.memref_slice %arg4[%add3A, %dma_wait3A_148, %dma_wait3A_149] : memref<32x80x128xi32, #tpu.memory_space<hbm>> -> memref<1x80x128xi32, #tpu.memory_space<hbm>>
      %dma_wait3A_151 = tpu.memref_squeeze %dma_wait3A_150 : memref<1x80x128xi32, #tpu.memory_space<hbm>> -> memref<80x128xi32, #tpu.memory_space<hbm>>
      tpu.wait_dma2 semaphore(%run_scoped3A : memref<!tpu.dma_semaphore, #tpu.memory_space<semaphore_mem>>) src(%dma_wait3A_151 : memref<80x128xi32, #tpu.memory_space<hbm>>) dst(%arg7 : memref<80x128xi32, #tpu.memory_space<vmem>>)
      tpu.yield
    }) : () -> ()
    %dma_start3A = arith.constant 0 : i32
    %dma_start3A_3 = arith.constant 0 : i32
    %dma_start3A_4 = tpu.memref_slice %arg6[%dma_start3A, %dma_start3A_3] : memref<80x128xi32, #tpu.memory_space<vmem>> -> memref<1x128xi32, #tpu.memory_space<vmem>>
    %dma_start3A_5 = tpu.memref_squeeze %dma_start3A_4 : memref<1x128xi32, #tpu.memory_space<vmem>> -> memref<128xi32, #tpu.memory_space<vmem>>
    %dma_start3A_6 = arith.constant 0 : i32
    %dma_start3A_7 = arith.constant 0 : i32
    %dma_start3A_8 = tpu.memref_slice %arg2[%dma_start3A_6, %dma_start3A_7] : memref<10112x64xf32, #tpu.memory_space<hbm>> -> memref<10112x64xf32, #tpu.memory_space<hbm>>
    tpu.enqueue_indirect_dma source(%dma_start3A_8 : memref<10112x64xf32, #tpu.memory_space<hbm>>) target(%arg8 : memref<128x64xf32, #tpu.memory_space<vmem>>) offsets(%dma_start3A_5 : memref<128xi32, #tpu.memory_space<vmem>>) semaphore(%arg13 : memref<!tpu.dma_semaphore, #tpu.memory_space<semaphore_mem>>)
    %dma_start3A_9 = arith.constant 1 : i32
    %dma_start3A_10 = arith.constant 0 : i32
    %dma_start3A_11 = tpu.memref_slice %arg6[%dma_start3A_9, %dma_start3A_10] : memref<80x128xi32, #tpu.memory_space<vmem>> -> memref<1x128xi32, #tpu.memory_space<vmem>>
    %dma_start3A_12 = tpu.memref_squeeze %dma_start3A_11 : memref<1x128xi32, #tpu.memory_space<vmem>> -> memref<128xi32, #tpu.memory_space<vmem>>
    %dma_start3A_13 = arith.constant 0 : i32
    %dma_start3A_14 = arith.constant 0 : i32
    %dma_start3A_15 = tpu.memref_slice %arg2[%dma_start3A_13, %dma_start3A_14] : memref<10112x64xf32, #tpu.memory_space<hbm>> -> memref<10112x64xf32, #tpu.memory_space<hbm>>
    tpu.enqueue_indirect_dma source(%dma_start3A_15 : memref<10112x64xf32, #tpu.memory_space<hbm>>) target(%arg9 : memref<128x64xf32, #tpu.memory_space<vmem>>) offsets(%dma_start3A_12 : memref<128xi32, #tpu.memory_space<vmem>>) semaphore(%arg14 : memref<!tpu.dma_semaphore, #tpu.memory_space<semaphore_mem>>)
    %dma_start3A_16 = arith.constant 2 : i32
    %dma_start3A_17 = arith.constant 0 : i32
    %dma_start3A_18 = tpu.memref_slice %arg6[%dma_start3A_16, %dma_start3A_17] : memref<80x128xi32, #tpu.memory_space<vmem>> -> memref<1x128xi32, #tpu.memory_space<vmem>>
    %dma_start3A_19 = tpu.memref_squeeze %dma_start3A_18 : memref<1x128xi32, #tpu.memory_space<vmem>> -> memref<128xi32, #tpu.memory_space<vmem>>
    %dma_start3A_20 = arith.constant 0 : i32
    %dma_start3A_21 = arith.constant 0 : i32
    %dma_start3A_22 = tpu.memref_slice %arg2[%dma_start3A_20, %dma_start3A_21] : memref<10112x64xf32, #tpu.memory_space<hbm>> -> memref<10112x64xf32, #tpu.memory_space<hbm>>
    tpu.enqueue_indirect_dma source(%dma_start3A_22 : memref<10112x64xf32, #tpu.memory_space<hbm>>) target(%arg10 : memref<128x64xf32, #tpu.memory_space<vmem>>) offsets(%dma_start3A_19 : memref<128xi32, #tpu.memory_space<vmem>>) semaphore(%arg15 : memref<!tpu.dma_semaphore, #tpu.memory_space<semaphore_mem>>)
    %dma_start3A_23 = arith.constant 3 : i32
    %dma_start3A_24 = arith.constant 0 : i32
    %dma_start3A_25 = tpu.memref_slice %arg6[%dma_start3A_23, %dma_start3A_24] : memref<80x128xi32, #tpu.memory_space<vmem>> -> memref<1x128xi32, #tpu.memory_space<vmem>>
    %dma_start3A_26 = tpu.memref_squeeze %dma_start3A_25 : memref<1x128xi32, #tpu.memory_space<vmem>> -> memref<128xi32, #tpu.memory_space<vmem>>
    %dma_start3A_27 = arith.constant 0 : i32
    %dma_start3A_28 = arith.constant 0 : i32
    %dma_start3A_29 = tpu.memref_slice %arg2[%dma_start3A_27, %dma_start3A_28] : memref<10112x64xf32, #tpu.memory_space<hbm>> -> memref<10112x64xf32, #tpu.memory_space<hbm>>
    tpu.enqueue_indirect_dma source(%dma_start3A_29 : memref<10112x64xf32, #tpu.memory_space<hbm>>) target(%arg11 : memref<128x64xf32, #tpu.memory_space<vmem>>) offsets(%dma_start3A_26 : memref<128xi32, #tpu.memory_space<vmem>>) semaphore(%arg16 : memref<!tpu.dma_semaphore, #tpu.memory_space<semaphore_mem>>)
    %scan3A = arith.constant 0 : i32
    %scan3A_30 = arith.constant 128 : i32
    %scan3A_31 = arith.addi %scan3A, %scan3A_30 : i32
    %scan3A_32 = arith.constant 1 : i32
    scf.for %scan3A_136 = %scan3A to %scan3A_31 step %scan3A_32  : i32 {
      %mul3A_137 = arith.constant 1 : i32
      %mul3A_138 = arith.muli %scan3A_136, %mul3A_137 : i32
      %add3A_139 = arith.constant 0 : i32
      %add3A_140 = arith.addi %add3A_139, %mul3A_138 : i32
      %broadcast_in_dim3A = arith.constant 0.000000e+00 : f32
      %broadcast_in_dim3A_141 = vector.broadcast %broadcast_in_dim3A : f32 to vector<16xf32>
      %swap3A = arith.index_cast %add3A_140 : i32 to index
      %swap3A_142 = arith.constant 0 : index
      %swap3A_143 = tpu.vector_load %arg12[%swap3A, %swap3A_142] {strides = array<i32>} : memref<128x64xf32, #tpu.memory_space<vmem>>, vector<1x16xf32>,
      %swap3A_144 = vector.shape_cast %swap3A_143 : vector<1x16xf32> to vector<16xf32>
      %swap3A_145 = vector.shape_cast %broadcast_in_dim3A_141 : vector<16xf32> to vector<1x16xf32>
      tpu.vector_store %arg12[%swap3A, %swap3A_142], %swap3A_145 {strides = array<i32>} : memref<128x64xf32, #tpu.memory_space<vmem>>, vector<1x16xf32>,
      %broadcast_in_dim3A_146 = arith.constant 0.000000e+00 : f32
      %broadcast_in_dim3A_147 = vector.broadcast %broadcast_in_dim3A_146 : f32 to vector<16xf32>
      %swap3A_148 = arith.index_cast %add3A_140 : i32 to index
      %swap3A_149 = arith.constant 16 : index
      %swap3A_150 = tpu.vector_load %arg12[%swap3A_148, %swap3A_149] {strides = array<i32>} : memref<128x64xf32, #tpu.memory_space<vmem>>, vector<1x16xf32>,
      %swap3A_151 = vector.shape_cast %swap3A_150 : vector<1x16xf32> to vector<16xf32>
      %swap3A_152 = vector.shape_cast %broadcast_in_dim3A_147 : vector<16xf32> to vector<1x16xf32>
      tpu.vector_store %arg12[%swap3A_148, %swap3A_149], %swap3A_152 {strides = array<i32>} : memref<128x64xf32, #tpu.memory_space<vmem>>, vector<1x16xf32>,
      %broadcast_in_dim3A_153 = arith.constant 0.000000e+00 : f32
      %broadcast_in_dim3A_154 = vector.broadcast %broadcast_in_dim3A_153 : f32 to vector<16xf32>
      %swap3A_155 = arith.index_cast %add3A_140 : i32 to index
      %swap3A_156 = arith.constant 32 : index
      %swap3A_157 = tpu.vector_load %arg12[%swap3A_155, %swap3A_156] {strides = array<i32>} : memref<128x64xf32, #tpu.memory_space<vmem>>, vector<1x16xf32>,
      %swap3A_158 = vector.shape_cast %swap3A_157 : vector<1x16xf32> to vector<16xf32>
      %swap3A_159 = vector.shape_cast %broadcast_in_dim3A_154 : vector<16xf32> to vector<1x16xf32>
      tpu.vector_store %arg12[%swap3A_155, %swap3A_156], %swap3A_159 {strides = array<i32>} : memref<128x64xf32, #tpu.memory_space<vmem>>, vector<1x16xf32>,
      %broadcast_in_dim3A_160 = arith.constant 0.000000e+00 : f32
      %broadcast_in_dim3A_161 = vector.broadcast %broadcast_in_dim3A_160 : f32 to vector<16xf32>
      %swap3A_162 = arith.index_cast %add3A_140 : i32 to index
      %swap3A_163 = arith.constant 48 : index
      %swap3A_164 = tpu.vector_load %arg12[%swap3A_162, %swap3A_163] {strides = array<i32>} : memref<128x64xf32, #tpu.memory_space<vmem>>, vector<1x16xf32>,
      %swap3A_165 = vector.shape_cast %swap3A_164 : vector<1x16xf32> to vector<16xf32>
      %swap3A_166 = vector.shape_cast %broadcast_in_dim3A_161 : vector<16xf32> to vector<1x16xf32>
      tpu.vector_store %arg12[%swap3A_162, %swap3A_163], %swap3A_166 {strides = array<i32>} : memref<128x64xf32, #tpu.memory_space<vmem>>, vector<1x16xf32>,
    }
    %scan3A_33 = arith.constant 128 : i32
    %add3A_34 = arith.constant 0 : i32
    %add3A_35 = arith.addi %mul3A_2, %add3A_34 : i32
    "tpu.region"() ({
      %run_scoped3A = tpu.sem_alloc : memref<!tpu.dma_semaphore, #tpu.memory_space<semaphore_mem>>
      %dma_start3A_136 = arith.constant 0 : i32
      %dma_start3A_137 = tpu.memref_slice %arg21[%add3A_35, %dma_start3A_136] : memref<10112x64xf32, #tpu.memory_space<vmem_shared>> -> memref<128x64xf32, #tpu.memory_space<vmem_shared>>
      %dma_start3A_138 = arith.constant 0 : i32
      %dma_start3A_139 = tpu.memref_slice %arg21[%add3A_35, %dma_start3A_138] : memref<10112x64xf32, #tpu.memory_space<vmem_shared>> -> memref<128x64xf32, #tpu.memory_space<vmem_shared>>
      tpu.enqueue_dma source(%arg12 : memref<128x64xf32, #tpu.memory_space<vmem>>) target(%dma_start3A_139 : memref<128x64xf32, #tpu.memory_space<vmem_shared>>) target_semaphore(%run_scoped3A : memref<!tpu.dma_semaphore, #tpu.memory_space<semaphore_mem>>)
      %dma_wait3A_140 = arith.constant 0 : i32
      %dma_wait3A_141 = tpu.memref_slice %arg21[%add3A_35, %dma_wait3A_140] : memref<10112x64xf32, #tpu.memory_space<vmem_shared>> -> memref<128x64xf32, #tpu.memory_space<vmem_shared>>
      %dma_wait3A_142 = arith.constant 0 : i32
      %dma_wait3A_143 = tpu.memref_slice %arg21[%add3A_35, %dma_wait3A_142] : memref<10112x64xf32, #tpu.memory_space<vmem_shared>> -> memref<128x64xf32, #tpu.memory_space<vmem_shared>>
      tpu.wait_dma2 semaphore(%run_scoped3A : memref<!tpu.dma_semaphore, #tpu.memory_space<semaphore_mem>>) src(%arg12 : memref<128x64xf32, #tpu.memory_space<vmem>>) dst(%dma_wait3A_143 : memref<128x64xf32, #tpu.memory_space<vmem_shared>>)
      tpu.yield
    }) : () -> ()
    %add3A_36 = arith.constant 128 : i32
    %add3A_37 = arith.addi %mul3A_2, %add3A_36 : i32
    "tpu.region"() ({
      %run_scoped3A = tpu.sem_alloc : memref<!tpu.dma_semaphore, #tpu.memory_space<semaphore_mem>>
      %dma_start3A_136 = arith.constant 0 : i32
      %dma_start3A_137 = tpu.memref_slice %arg21[%add3A_37, %dma_start3A_136] : memref<10112x64xf32, #tpu.memory_space<vmem_shared>> -> memref<128x64xf32, #tpu.memory_space<vmem_shared>>
      %dma_start3A_138 = arith.constant 0 : i32
      %dma_start3A_139 = tpu.memref_slice %arg21[%add3A_37, %dma_start3A_138] : memref<10112x64xf32, #tpu.memory_space<vmem_shared>> -> memref<128x64xf32, #tpu.memory_space<vmem_shared>>
      tpu.enqueue_dma source(%arg12 : memref<128x64xf32, #tpu.memory_space<vmem>>) target(%dma_start3A_139 : memref<128x64xf32, #tpu.memory_space<vmem_shared>>) target_semaphore(%run_scoped3A : memref<!tpu.dma_semaphore, #tpu.memory_space<semaphore_mem>>)
      %dma_wait3A_140 = arith.constant 0 : i32
      %dma_wait3A_141 = tpu.memref_slice %arg21[%add3A_37, %dma_wait3A_140] : memref<10112x64xf32, #tpu.memory_space<vmem_shared>> -> memref<128x64xf32, #tpu.memory_space<vmem_shared>>
      %dma_wait3A_142 = arith.constant 0 : i32
      %dma_wait3A_143 = tpu.memref_slice %arg21[%add3A_37, %dma_wait3A_142] : memref<10112x64xf32, #tpu.memory_space<vmem_shared>> -> memref<128x64xf32, #tpu.memory_space<vmem_shared>>
      tpu.wait_dma2 semaphore(%run_scoped3A : memref<!tpu.dma_semaphore, #tpu.memory_space<semaphore_mem>>) src(%arg12 : memref<128x64xf32, #tpu.memory_space<vmem>>) dst(%dma_wait3A_143 : memref<128x64xf32, #tpu.memory_space<vmem_shared>>)
      tpu.yield
    }) : () -> ()
    %add3A_38 = arith.constant 256 : i32
    %add3A_39 = arith.addi %mul3A_2, %add3A_38 : i32
    "tpu.region"() ({
      %run_scoped3A = tpu.sem_alloc : memref<!tpu.dma_semaphore, #tpu.memory_space<semaphore_mem>>
      %dma_start3A_136 = arith.constant 0 : i32
      %dma_start3A_137 = tpu.memref_slice %arg21[%add3A_39, %dma_start3A_136] : memref<10112x64xf32, #tpu.memory_space<vmem_shared>> -> memref<128x64xf32, #tpu.memory_space<vmem_shared>>
      %dma_start3A_138 = arith.constant 0 : i32
      %dma_start3A_139 = tpu.memref_slice %arg21[%add3A_39, %dma_start3A_138] : memref<10112x64xf32, #tpu.memory_space<vmem_shared>> -> memref<128x64xf32, #tpu.memory_space<vmem_shared>>
      tpu.enqueue_dma source(%arg12 : memref<128x64xf32, #tpu.memory_space<vmem>>) target(%dma_start3A_139 : memref<128x64xf32, #tpu.memory_space<vmem_shared>>) target_semaphore(%run_scoped3A : memref<!tpu.dma_semaphore, #tpu.memory_space<semaphore_mem>>)
      %dma_wait3A_140 = arith.constant 0 : i32
      %dma_wait3A_141 = tpu.memref_slice %arg21[%add3A_39, %dma_wait3A_140] : memref<10112x64xf32, #tpu.memory_space<vmem_shared>> -> memref<128x64xf32, #tpu.memory_space<vmem_shared>>
      %dma_wait3A_142 = arith.constant 0 : i32
      %dma_wait3A_143 = tpu.memref_slice %arg21[%add3A_39, %dma_wait3A_142] : memref<10112x64xf32, #tpu.memory_space<vmem_shared>> -> memref<128x64xf32, #tpu.memory_space<vmem_shared>>
      tpu.wait_dma2 semaphore(%run_scoped3A : memref<!tpu.dma_semaphore, #tpu.memory_space<semaphore_mem>>) src(%arg12 : memref<128x64xf32, #tpu.memory_space<vmem>>) dst(%dma_wait3A_143 : memref<128x64xf32, #tpu.memory_space<vmem_shared>>)
      tpu.yield
    }) : () -> ()
    %add3A_40 = arith.constant 384 : i32
    %add3A_41 = arith.addi %mul3A_2, %add3A_40 : i32
    "tpu.region"() ({
      %run_scoped3A = tpu.sem_alloc : memref<!tpu.dma_semaphore, #tpu.memory_space<semaphore_mem>>
      %dma_start3A_136 = arith.constant 0 : i32
      %dma_start3A_137 = tpu.memref_slice %arg21[%add3A_41, %dma_start3A_136] : memref<10112x64xf32, #tpu.memory_space<vmem_shared>> -> memref<128x64xf32, #tpu.memory_space<vmem_shared>>
      %dma_start3A_138 = arith.constant 0 : i32
      %dma_start3A_139 = tpu.memref_slice %arg21[%add3A_41, %dma_start3A_138] : memref<10112x64xf32, #tpu.memory_space<vmem_shared>> -> memref<128x64xf32, #tpu.memory_space<vmem_shared>>
      tpu.enqueue_dma source(%arg12 : memref<128x64xf32, #tpu.memory_space<vmem>>) target(%dma_start3A_139 : memref<128x64xf32, #tpu.memory_space<vmem_shared>>) target_semaphore(%run_scoped3A : memref<!tpu.dma_semaphore, #tpu.memory_space<semaphore_mem>>)
      %dma_wait3A_140 = arith.constant 0 : i32
      %dma_wait3A_141 = tpu.memref_slice %arg21[%add3A_41, %dma_wait3A_140] : memref<10112x64xf32, #tpu.memory_space<vmem_shared>> -> memref<128x64xf32, #tpu.memory_space<vmem_shared>>
      %dma_wait3A_142 = arith.constant 0 : i32
      %dma_wait3A_143 = tpu.memref_slice %arg21[%add3A_41, %dma_wait3A_142] : memref<10112x64xf32, #tpu.memory_space<vmem_shared>> -> memref<128x64xf32, #tpu.memory_space<vmem_shared>>
      tpu.wait_dma2 semaphore(%run_scoped3A : memref<!tpu.dma_semaphore, #tpu.memory_space<semaphore_mem>>) src(%arg12 : memref<128x64xf32, #tpu.memory_space<vmem>>) dst(%dma_wait3A_143 : memref<128x64xf32, #tpu.memory_space<vmem_shared>>)
      tpu.yield
    }) : () -> ()
    %add3A_42 = arith.constant 512 : i32
    %add3A_43 = arith.addi %mul3A_2, %add3A_42 : i32
    "tpu.region"() ({
      %run_scoped3A = tpu.sem_alloc : memref<!tpu.dma_semaphore, #tpu.memory_space<semaphore_mem>>
      %dma_start3A_136 = arith.constant 0 : i32
      %dma_start3A_137 = arith.constant 0 : i32
      %dma_start3A_138 = tpu.memref_slice %arg12[%dma_start3A_136, %dma_start3A_137] : memref<128x64xf32, #tpu.memory_space<vmem>> -> memref<120x64xf32, #tpu.memory_space<vmem>>
      %dma_start3A_139 = arith.constant 0 : i32
      %dma_start3A_140 = tpu.memref_slice %arg21[%add3A_43, %dma_start3A_139] : memref<10112x64xf32, #tpu.memory_space<vmem_shared>> -> memref<120x64xf32, #tpu.memory_space<vmem_shared>>
      %dma_start3A_141 = arith.constant 0 : i32
      %dma_start3A_142 = tpu.memref_slice %arg21[%add3A_43, %dma_start3A_141] : memref<10112x64xf32, #tpu.memory_space<vmem_shared>> -> memref<120x64xf32, #tpu.memory_space<vmem_shared>>
      %dma_start3A_143 = arith.constant 0 : i32
      %dma_start3A_144 = arith.constant 0 : i32
      %dma_start3A_145 = tpu.memref_slice %arg12[%dma_start3A_143, %dma_start3A_144] : memref<128x64xf32, #tpu.memory_space<vmem>> -> memref<120x64xf32, #tpu.memory_space<vmem>>
      tpu.enqueue_dma source(%dma_start3A_145 : memref<120x64xf32, #tpu.memory_space<vmem>>) target(%dma_start3A_142 : memref<120x64xf32, #tpu.memory_space<vmem_shared>>) target_semaphore(%run_scoped3A : memref<!tpu.dma_semaphore, #tpu.memory_space<semaphore_mem>>)
      %dma_wait3A_146 = arith.constant 0 : i32
      %dma_wait3A_147 = arith.constant 0 : i32
      %dma_wait3A_148 = tpu.memref_slice %arg12[%dma_wait3A_146, %dma_wait3A_147] : memref<128x64xf32, #tpu.memory_space<vmem>> -> memref<120x64xf32, #tpu.memory_space<vmem>>
      %dma_wait3A_149 = arith.constant 0 : i32
      %dma_wait3A_150 = tpu.memref_slice %arg21[%add3A_43, %dma_wait3A_149] : memref<10112x64xf32, #tpu.memory_space<vmem_shared>> -> memref<120x64xf32, #tpu.memory_space<vmem_shared>>
      %dma_wait3A_151 = arith.constant 0 : i32
      %dma_wait3A_152 = tpu.memref_slice %arg21[%add3A_43, %dma_wait3A_151] : memref<10112x64xf32, #tpu.memory_space<vmem_shared>> -> memref<120x64xf32, #tpu.memory_space<vmem_shared>>
      %dma_wait3A_153 = arith.constant 0 : i32
      %dma_wait3A_154 = arith.constant 0 : i32
      %dma_wait3A_155 = tpu.memref_slice %arg12[%dma_wait3A_153, %dma_wait3A_154] : memref<128x64xf32, #tpu.memory_space<vmem>> -> memref<120x64xf32, #tpu.memory_space<vmem>>
      tpu.wait_dma2 semaphore(%run_scoped3A : memref<!tpu.dma_semaphore, #tpu.memory_space<semaphore_mem>>) src(%dma_wait3A_155 : memref<120x64xf32, #tpu.memory_space<vmem>>) dst(%dma_wait3A_152 : memref<120x64xf32, #tpu.memory_space<vmem_shared>>)
      tpu.yield
    }) : () -> ()
    %barrier3A = arith.constant 0 : index
    tpu.barrier barrier_id(%barrier3A)
    %scan3A_44 = arith.constant 0 : i32
    %scan3A_45 = arith.constant 19 : i32
    %scan3A_46 = arith.addi %scan3A_44, %scan3A_45 : i32
    %scan3A_47 = arith.constant 1 : i32
    scf.for %scan3A_136 = %scan3A_44 to %scan3A_46 step %scan3A_47  : i32 {
      %mul3A_137 = arith.constant 4 : i32
      %mul3A_138 = arith.muli %scan3A_136, %mul3A_137 : i32
      %add3A_139 = arith.constant 0 : i32
      %add3A_140 = arith.addi %add3A_139, %mul3A_138 : i32
      %add3A_141 = arith.constant 0 : i32
      %add3A_142 = arith.addi %add3A_140, %add3A_141 : i32
      %dma_wait3A_143 = arith.constant 0 : i32
      %dma_wait3A_144 = tpu.memref_slice %arg6[%add3A_142, %dma_wait3A_143] : memref<80x128xi32, #tpu.memory_space<vmem>> -> memref<1x128xi32, #tpu.memory_space<vmem>>
      %dma_wait3A_145 = tpu.memref_squeeze %dma_wait3A_144 : memref<1x128xi32, #tpu.memory_space<vmem>> -> memref<128xi32, #tpu.memory_space<vmem>>
      %dma_wait3A_146 = arith.constant 0 : i32
      %dma_wait3A_147 = arith.constant 0 : i32
      %dma_wait3A_148 = tpu.memref_slice %arg2[%dma_wait3A_146, %dma_wait3A_147] : memref<10112x64xf32, #tpu.memory_space<hbm>> -> memref<10112x64xf32, #tpu.memory_space<hbm>>
      tpu.wait_indirect_dma semaphore(%arg13 : memref<!tpu.dma_semaphore, #tpu.memory_space<semaphore_mem>>) src(%dma_wait3A_148 : memref<10112x64xf32, #tpu.memory_space<hbm>>) dst(%arg8 : memref<128x64xf32, #tpu.memory_space<vmem>>)
      %add3A_149 = arith.constant 0 : i32
      %add3A_150 = arith.addi %add3A_140, %add3A_149 : i32
      %dma_start3A_151 = arith.constant 0 : i32
      %dma_start3A_152 = tpu.memref_slice %arg7[%add3A_150, %dma_start3A_151] : memref<80x128xi32, #tpu.memory_space<vmem>> -> memref<1x128xi32, #tpu.memory_space<vmem>>
      %dma_start3A_153 = tpu.memref_squeeze %dma_start3A_152 : memref<1x128xi32, #tpu.memory_space<vmem>> -> memref<128xi32, #tpu.memory_space<vmem>>
      %dma_start3A_154 = arith.constant 0 : i32
      %dma_start3A_155 = arith.constant 0 : i32
      %dma_start3A_156 = tpu.memref_slice %arg21[%dma_start3A_154, %dma_start3A_155] : memref<10112x64xf32, #tpu.memory_space<vmem_shared>> -> memref<10112x64xf32, #tpu.memory_space<vmem_shared>>
      tpu.enqueue_indirect_dma source(%arg8 : memref<128x64xf32, #tpu.memory_space<vmem>>) target(%dma_start3A_156 : memref<10112x64xf32, #tpu.memory_space<vmem_shared>>) offsets(%dma_start3A_153 : memref<128xi32, #tpu.memory_space<vmem>>) semaphore(%arg17 : memref<!tpu.dma_semaphore, #tpu.memory_space<semaphore_mem>>) {add = true}
      %add3A_157 = arith.constant 1 : i32
      %add3A_158 = arith.addi %add3A_140, %add3A_157 : i32
      %dma_wait3A_159 = arith.constant 0 : i32
      %dma_wait3A_160 = tpu.memref_slice %arg6[%add3A_158, %dma_wait3A_159] : memref<80x128xi32, #tpu.memory_space<vmem>> -> memref<1x128xi32, #tpu.memory_space<vmem>>
      %dma_wait3A_161 = tpu.memref_squeeze %dma_wait3A_160 : memref<1x128xi32, #tpu.memory_space<vmem>> -> memref<128xi32, #tpu.memory_space<vmem>>
      %dma_wait3A_162 = arith.constant 0 : i32
      %dma_wait3A_163 = arith.constant 0 : i32
      %dma_wait3A_164 = tpu.memref_slice %arg2[%dma_wait3A_162, %dma_wait3A_163] : memref<10112x64xf32, #tpu.memory_space<hbm>> -> memref<10112x64xf32, #tpu.memory_space<hbm>>
      tpu.wait_indirect_dma semaphore(%arg14 : memref<!tpu.dma_semaphore, #tpu.memory_space<semaphore_mem>>) src(%dma_wait3A_164 : memref<10112x64xf32, #tpu.memory_space<hbm>>) dst(%arg9 : memref<128x64xf32, #tpu.memory_space<vmem>>)
      %add3A_165 = arith.constant 1 : i32
      %add3A_166 = arith.addi %add3A_140, %add3A_165 : i32
      %dma_start3A_167 = arith.constant 0 : i32
      %dma_start3A_168 = tpu.memref_slice %arg7[%add3A_166, %dma_start3A_167] : memref<80x128xi32, #tpu.memory_space<vmem>> -> memref<1x128xi32, #tpu.memory_space<vmem>>
      %dma_start3A_169 = tpu.memref_squeeze %dma_start3A_168 : memref<1x128xi32, #tpu.memory_space<vmem>> -> memref<128xi32, #tpu.memory_space<vmem>>
      %dma_start3A_170 = arith.constant 0 : i32
      %dma_start3A_171 = arith.constant 0 : i32
      %dma_start3A_172 = tpu.memref_slice %arg21[%dma_start3A_170, %dma_start3A_171] : memref<10112x64xf32, #tpu.memory_space<vmem_shared>> -> memref<10112x64xf32, #tpu.memory_space<vmem_shared>>
      tpu.enqueue_indirect_dma source(%arg9 : memref<128x64xf32, #tpu.memory_space<vmem>>) target(%dma_start3A_172 : memref<10112x64xf32, #tpu.memory_space<vmem_shared>>) offsets(%dma_start3A_169 : memref<128xi32, #tpu.memory_space<vmem>>) semaphore(%arg18 : memref<!tpu.dma_semaphore, #tpu.memory_space<semaphore_mem>>) {add = true}
      %add3A_173 = arith.constant 2 : i32
      %add3A_174 = arith.addi %add3A_140, %add3A_173 : i32
      %dma_wait3A_175 = arith.constant 0 : i32
      %dma_wait3A_176 = tpu.memref_slice %arg6[%add3A_174, %dma_wait3A_175] : memref<80x128xi32, #tpu.memory_space<vmem>> -> memref<1x128xi32, #tpu.memory_space<vmem>>
      %dma_wait3A_177 = tpu.memref_squeeze %dma_wait3A_176 : memref<1x128xi32, #tpu.memory_space<vmem>> -> memref<128xi32, #tpu.memory_space<vmem>>
      %dma_wait3A_178 = arith.constant 0 : i32
      %dma_wait3A_179 = arith.constant 0 : i32
      %dma_wait3A_180 = tpu.memref_slice %arg2[%dma_wait3A_178, %dma_wait3A_179] : memref<10112x64xf32, #tpu.memory_space<hbm>> -> memref<10112x64xf32, #tpu.memory_space<hbm>>
      tpu.wait_indirect_dma semaphore(%arg15 : memref<!tpu.dma_semaphore, #tpu.memory_space<semaphore_mem>>) src(%dma_wait3A_180 : memref<10112x64xf32, #tpu.memory_space<hbm>>) dst(%arg10 : memref<128x64xf32, #tpu.memory_space<vmem>>)
      %add3A_181 = arith.constant 2 : i32
      %add3A_182 = arith.addi %add3A_140, %add3A_181 : i32
      %dma_start3A_183 = arith.constant 0 : i32
      %dma_start3A_184 = tpu.memref_slice %arg7[%add3A_182, %dma_start3A_183] : memref<80x128xi32, #tpu.memory_space<vmem>> -> memref<1x128xi32, #tpu.memory_space<vmem>>
      %dma_start3A_185 = tpu.memref_squeeze %dma_start3A_184 : memref<1x128xi32, #tpu.memory_space<vmem>> -> memref<128xi32, #tpu.memory_space<vmem>>
      %dma_start3A_186 = arith.constant 0 : i32
      %dma_start3A_187 = arith.constant 0 : i32
      %dma_start3A_188 = tpu.memref_slice %arg21[%dma_start3A_186, %dma_start3A_187] : memref<10112x64xf32, #tpu.memory_space<vmem_shared>> -> memref<10112x64xf32, #tpu.memory_space<vmem_shared>>
      tpu.enqueue_indirect_dma source(%arg10 : memref<128x64xf32, #tpu.memory_space<vmem>>) target(%dma_start3A_188 : memref<10112x64xf32, #tpu.memory_space<vmem_shared>>) offsets(%dma_start3A_185 : memref<128xi32, #tpu.memory_space<vmem>>) semaphore(%arg19 : memref<!tpu.dma_semaphore, #tpu.memory_space<semaphore_mem>>) {add = true}
      %add3A_189 = arith.constant 3 : i32
      %add3A_190 = arith.addi %add3A_140, %add3A_189 : i32
      %dma_wait3A_191 = arith.constant 0 : i32
      %dma_wait3A_192 = tpu.memref_slice %arg6[%add3A_190, %dma_wait3A_191] : memref<80x128xi32, #tpu.memory_space<vmem>> -> memref<1x128xi32, #tpu.memory_space<vmem>>
      %dma_wait3A_193 = tpu.memref_squeeze %dma_wait3A_192 : memref<1x128xi32, #tpu.memory_space<vmem>> -> memref<128xi32, #tpu.memory_space<vmem>>
      %dma_wait3A_194 = arith.constant 0 : i32
      %dma_wait3A_195 = arith.constant 0 : i32
      %dma_wait3A_196 = tpu.memref_slice %arg2[%dma_wait3A_194, %dma_wait3A_195] : memref<10112x64xf32, #tpu.memory_space<hbm>> -> memref<10112x64xf32, #tpu.memory_space<hbm>>
      tpu.wait_indirect_dma semaphore(%arg16 : memref<!tpu.dma_semaphore, #tpu.memory_space<semaphore_mem>>) src(%dma_wait3A_196 : memref<10112x64xf32, #tpu.memory_space<hbm>>) dst(%arg11 : memref<128x64xf32, #tpu.memory_space<vmem>>)
      %add3A_197 = arith.constant 3 : i32
      %add3A_198 = arith.addi %add3A_140, %add3A_197 : i32
      %dma_start3A_199 = arith.constant 0 : i32
      %dma_start3A_200 = tpu.memref_slice %arg7[%add3A_198, %dma_start3A_199] : memref<80x128xi32, #tpu.memory_space<vmem>> -> memref<1x128xi32, #tpu.memory_space<vmem>>
      %dma_start3A_201 = tpu.memref_squeeze %dma_start3A_200 : memref<1x128xi32, #tpu.memory_space<vmem>> -> memref<128xi32, #tpu.memory_space<vmem>>
      %dma_start3A_202 = arith.constant 0 : i32
      %dma_start3A_203 = arith.constant 0 : i32
      %dma_start3A_204 = tpu.memref_slice %arg21[%dma_start3A_202, %dma_start3A_203] : memref<10112x64xf32, #tpu.memory_space<vmem_shared>> -> memref<10112x64xf32, #tpu.memory_space<vmem_shared>>
      tpu.enqueue_indirect_dma source(%arg11 : memref<128x64xf32, #tpu.memory_space<vmem>>) target(%dma_start3A_204 : memref<10112x64xf32, #tpu.memory_space<vmem_shared>>) offsets(%dma_start3A_201 : memref<128xi32, #tpu.memory_space<vmem>>) semaphore(%arg20 : memref<!tpu.dma_semaphore, #tpu.memory_space<semaphore_mem>>) {add = true}
      %add3A_205 = arith.constant 0 : i32
      %add3A_206 = arith.addi %add3A_140, %add3A_205 : i32
      %dma_wait3A_207 = arith.constant 0 : i32
      %dma_wait3A_208 = tpu.memref_slice %arg7[%add3A_206, %dma_wait3A_207] : memref<80x128xi32, #tpu.memory_space<vmem>> -> memref<1x128xi32, #tpu.memory_space<vmem>>
      %dma_wait3A_209 = tpu.memref_squeeze %dma_wait3A_208 : memref<1x128xi32, #tpu.memory_space<vmem>> -> memref<128xi32, #tpu.memory_space<vmem>>
      %dma_wait3A_210 = arith.constant 0 : i32
      %dma_wait3A_211 = arith.constant 0 : i32
      %dma_wait3A_212 = tpu.memref_slice %arg21[%dma_wait3A_210, %dma_wait3A_211] : memref<10112x64xf32, #tpu.memory_space<vmem_shared>> -> memref<10112x64xf32, #tpu.memory_space<vmem_shared>>
      tpu.wait_indirect_dma semaphore(%arg17 : memref<!tpu.dma_semaphore, #tpu.memory_space<semaphore_mem>>) src(%arg8 : memref<128x64xf32, #tpu.memory_space<vmem>>) dst(%dma_wait3A_212 : memref<10112x64xf32, #tpu.memory_space<vmem_shared>>)
      %add3A_213 = arith.constant 0 : i32
      %add3A_214 = arith.addi %add3A_140, %add3A_213 : i32
      %add3A_215 = arith.constant 4 : i32
      %add3A_216 = arith.addi %add3A_214, %add3A_215 : i32
      %dma_start3A_217 = arith.constant 0 : i32
      %dma_start3A_218 = tpu.memref_slice %arg6[%add3A_216, %dma_start3A_217] : memref<80x128xi32, #tpu.memory_space<vmem>> -> memref<1x128xi32, #tpu.memory_space<vmem>>
      %dma_start3A_219 = tpu.memref_squeeze %dma_start3A_218 : memref<1x128xi32, #tpu.memory_space<vmem>> -> memref<128xi32, #tpu.memory_space<vmem>>
      %dma_start3A_220 = arith.constant 0 : i32
      %dma_start3A_221 = arith.constant 0 : i32
      %dma_start3A_222 = tpu.memref_slice %arg2[%dma_start3A_220, %dma_start3A_221] : memref<10112x64xf32, #tpu.memory_space<hbm>> -> memref<10112x64xf32, #tpu.memory_space<hbm>>
      tpu.enqueue_indirect_dma source(%dma_start3A_222 : memref<10112x64xf32, #tpu.memory_space<hbm>>) target(%arg8 : memref<128x64xf32, #tpu.memory_space<vmem>>) offsets(%dma_start3A_219 : memref<128xi32, #tpu.memory_space<vmem>>) semaphore(%arg13 : memref<!tpu.dma_semaphore, #tpu.memory_space<semaphore_mem>>)
      %add3A_223 = arith.constant 1 : i32
      %add3A_224 = arith.addi %add3A_140, %add3A_223 : i32
      %dma_wait3A_225 = arith.constant 0 : i32
      %dma_wait3A_226 = tpu.memref_slice %arg7[%add3A_224, %dma_wait3A_225] : memref<80x128xi32, #tpu.memory_space<vmem>> -> memref<1x128xi32, #tpu.memory_space<vmem>>
      %dma_wait3A_227 = tpu.memref_squeeze %dma_wait3A_226 : memref<1x128xi32, #tpu.memory_space<vmem>> -> memref<128xi32, #tpu.memory_space<vmem>>
      %dma_wait3A_228 = arith.constant 0 : i32
      %dma_wait3A_229 = arith.constant 0 : i32
      %dma_wait3A_230 = tpu.memref_slice %arg21[%dma_wait3A_228, %dma_wait3A_229] : memref<10112x64xf32, #tpu.memory_space<vmem_shared>> -> memref<10112x64xf32, #tpu.memory_space<vmem_shared>>
      tpu.wait_indirect_dma semaphore(%arg18 : memref<!tpu.dma_semaphore, #tpu.memory_space<semaphore_mem>>) src(%arg9 : memref<128x64xf32, #tpu.memory_space<vmem>>) dst(%dma_wait3A_230 : memref<10112x64xf32, #tpu.memory_space<vmem_shared>>)
      %add3A_231 = arith.constant 1 : i32
      %add3A_232 = arith.addi %add3A_140, %add3A_231 : i32
      %add3A_233 = arith.constant 4 : i32
      %add3A_234 = arith.addi %add3A_232, %add3A_233 : i32
      %dma_start3A_235 = arith.constant 0 : i32
      %dma_start3A_236 = tpu.memref_slice %arg6[%add3A_234, %dma_start3A_235] : memref<80x128xi32, #tpu.memory_space<vmem>> -> memref<1x128xi32, #tpu.memory_space<vmem>>
      %dma_start3A_237 = tpu.memref_squeeze %dma_start3A_236 : memref<1x128xi32, #tpu.memory_space<vmem>> -> memref<128xi32, #tpu.memory_space<vmem>>
      %dma_start3A_238 = arith.constant 0 : i32
      %dma_start3A_239 = arith.constant 0 : i32
      %dma_start3A_240 = tpu.memref_slice %arg2[%dma_start3A_238, %dma_start3A_239] : memref<10112x64xf32, #tpu.memory_space<hbm>> -> memref<10112x64xf32, #tpu.memory_space<hbm>>
      tpu.enqueue_indirect_dma source(%dma_start3A_240 : memref<10112x64xf32, #tpu.memory_space<hbm>>) target(%arg9 : memref<128x64xf32, #tpu.memory_space<vmem>>) offsets(%dma_start3A_237 : memref<128xi32, #tpu.memory_space<vmem>>) semaphore(%arg14 : memref<!tpu.dma_semaphore, #tpu.memory_space<semaphore_mem>>)
      %add3A_241 = arith.constant 2 : i32
      %add3A_242 = arith.addi %add3A_140, %add3A_241 : i32
      %dma_wait3A_243 = arith.constant 0 : i32
      %dma_wait3A_244 = tpu.memref_slice %arg7[%add3A_242, %dma_wait3A_243] : memref<80x128xi32, #tpu.memory_space<vmem>> -> memref<1x128xi32, #tpu.memory_space<vmem>>
      %dma_wait3A_245 = tpu.memref_squeeze %dma_wait3A_244 : memref<1x128xi32, #tpu.memory_space<vmem>> -> memref<128xi32, #tpu.memory_space<vmem>>
      %dma_wait3A_246 = arith.constant 0 : i32
      %dma_wait3A_247 = arith.constant 0 : i32
      %dma_wait3A_248 = tpu.memref_slice %arg21[%dma_wait3A_246, %dma_wait3A_247] : memref<10112x64xf32, #tpu.memory_space<vmem_shared>> -> memref<10112x64xf32, #tpu.memory_space<vmem_shared>>
      tpu.wait_indirect_dma semaphore(%arg19 : memref<!tpu.dma_semaphore, #tpu.memory_space<semaphore_mem>>) src(%arg10 : memref<128x64xf32, #tpu.memory_space<vmem>>) dst(%dma_wait3A_248 : memref<10112x64xf32, #tpu.memory_space<vmem_shared>>)
      %add3A_249 = arith.constant 2 : i32
      %add3A_250 = arith.addi %add3A_140, %add3A_249 : i32
      %add3A_251 = arith.constant 4 : i32
      %add3A_252 = arith.addi %add3A_250, %add3A_251 : i32
      %dma_start3A_253 = arith.constant 0 : i32
      %dma_start3A_254 = tpu.memref_slice %arg6[%add3A_252, %dma_start3A_253] : memref<80x128xi32, #tpu.memory_space<vmem>> -> memref<1x128xi32, #tpu.memory_space<vmem>>
      %dma_start3A_255 = tpu.memref_squeeze %dma_start3A_254 : memref<1x128xi32, #tpu.memory_space<vmem>> -> memref<128xi32, #tpu.memory_space<vmem>>
      %dma_start3A_256 = arith.constant 0 : i32
      %dma_start3A_257 = arith.constant 0 : i32
      %dma_start3A_258 = tpu.memref_slice %arg2[%dma_start3A_256, %dma_start3A_257] : memref<10112x64xf32, #tpu.memory_space<hbm>> -> memref<10112x64xf32, #tpu.memory_space<hbm>>
      tpu.enqueue_indirect_dma source(%dma_start3A_258 : memref<10112x64xf32, #tpu.memory_space<hbm>>) target(%arg10 : memref<128x64xf32, #tpu.memory_space<vmem>>) offsets(%dma_start3A_255 : memref<128xi32, #tpu.memory_space<vmem>>) semaphore(%arg15 : memref<!tpu.dma_semaphore, #tpu.memory_space<semaphore_mem>>)
      %add3A_259 = arith.constant 3 : i32
      %add3A_260 = arith.addi %add3A_140, %add3A_259 : i32
      %dma_wait3A_261 = arith.constant 0 : i32
      %dma_wait3A_262 = tpu.memref_slice %arg7[%add3A_260, %dma_wait3A_261] : memref<80x128xi32, #tpu.memory_space<vmem>> -> memref<1x128xi32, #tpu.memory_space<vmem>>
      %dma_wait3A_263 = tpu.memref_squeeze %dma_wait3A_262 : memref<1x128xi32, #tpu.memory_space<vmem>> -> memref<128xi32, #tpu.memory_space<vmem>>
      %dma_wait3A_264 = arith.constant 0 : i32
      %dma_wait3A_265 = arith.constant 0 : i32
      %dma_wait3A_266 = tpu.memref_slice %arg21[%dma_wait3A_264, %dma_wait3A_265] : memref<10112x64xf32, #tpu.memory_space<vmem_shared>> -> memref<10112x64xf32, #tpu.memory_space<vmem_shared>>
      tpu.wait_indirect_dma semaphore(%arg20 : memref<!tpu.dma_semaphore, #tpu.memory_space<semaphore_mem>>) src(%arg11 : memref<128x64xf32, #tpu.memory_space<vmem>>) dst(%dma_wait3A_266 : memref<10112x64xf32, #tpu.memory_space<vmem_shared>>)
      %add3A_267 = arith.constant 3 : i32
      %add3A_268 = arith.addi %add3A_140, %add3A_267 : i32
      %add3A_269 = arith.constant 4 : i32
      %add3A_270 = arith.addi %add3A_268, %add3A_269 : i32
      %dma_start3A_271 = arith.constant 0 : i32
      %dma_start3A_272 = tpu.memref_slice %arg6[%add3A_270, %dma_start3A_271] : memref<80x128xi32, #tpu.memory_space<vmem>> -> memref<1x128xi32, #tpu.memory_space<vmem>>
      %dma_start3A_273 = tpu.memref_squeeze %dma_start3A_272 : memref<1x128xi32, #tpu.memory_space<vmem>> -> memref<128xi32, #tpu.memory_space<vmem>>
      %dma_start3A_274 = arith.constant 0 : i32
      %dma_start3A_275 = arith.constant 0 : i32
      %dma_start3A_276 = tpu.memref_slice %arg2[%dma_start3A_274, %dma_start3A_275] : memref<10112x64xf32, #tpu.memory_space<hbm>> -> memref<10112x64xf32, #tpu.memory_space<hbm>>
      tpu.enqueue_indirect_dma source(%dma_start3A_276 : memref<10112x64xf32, #tpu.memory_space<hbm>>) target(%arg11 : memref<128x64xf32, #tpu.memory_space<vmem>>) offsets(%dma_start3A_273 : memref<128xi32, #tpu.memory_space<vmem>>) semaphore(%arg16 : memref<!tpu.dma_semaphore, #tpu.memory_space<semaphore_mem>>)
    }
    %scan3A_48 = arith.constant 19 : i32
    %dma_wait3A = arith.constant 76 : i32
    %dma_wait3A_49 = arith.constant 0 : i32
    %dma_wait3A_50 = tpu.memref_slice %arg6[%dma_wait3A, %dma_wait3A_49] : memref<80x128xi32, #tpu.memory_space<vmem>> -> memref<1x128xi32, #tpu.memory_space<vmem>>
    %dma_wait3A_51 = tpu.memref_squeeze %dma_wait3A_50 : memref<1x128xi32, #tpu.memory_space<vmem>> -> memref<128xi32, #tpu.memory_space<vmem>>
    %dma_wait3A_52 = arith.constant 0 : i32
    %dma_wait3A_53 = arith.constant 0 : i32
    %dma_wait3A_54 = tpu.memref_slice %arg2[%dma_wait3A_52, %dma_wait3A_53] : memref<10112x64xf32, #tpu.memory_space<hbm>> -> memref<10112x64xf32, #tpu.memory_space<hbm>>
    tpu.wait_indirect_dma semaphore(%arg13 : memref<!tpu.dma_semaphore, #tpu.memory_space<semaphore_mem>>) src(%dma_wait3A_54 : memref<10112x64xf32, #tpu.memory_space<hbm>>) dst(%arg8 : memref<128x64xf32, #tpu.memory_space<vmem>>)
    %dma_start3A_55 = arith.constant 76 : i32
    %dma_start3A_56 = arith.constant 0 : i32
    %dma_start3A_57 = tpu.memref_slice %arg7[%dma_start3A_55, %dma_start3A_56] : memref<80x128xi32, #tpu.memory_space<vmem>> -> memref<1x128xi32, #tpu.memory_space<vmem>>
    %dma_start3A_58 = tpu.memref_squeeze %dma_start3A_57 : memref<1x128xi32, #tpu.memory_space<vmem>> -> memref<128xi32, #tpu.memory_space<vmem>>
    %dma_start3A_59 = arith.constant 0 : i32
    %dma_start3A_60 = arith.constant 0 : i32
    %dma_start3A_61 = tpu.memref_slice %arg21[%dma_start3A_59, %dma_start3A_60] : memref<10112x64xf32, #tpu.memory_space<vmem_shared>> -> memref<10112x64xf32, #tpu.memory_space<vmem_shared>>
    tpu.enqueue_indirect_dma source(%arg8 : memref<128x64xf32, #tpu.memory_space<vmem>>) target(%dma_start3A_61 : memref<10112x64xf32, #tpu.memory_space<vmem_shared>>) offsets(%dma_start3A_58 : memref<128xi32, #tpu.memory_space<vmem>>) semaphore(%arg17 : memref<!tpu.dma_semaphore, #tpu.memory_space<semaphore_mem>>) {add = true}
    %dma_wait3A_62 = arith.constant 77 : i32
    %dma_wait3A_63 = arith.constant 0 : i32
    %dma_wait3A_64 = tpu.memref_slice %arg6[%dma_wait3A_62, %dma_wait3A_63] : memref<80x128xi32, #tpu.memory_space<vmem>> -> memref<1x128xi32, #tpu.memory_space<vmem>>
    %dma_wait3A_65 = tpu.memref_squeeze %dma_wait3A_64 : memref<1x128xi32, #tpu.memory_space<vmem>> -> memref<128xi32, #tpu.memory_space<vmem>>
    %dma_wait3A_66 = arith.constant 0 : i32
    %dma_wait3A_67 = arith.constant 0 : i32
    %dma_wait3A_68 = tpu.memref_slice %arg2[%dma_wait3A_66, %dma_wait3A_67] : memref<10112x64xf32, #tpu.memory_space<hbm>> -> memref<10112x64xf32, #tpu.memory_space<hbm>>
    tpu.wait_indirect_dma semaphore(%arg14 : memref<!tpu.dma_semaphore, #tpu.memory_space<semaphore_mem>>) src(%dma_wait3A_68 : memref<10112x64xf32, #tpu.memory_space<hbm>>) dst(%arg9 : memref<128x64xf32, #tpu.memory_space<vmem>>)
    %dma_start3A_69 = arith.constant 77 : i32
    %dma_start3A_70 = arith.constant 0 : i32
    %dma_start3A_71 = tpu.memref_slice %arg7[%dma_start3A_69, %dma_start3A_70] : memref<80x128xi32, #tpu.memory_space<vmem>> -> memref<1x128xi32, #tpu.memory_space<vmem>>
    %dma_start3A_72 = tpu.memref_squeeze %dma_start3A_71 : memref<1x128xi32, #tpu.memory_space<vmem>> -> memref<128xi32, #tpu.memory_space<vmem>>
    %dma_start3A_73 = arith.constant 0 : i32
    %dma_start3A_74 = arith.constant 0 : i32
    %dma_start3A_75 = tpu.memref_slice %arg21[%dma_start3A_73, %dma_start3A_74] : memref<10112x64xf32, #tpu.memory_space<vmem_shared>> -> memref<10112x64xf32, #tpu.memory_space<vmem_shared>>
    tpu.enqueue_indirect_dma source(%arg9 : memref<128x64xf32, #tpu.memory_space<vmem>>) target(%dma_start3A_75 : memref<10112x64xf32, #tpu.memory_space<vmem_shared>>) offsets(%dma_start3A_72 : memref<128xi32, #tpu.memory_space<vmem>>) semaphore(%arg18 : memref<!tpu.dma_semaphore, #tpu.memory_space<semaphore_mem>>) {add = true}
    %dma_wait3A_76 = arith.constant 78 : i32
    %dma_wait3A_77 = arith.constant 0 : i32
    %dma_wait3A_78 = tpu.memref_slice %arg6[%dma_wait3A_76, %dma_wait3A_77] : memref<80x128xi32, #tpu.memory_space<vmem>> -> memref<1x128xi32, #tpu.memory_space<vmem>>
    %dma_wait3A_79 = tpu.memref_squeeze %dma_wait3A_78 : memref<1x128xi32, #tpu.memory_space<vmem>> -> memref<128xi32, #tpu.memory_space<vmem>>
    %dma_wait3A_80 = arith.constant 0 : i32
    %dma_wait3A_81 = arith.constant 0 : i32
    %dma_wait3A_82 = tpu.memref_slice %arg2[%dma_wait3A_80, %dma_wait3A_81] : memref<10112x64xf32, #tpu.memory_space<hbm>> -> memref<10112x64xf32, #tpu.memory_space<hbm>>
    tpu.wait_indirect_dma semaphore(%arg15 : memref<!tpu.dma_semaphore, #tpu.memory_space<semaphore_mem>>) src(%dma_wait3A_82 : memref<10112x64xf32, #tpu.memory_space<hbm>>) dst(%arg10 : memref<128x64xf32, #tpu.memory_space<vmem>>)
    %dma_start3A_83 = arith.constant 78 : i32
    %dma_start3A_84 = arith.constant 0 : i32
    %dma_start3A_85 = tpu.memref_slice %arg7[%dma_start3A_83, %dma_start3A_84] : memref<80x128xi32, #tpu.memory_space<vmem>> -> memref<1x128xi32, #tpu.memory_space<vmem>>
    %dma_start3A_86 = tpu.memref_squeeze %dma_start3A_85 : memref<1x128xi32, #tpu.memory_space<vmem>> -> memref<128xi32, #tpu.memory_space<vmem>>
    %dma_start3A_87 = arith.constant 0 : i32
    %dma_start3A_88 = arith.constant 0 : i32
    %dma_start3A_89 = tpu.memref_slice %arg21[%dma_start3A_87, %dma_start3A_88] : memref<10112x64xf32, #tpu.memory_space<vmem_shared>> -> memref<10112x64xf32, #tpu.memory_space<vmem_shared>>
    tpu.enqueue_indirect_dma source(%arg10 : memref<128x64xf32, #tpu.memory_space<vmem>>) target(%dma_start3A_89 : memref<10112x64xf32, #tpu.memory_space<vmem_shared>>) offsets(%dma_start3A_86 : memref<128xi32, #tpu.memory_space<vmem>>) semaphore(%arg19 : memref<!tpu.dma_semaphore, #tpu.memory_space<semaphore_mem>>) {add = true}
    %dma_wait3A_90 = arith.constant 79 : i32
    %dma_wait3A_91 = arith.constant 0 : i32
    %dma_wait3A_92 = tpu.memref_slice %arg6[%dma_wait3A_90, %dma_wait3A_91] : memref<80x128xi32, #tpu.memory_space<vmem>> -> memref<1x128xi32, #tpu.memory_space<vmem>>
    %dma_wait3A_93 = tpu.memref_squeeze %dma_wait3A_92 : memref<1x128xi32, #tpu.memory_space<vmem>> -> memref<128xi32, #tpu.memory_space<vmem>>
    %dma_wait3A_94 = arith.constant 0 : i32
    %dma_wait3A_95 = arith.constant 0 : i32
    %dma_wait3A_96 = tpu.memref_slice %arg2[%dma_wait3A_94, %dma_wait3A_95] : memref<10112x64xf32, #tpu.memory_space<hbm>> -> memref<10112x64xf32, #tpu.memory_space<hbm>>
    tpu.wait_indirect_dma semaphore(%arg16 : memref<!tpu.dma_semaphore, #tpu.memory_space<semaphore_mem>>) src(%dma_wait3A_96 : memref<10112x64xf32, #tpu.memory_space<hbm>>) dst(%arg11 : memref<128x64xf32, #tpu.memory_space<vmem>>)
    %dma_start3A_97 = arith.constant 79 : i32
    %dma_start3A_98 = arith.constant 0 : i32
    %dma_start3A_99 = tpu.memref_slice %arg7[%dma_start3A_97, %dma_start3A_98] : memref<80x128xi32, #tpu.memory_space<vmem>> -> memref<1x128xi32, #tpu.memory_space<vmem>>
    %dma_start3A_100 = tpu.memref_squeeze %dma_start3A_99 : memref<1x128xi32, #tpu.memory_space<vmem>> -> memref<128xi32, #tpu.memory_space<vmem>>
    %dma_start3A_101 = arith.constant 0 : i32
    %dma_start3A_102 = arith.constant 0 : i32
    %dma_start3A_103 = tpu.memref_slice %arg21[%dma_start3A_101, %dma_start3A_102] : memref<10112x64xf32, #tpu.memory_space<vmem_shared>> -> memref<10112x64xf32, #tpu.memory_space<vmem_shared>>
    tpu.enqueue_indirect_dma source(%arg11 : memref<128x64xf32, #tpu.memory_space<vmem>>) target(%dma_start3A_103 : memref<10112x64xf32, #tpu.memory_space<vmem_shared>>) offsets(%dma_start3A_100 : memref<128xi32, #tpu.memory_space<vmem>>) semaphore(%arg20 : memref<!tpu.dma_semaphore, #tpu.memory_space<semaphore_mem>>) {add = true}
    %dma_wait3A_104 = arith.constant 76 : i32
    %dma_wait3A_105 = arith.constant 0 : i32
    %dma_wait3A_106 = tpu.memref_slice %arg7[%dma_wait3A_104, %dma_wait3A_105] : memref<80x128xi32, #tpu.memory_space<vmem>> -> memref<1x128xi32, #tpu.memory_space<vmem>>
    %dma_wait3A_107 = tpu.memref_squeeze %dma_wait3A_106 : memref<1x128xi32, #tpu.memory_space<vmem>> -> memref<128xi32, #tpu.memory_space<vmem>>
    %dma_wait3A_108 = arith.constant 0 : i32
    %dma_wait3A_109 = arith.constant 0 : i32
    %dma_wait3A_110 = tpu.memref_slice %arg21[%dma_wait3A_108, %dma_wait3A_109] : memref<10112x64xf32, #tpu.memory_space<vmem_shared>> -> memref<10112x64xf32, #tpu.memory_space<vmem_shared>>
    tpu.wait_indirect_dma semaphore(%arg17 : memref<!tpu.dma_semaphore, #tpu.memory_space<semaphore_mem>>) src(%arg8 : memref<128x64xf32, #tpu.memory_space<vmem>>) dst(%dma_wait3A_110 : memref<10112x64xf32, #tpu.memory_space<vmem_shared>>)
    %dma_wait3A_111 = arith.constant 77 : i32
    %dma_wait3A_112 = arith.constant 0 : i32
    %dma_wait3A_113 = tpu.memref_slice %arg7[%dma_wait3A_111, %dma_wait3A_112] : memref<80x128xi32, #tpu.memory_space<vmem>> -> memref<1x128xi32, #tpu.memory_space<vmem>>
    %dma_wait3A_114 = tpu.memref_squeeze %dma_wait3A_113 : memref<1x128xi32, #tpu.memory_space<vmem>> -> memref<128xi32, #tpu.memory_space<vmem>>
    %dma_wait3A_115 = arith.constant 0 : i32
    %dma_wait3A_116 = arith.constant 0 : i32
    %dma_wait3A_117 = tpu.memref_slice %arg21[%dma_wait3A_115, %dma_wait3A_116] : memref<10112x64xf32, #tpu.memory_space<vmem_shared>> -> memref<10112x64xf32, #tpu.memory_space<vmem_shared>>
    tpu.wait_indirect_dma semaphore(%arg18 : memref<!tpu.dma_semaphore, #tpu.memory_space<semaphore_mem>>) src(%arg9 : memref<128x64xf32, #tpu.memory_space<vmem>>) dst(%dma_wait3A_117 : memref<10112x64xf32, #tpu.memory_space<vmem_shared>>)
    %dma_wait3A_118 = arith.constant 78 : i32
    %dma_wait3A_119 = arith.constant 0 : i32
    %dma_wait3A_120 = tpu.memref_slice %arg7[%dma_wait3A_118, %dma_wait3A_119] : memref<80x128xi32, #tpu.memory_space<vmem>> -> memref<1x128xi32, #tpu.memory_space<vmem>>
    %dma_wait3A_121 = tpu.memref_squeeze %dma_wait3A_120 : memref<1x128xi32, #tpu.memory_space<vmem>> -> memref<128xi32, #tpu.memory_space<vmem>>
    %dma_wait3A_122 = arith.constant 0 : i32
    %dma_wait3A_123 = arith.constant 0 : i32
    %dma_wait3A_124 = tpu.memref_slice %arg21[%dma_wait3A_122, %dma_wait3A_123] : memref<10112x64xf32, #tpu.memory_space<vmem_shared>> -> memref<10112x64xf32, #tpu.memory_space<vmem_shared>>
    tpu.wait_indirect_dma semaphore(%arg19 : memref<!tpu.dma_semaphore, #tpu.memory_space<semaphore_mem>>) src(%arg10 : memref<128x64xf32, #tpu.memory_space<vmem>>) dst(%dma_wait3A_124 : memref<10112x64xf32, #tpu.memory_space<vmem_shared>>)
    %dma_wait3A_125 = arith.constant 79 : i32
    %dma_wait3A_126 = arith.constant 0 : i32
    %dma_wait3A_127 = tpu.memref_slice %arg7[%dma_wait3A_125, %dma_wait3A_126] : memref<80x128xi32, #tpu.memory_space<vmem>> -> memref<1x128xi32, #tpu.memory_space<vmem>>
    %dma_wait3A_128 = tpu.memref_squeeze %dma_wait3A_127 : memref<1x128xi32, #tpu.memory_space<vmem>> -> memref<128xi32, #tpu.memory_space<vmem>>
    %dma_wait3A_129 = arith.constant 0 : i32
    %dma_wait3A_130 = arith.constant 0 : i32
    %dma_wait3A_131 = tpu.memref_slice %arg21[%dma_wait3A_129, %dma_wait3A_130] : memref<10112x64xf32, #tpu.memory_space<vmem_shared>> -> memref<10112x64xf32, #tpu.memory_space<vmem_shared>>
    tpu.wait_indirect_dma semaphore(%arg20 : memref<!tpu.dma_semaphore, #tpu.memory_space<semaphore_mem>>) src(%arg11 : memref<128x64xf32, #tpu.memory_space<vmem>>) dst(%dma_wait3A_131 : memref<10112x64xf32, #tpu.memory_space<vmem_shared>>)
    %barrier3A_132 = arith.constant 0 : index
    tpu.barrier barrier_id(%barrier3A_132)
    %mul3A_133 = arith.constant 10112 : i32
    %mul3A_134 = arith.muli %arg0, %mul3A_133 : i32
    %add3A_135 = arith.addi %mul3A_134, %mul3A_2 : i32
    "tpu.region"() ({
      %run_scoped3A = tpu.sem_alloc : memref<!tpu.dma_semaphore, #tpu.memory_space<semaphore_mem>>
      %dma_start3A_136 = arith.constant 0 : i32
      %dma_start3A_137 = tpu.memref_slice %arg5[%add3A_135, %dma_start3A_136] : memref<20224x64xf32, #tpu.memory_space<hbm>> -> memref<632x64xf32, #tpu.memory_space<hbm>>
      %dma_start3A_138 = arith.constant 0 : i32
      %dma_start3A_139 = tpu.memref_slice %arg21[%mul3A_2, %dma_start3A_138] : memref<10112x64xf32, #tpu.memory_space<vmem_shared>> -> memref<632x64xf32, #tpu.memory_space<vmem_shared>>
      tpu.enqueue_dma source(%dma_start3A_139 : memref<632x64xf32, #tpu.memory_space<vmem_shared>>) target(%dma_start3A_137 : memref<632x64xf32, #tpu.memory_space<hbm>>) target_semaphore(%run_scoped3A : memref<!tpu.dma_semaphore, #tpu.memory_space<semaphore_mem>>)
      %dma_wait3A_140 = arith.constant 0 : i32
      %dma_wait3A_141 = tpu.memref_slice %arg5[%add3A_135, %dma_wait3A_140] : memref<20224x64xf32, #tpu.memory_space<hbm>> -> memref<632x64xf32, #tpu.memory_space<hbm>>
      %dma_wait3A_142 = arith.constant 0 : i32
      %dma_wait3A_143 = tpu.memref_slice %arg21[%mul3A_2, %dma_wait3A_142] : memref<10112x64xf32, #tpu.memory_space<vmem_shared>> -> memref<632x64xf32, #tpu.memory_space<vmem_shared>>
      tpu.wait_dma2 semaphore(%run_scoped3A : memref<!tpu.dma_semaphore, #tpu.memory_space<semaphore_mem>>) src(%dma_wait3A_143 : memref<632x64xf32, #tpu.memory_space<vmem_shared>>) dst(%dma_wait3A_141 : memref<632x64xf32, #tpu.memory_space<hbm>>)
      tpu.yield
    }) : () -> ()
    return
  }
}

#map = affine_map<(d0, d1) -> (0, 0)>
#map1 = affine_map<(d0, d1) -> (0, 0, 0)>
module attributes {stable_mosaic.version = 14 : i64} {
  func.func @_sc_aggregate(%arg0: i32, %arg1: i32, %arg2: memref<20224x64xf32, #tpu.memory_space<hbm>>, %arg3: memref<32x160x128xi32, #tpu.memory_space<hbm>>, %arg4: memref<16x160x128xi32, #tpu.memory_space<hbm>>, %arg5: memref<20224x64xf32, #tpu.memory_space<hbm>>, %arg6: memref<160x128xi32, #tpu.memory_space<vmem>>, %arg7: memref<160x128xi32, #tpu.memory_space<vmem>>, %arg8: memref<128x64xf32, #tpu.memory_space<vmem>>, %arg9: memref<128x64xf32, #tpu.memory_space<vmem>>, %arg10: memref<128x64xf32, #tpu.memory_space<vmem>>, %arg11: memref<128x64xf32, #tpu.memory_space<vmem>>, %arg12: memref<128x64xf32, #tpu.memory_space<vmem>>, %arg13: memref<!tpu.dma_semaphore, #tpu.memory_space<semaphore_mem>>, %arg14: memref<!tpu.dma_semaphore, #tpu.memory_space<semaphore_mem>>, %arg15: memref<!tpu.dma_semaphore, #tpu.memory_space<semaphore_mem>>, %arg16: memref<!tpu.dma_semaphore, #tpu.memory_space<semaphore_mem>>, %arg17: memref<!tpu.dma_semaphore, #tpu.memory_space<semaphore_mem>>, %arg18: memref<!tpu.dma_semaphore, #tpu.memory_space<semaphore_mem>>, %arg19: memref<!tpu.dma_semaphore, #tpu.memory_space<semaphore_mem>>, %arg20: memref<!tpu.dma_semaphore, #tpu.memory_space<semaphore_mem>>, %arg21: memref<10112x64xf32, #tpu.memory_space<vmem_shared>>) attributes {dimension_semantics = [#tpu.dimension_semantics<core_parallel>, #tpu.dimension_semantics<subcore_parallel>], iteration_bounds = array<i64: 2, 16>, scalar_prefetch = 0 : i64, scratch_operands = 16 : i64, tpu.core_type = #tpu.core_type<sc_vector_subcore>, window_params = [{transform_indices = #map}, {transform_indices = #map1}, {transform_indices = #map1}, {transform_indices = #map}]} {
    %mul3A = arith.constant 16 : i32
    %mul3A_0 = arith.muli %arg0, %mul3A : i32
    %add3A = arith.addi %mul3A_0, %arg1 : i32
    %mul3A_1 = arith.constant 632 : i32
    %mul3A_2 = arith.muli %arg1, %mul3A_1 : i32
    "tpu.region"() ({
      %run_scoped3A = tpu.sem_alloc : memref<!tpu.dma_semaphore, #tpu.memory_space<semaphore_mem>>
      %dma_start3A_136 = arith.constant 0 : i32
      %dma_start3A_137 = arith.constant 0 : i32
      %dma_start3A_138 = tpu.memref_slice %arg3[%add3A, %dma_start3A_136, %dma_start3A_137] : memref<32x160x128xi32, #tpu.memory_space<hbm>> -> memref<1x160x128xi32, #tpu.memory_space<hbm>>
      %dma_start3A_139 = tpu.memref_squeeze %dma_start3A_138 : memref<1x160x128xi32, #tpu.memory_space<hbm>> -> memref<160x128xi32, #tpu.memory_space<hbm>>
      %dma_start3A_140 = arith.constant 0 : i32
      %dma_start3A_141 = arith.constant 0 : i32
      %dma_start3A_142 = tpu.memref_slice %arg3[%add3A, %dma_start3A_140, %dma_start3A_141] : memref<32x160x128xi32, #tpu.memory_space<hbm>> -> memref<1x160x128xi32, #tpu.memory_space<hbm>>
      %dma_start3A_143 = tpu.memref_squeeze %dma_start3A_142 : memref<1x160x128xi32, #tpu.memory_space<hbm>> -> memref<160x128xi32, #tpu.memory_space<hbm>>
      tpu.enqueue_dma source(%dma_start3A_143 : memref<160x128xi32, #tpu.memory_space<hbm>>) target(%arg6 : memref<160x128xi32, #tpu.memory_space<vmem>>) target_semaphore(%run_scoped3A : memref<!tpu.dma_semaphore, #tpu.memory_space<semaphore_mem>>)
      %dma_wait3A_144 = arith.constant 0 : i32
      %dma_wait3A_145 = arith.constant 0 : i32
      %dma_wait3A_146 = tpu.memref_slice %arg3[%add3A, %dma_wait3A_144, %dma_wait3A_145] : memref<32x160x128xi32, #tpu.memory_space<hbm>> -> memref<1x160x128xi32, #tpu.memory_space<hbm>>
      %dma_wait3A_147 = tpu.memref_squeeze %dma_wait3A_146 : memref<1x160x128xi32, #tpu.memory_space<hbm>> -> memref<160x128xi32, #tpu.memory_space<hbm>>
      %dma_wait3A_148 = arith.constant 0 : i32
      %dma_wait3A_149 = arith.constant 0 : i32
      %dma_wait3A_150 = tpu.memref_slice %arg3[%add3A, %dma_wait3A_148, %dma_wait3A_149] : memref<32x160x128xi32, #tpu.memory_space<hbm>> -> memref<1x160x128xi32, #tpu.memory_space<hbm>>
      %dma_wait3A_151 = tpu.memref_squeeze %dma_wait3A_150 : memref<1x160x128xi32, #tpu.memory_space<hbm>> -> memref<160x128xi32, #tpu.memory_space<hbm>>
      tpu.wait_dma2 semaphore(%run_scoped3A : memref<!tpu.dma_semaphore, #tpu.memory_space<semaphore_mem>>) src(%dma_wait3A_151 : memref<160x128xi32, #tpu.memory_space<hbm>>) dst(%arg6 : memref<160x128xi32, #tpu.memory_space<vmem>>)
      tpu.yield
    }) : () -> ()
    "tpu.region"() ({
      %run_scoped3A = tpu.sem_alloc : memref<!tpu.dma_semaphore, #tpu.memory_space<semaphore_mem>>
      %dma_start3A_136 = arith.constant 0 : i32
      %dma_start3A_137 = arith.constant 0 : i32
      %dma_start3A_138 = tpu.memref_slice %arg4[%arg1, %dma_start3A_136, %dma_start3A_137] : memref<16x160x128xi32, #tpu.memory_space<hbm>> -> memref<1x160x128xi32, #tpu.memory_space<hbm>>
      %dma_start3A_139 = tpu.memref_squeeze %dma_start3A_138 : memref<1x160x128xi32, #tpu.memory_space<hbm>> -> memref<160x128xi32, #tpu.memory_space<hbm>>
      %dma_start3A_140 = arith.constant 0 : i32
      %dma_start3A_141 = arith.constant 0 : i32
      %dma_start3A_142 = tpu.memref_slice %arg4[%arg1, %dma_start3A_140, %dma_start3A_141] : memref<16x160x128xi32, #tpu.memory_space<hbm>> -> memref<1x160x128xi32, #tpu.memory_space<hbm>>
      %dma_start3A_143 = tpu.memref_squeeze %dma_start3A_142 : memref<1x160x128xi32, #tpu.memory_space<hbm>> -> memref<160x128xi32, #tpu.memory_space<hbm>>
      tpu.enqueue_dma source(%dma_start3A_143 : memref<160x128xi32, #tpu.memory_space<hbm>>) target(%arg7 : memref<160x128xi32, #tpu.memory_space<vmem>>) target_semaphore(%run_scoped3A : memref<!tpu.dma_semaphore, #tpu.memory_space<semaphore_mem>>)
      %dma_wait3A_144 = arith.constant 0 : i32
      %dma_wait3A_145 = arith.constant 0 : i32
      %dma_wait3A_146 = tpu.memref_slice %arg4[%arg1, %dma_wait3A_144, %dma_wait3A_145] : memref<16x160x128xi32, #tpu.memory_space<hbm>> -> memref<1x160x128xi32, #tpu.memory_space<hbm>>
      %dma_wait3A_147 = tpu.memref_squeeze %dma_wait3A_146 : memref<1x160x128xi32, #tpu.memory_space<hbm>> -> memref<160x128xi32, #tpu.memory_space<hbm>>
      %dma_wait3A_148 = arith.constant 0 : i32
      %dma_wait3A_149 = arith.constant 0 : i32
      %dma_wait3A_150 = tpu.memref_slice %arg4[%arg1, %dma_wait3A_148, %dma_wait3A_149] : memref<16x160x128xi32, #tpu.memory_space<hbm>> -> memref<1x160x128xi32, #tpu.memory_space<hbm>>
      %dma_wait3A_151 = tpu.memref_squeeze %dma_wait3A_150 : memref<1x160x128xi32, #tpu.memory_space<hbm>> -> memref<160x128xi32, #tpu.memory_space<hbm>>
      tpu.wait_dma2 semaphore(%run_scoped3A : memref<!tpu.dma_semaphore, #tpu.memory_space<semaphore_mem>>) src(%dma_wait3A_151 : memref<160x128xi32, #tpu.memory_space<hbm>>) dst(%arg7 : memref<160x128xi32, #tpu.memory_space<vmem>>)
      tpu.yield
    }) : () -> ()
    %dma_start3A = arith.constant 0 : i32
    %dma_start3A_3 = arith.constant 0 : i32
    %dma_start3A_4 = tpu.memref_slice %arg6[%dma_start3A, %dma_start3A_3] : memref<160x128xi32, #tpu.memory_space<vmem>> -> memref<1x128xi32, #tpu.memory_space<vmem>>
    %dma_start3A_5 = tpu.memref_squeeze %dma_start3A_4 : memref<1x128xi32, #tpu.memory_space<vmem>> -> memref<128xi32, #tpu.memory_space<vmem>>
    %dma_start3A_6 = arith.constant 0 : i32
    %dma_start3A_7 = arith.constant 0 : i32
    %dma_start3A_8 = tpu.memref_slice %arg2[%dma_start3A_6, %dma_start3A_7] : memref<20224x64xf32, #tpu.memory_space<hbm>> -> memref<20224x64xf32, #tpu.memory_space<hbm>>
    tpu.enqueue_indirect_dma source(%dma_start3A_8 : memref<20224x64xf32, #tpu.memory_space<hbm>>) target(%arg8 : memref<128x64xf32, #tpu.memory_space<vmem>>) offsets(%dma_start3A_5 : memref<128xi32, #tpu.memory_space<vmem>>) semaphore(%arg13 : memref<!tpu.dma_semaphore, #tpu.memory_space<semaphore_mem>>)
    %dma_start3A_9 = arith.constant 1 : i32
    %dma_start3A_10 = arith.constant 0 : i32
    %dma_start3A_11 = tpu.memref_slice %arg6[%dma_start3A_9, %dma_start3A_10] : memref<160x128xi32, #tpu.memory_space<vmem>> -> memref<1x128xi32, #tpu.memory_space<vmem>>
    %dma_start3A_12 = tpu.memref_squeeze %dma_start3A_11 : memref<1x128xi32, #tpu.memory_space<vmem>> -> memref<128xi32, #tpu.memory_space<vmem>>
    %dma_start3A_13 = arith.constant 0 : i32
    %dma_start3A_14 = arith.constant 0 : i32
    %dma_start3A_15 = tpu.memref_slice %arg2[%dma_start3A_13, %dma_start3A_14] : memref<20224x64xf32, #tpu.memory_space<hbm>> -> memref<20224x64xf32, #tpu.memory_space<hbm>>
    tpu.enqueue_indirect_dma source(%dma_start3A_15 : memref<20224x64xf32, #tpu.memory_space<hbm>>) target(%arg9 : memref<128x64xf32, #tpu.memory_space<vmem>>) offsets(%dma_start3A_12 : memref<128xi32, #tpu.memory_space<vmem>>) semaphore(%arg14 : memref<!tpu.dma_semaphore, #tpu.memory_space<semaphore_mem>>)
    %dma_start3A_16 = arith.constant 2 : i32
    %dma_start3A_17 = arith.constant 0 : i32
    %dma_start3A_18 = tpu.memref_slice %arg6[%dma_start3A_16, %dma_start3A_17] : memref<160x128xi32, #tpu.memory_space<vmem>> -> memref<1x128xi32, #tpu.memory_space<vmem>>
    %dma_start3A_19 = tpu.memref_squeeze %dma_start3A_18 : memref<1x128xi32, #tpu.memory_space<vmem>> -> memref<128xi32, #tpu.memory_space<vmem>>
    %dma_start3A_20 = arith.constant 0 : i32
    %dma_start3A_21 = arith.constant 0 : i32
    %dma_start3A_22 = tpu.memref_slice %arg2[%dma_start3A_20, %dma_start3A_21] : memref<20224x64xf32, #tpu.memory_space<hbm>> -> memref<20224x64xf32, #tpu.memory_space<hbm>>
    tpu.enqueue_indirect_dma source(%dma_start3A_22 : memref<20224x64xf32, #tpu.memory_space<hbm>>) target(%arg10 : memref<128x64xf32, #tpu.memory_space<vmem>>) offsets(%dma_start3A_19 : memref<128xi32, #tpu.memory_space<vmem>>) semaphore(%arg15 : memref<!tpu.dma_semaphore, #tpu.memory_space<semaphore_mem>>)
    %dma_start3A_23 = arith.constant 3 : i32
    %dma_start3A_24 = arith.constant 0 : i32
    %dma_start3A_25 = tpu.memref_slice %arg6[%dma_start3A_23, %dma_start3A_24] : memref<160x128xi32, #tpu.memory_space<vmem>> -> memref<1x128xi32, #tpu.memory_space<vmem>>
    %dma_start3A_26 = tpu.memref_squeeze %dma_start3A_25 : memref<1x128xi32, #tpu.memory_space<vmem>> -> memref<128xi32, #tpu.memory_space<vmem>>
    %dma_start3A_27 = arith.constant 0 : i32
    %dma_start3A_28 = arith.constant 0 : i32
    %dma_start3A_29 = tpu.memref_slice %arg2[%dma_start3A_27, %dma_start3A_28] : memref<20224x64xf32, #tpu.memory_space<hbm>> -> memref<20224x64xf32, #tpu.memory_space<hbm>>
    tpu.enqueue_indirect_dma source(%dma_start3A_29 : memref<20224x64xf32, #tpu.memory_space<hbm>>) target(%arg11 : memref<128x64xf32, #tpu.memory_space<vmem>>) offsets(%dma_start3A_26 : memref<128xi32, #tpu.memory_space<vmem>>) semaphore(%arg16 : memref<!tpu.dma_semaphore, #tpu.memory_space<semaphore_mem>>)
    %scan3A = arith.constant 0 : i32
    %scan3A_30 = arith.constant 128 : i32
    %scan3A_31 = arith.addi %scan3A, %scan3A_30 : i32
    %scan3A_32 = arith.constant 1 : i32
    scf.for %scan3A_136 = %scan3A to %scan3A_31 step %scan3A_32  : i32 {
      %mul3A_137 = arith.constant 1 : i32
      %mul3A_138 = arith.muli %scan3A_136, %mul3A_137 : i32
      %add3A_139 = arith.constant 0 : i32
      %add3A_140 = arith.addi %add3A_139, %mul3A_138 : i32
      %broadcast_in_dim3A = arith.constant 0.000000e+00 : f32
      %broadcast_in_dim3A_141 = vector.broadcast %broadcast_in_dim3A : f32 to vector<16xf32>
      %swap3A = arith.index_cast %add3A_140 : i32 to index
      %swap3A_142 = arith.constant 0 : index
      %swap3A_143 = tpu.vector_load %arg12[%swap3A, %swap3A_142] {strides = array<i32>} : memref<128x64xf32, #tpu.memory_space<vmem>>, vector<1x16xf32>,
      %swap3A_144 = vector.shape_cast %swap3A_143 : vector<1x16xf32> to vector<16xf32>
      %swap3A_145 = vector.shape_cast %broadcast_in_dim3A_141 : vector<16xf32> to vector<1x16xf32>
      tpu.vector_store %arg12[%swap3A, %swap3A_142], %swap3A_145 {strides = array<i32>} : memref<128x64xf32, #tpu.memory_space<vmem>>, vector<1x16xf32>,
      %broadcast_in_dim3A_146 = arith.constant 0.000000e+00 : f32
      %broadcast_in_dim3A_147 = vector.broadcast %broadcast_in_dim3A_146 : f32 to vector<16xf32>
      %swap3A_148 = arith.index_cast %add3A_140 : i32 to index
      %swap3A_149 = arith.constant 16 : index
      %swap3A_150 = tpu.vector_load %arg12[%swap3A_148, %swap3A_149] {strides = array<i32>} : memref<128x64xf32, #tpu.memory_space<vmem>>, vector<1x16xf32>,
      %swap3A_151 = vector.shape_cast %swap3A_150 : vector<1x16xf32> to vector<16xf32>
      %swap3A_152 = vector.shape_cast %broadcast_in_dim3A_147 : vector<16xf32> to vector<1x16xf32>
      tpu.vector_store %arg12[%swap3A_148, %swap3A_149], %swap3A_152 {strides = array<i32>} : memref<128x64xf32, #tpu.memory_space<vmem>>, vector<1x16xf32>,
      %broadcast_in_dim3A_153 = arith.constant 0.000000e+00 : f32
      %broadcast_in_dim3A_154 = vector.broadcast %broadcast_in_dim3A_153 : f32 to vector<16xf32>
      %swap3A_155 = arith.index_cast %add3A_140 : i32 to index
      %swap3A_156 = arith.constant 32 : index
      %swap3A_157 = tpu.vector_load %arg12[%swap3A_155, %swap3A_156] {strides = array<i32>} : memref<128x64xf32, #tpu.memory_space<vmem>>, vector<1x16xf32>,
      %swap3A_158 = vector.shape_cast %swap3A_157 : vector<1x16xf32> to vector<16xf32>
      %swap3A_159 = vector.shape_cast %broadcast_in_dim3A_154 : vector<16xf32> to vector<1x16xf32>
      tpu.vector_store %arg12[%swap3A_155, %swap3A_156], %swap3A_159 {strides = array<i32>} : memref<128x64xf32, #tpu.memory_space<vmem>>, vector<1x16xf32>,
      %broadcast_in_dim3A_160 = arith.constant 0.000000e+00 : f32
      %broadcast_in_dim3A_161 = vector.broadcast %broadcast_in_dim3A_160 : f32 to vector<16xf32>
      %swap3A_162 = arith.index_cast %add3A_140 : i32 to index
      %swap3A_163 = arith.constant 48 : index
      %swap3A_164 = tpu.vector_load %arg12[%swap3A_162, %swap3A_163] {strides = array<i32>} : memref<128x64xf32, #tpu.memory_space<vmem>>, vector<1x16xf32>,
      %swap3A_165 = vector.shape_cast %swap3A_164 : vector<1x16xf32> to vector<16xf32>
      %swap3A_166 = vector.shape_cast %broadcast_in_dim3A_161 : vector<16xf32> to vector<1x16xf32>
      tpu.vector_store %arg12[%swap3A_162, %swap3A_163], %swap3A_166 {strides = array<i32>} : memref<128x64xf32, #tpu.memory_space<vmem>>, vector<1x16xf32>,
    }
    %scan3A_33 = arith.constant 128 : i32
    %add3A_34 = arith.constant 0 : i32
    %add3A_35 = arith.addi %mul3A_2, %add3A_34 : i32
    "tpu.region"() ({
      %run_scoped3A = tpu.sem_alloc : memref<!tpu.dma_semaphore, #tpu.memory_space<semaphore_mem>>
      %dma_start3A_136 = arith.constant 0 : i32
      %dma_start3A_137 = tpu.memref_slice %arg21[%add3A_35, %dma_start3A_136] : memref<10112x64xf32, #tpu.memory_space<vmem_shared>> -> memref<128x64xf32, #tpu.memory_space<vmem_shared>>
      %dma_start3A_138 = arith.constant 0 : i32
      %dma_start3A_139 = tpu.memref_slice %arg21[%add3A_35, %dma_start3A_138] : memref<10112x64xf32, #tpu.memory_space<vmem_shared>> -> memref<128x64xf32, #tpu.memory_space<vmem_shared>>
      tpu.enqueue_dma source(%arg12 : memref<128x64xf32, #tpu.memory_space<vmem>>) target(%dma_start3A_139 : memref<128x64xf32, #tpu.memory_space<vmem_shared>>) target_semaphore(%run_scoped3A : memref<!tpu.dma_semaphore, #tpu.memory_space<semaphore_mem>>)
      %dma_wait3A_140 = arith.constant 0 : i32
      %dma_wait3A_141 = tpu.memref_slice %arg21[%add3A_35, %dma_wait3A_140] : memref<10112x64xf32, #tpu.memory_space<vmem_shared>> -> memref<128x64xf32, #tpu.memory_space<vmem_shared>>
      %dma_wait3A_142 = arith.constant 0 : i32
      %dma_wait3A_143 = tpu.memref_slice %arg21[%add3A_35, %dma_wait3A_142] : memref<10112x64xf32, #tpu.memory_space<vmem_shared>> -> memref<128x64xf32, #tpu.memory_space<vmem_shared>>
      tpu.wait_dma2 semaphore(%run_scoped3A : memref<!tpu.dma_semaphore, #tpu.memory_space<semaphore_mem>>) src(%arg12 : memref<128x64xf32, #tpu.memory_space<vmem>>) dst(%dma_wait3A_143 : memref<128x64xf32, #tpu.memory_space<vmem_shared>>)
      tpu.yield
    }) : () -> ()
    %add3A_36 = arith.constant 128 : i32
    %add3A_37 = arith.addi %mul3A_2, %add3A_36 : i32
    "tpu.region"() ({
      %run_scoped3A = tpu.sem_alloc : memref<!tpu.dma_semaphore, #tpu.memory_space<semaphore_mem>>
      %dma_start3A_136 = arith.constant 0 : i32
      %dma_start3A_137 = tpu.memref_slice %arg21[%add3A_37, %dma_start3A_136] : memref<10112x64xf32, #tpu.memory_space<vmem_shared>> -> memref<128x64xf32, #tpu.memory_space<vmem_shared>>
      %dma_start3A_138 = arith.constant 0 : i32
      %dma_start3A_139 = tpu.memref_slice %arg21[%add3A_37, %dma_start3A_138] : memref<10112x64xf32, #tpu.memory_space<vmem_shared>> -> memref<128x64xf32, #tpu.memory_space<vmem_shared>>
      tpu.enqueue_dma source(%arg12 : memref<128x64xf32, #tpu.memory_space<vmem>>) target(%dma_start3A_139 : memref<128x64xf32, #tpu.memory_space<vmem_shared>>) target_semaphore(%run_scoped3A : memref<!tpu.dma_semaphore, #tpu.memory_space<semaphore_mem>>)
      %dma_wait3A_140 = arith.constant 0 : i32
      %dma_wait3A_141 = tpu.memref_slice %arg21[%add3A_37, %dma_wait3A_140] : memref<10112x64xf32, #tpu.memory_space<vmem_shared>> -> memref<128x64xf32, #tpu.memory_space<vmem_shared>>
      %dma_wait3A_142 = arith.constant 0 : i32
      %dma_wait3A_143 = tpu.memref_slice %arg21[%add3A_37, %dma_wait3A_142] : memref<10112x64xf32, #tpu.memory_space<vmem_shared>> -> memref<128x64xf32, #tpu.memory_space<vmem_shared>>
      tpu.wait_dma2 semaphore(%run_scoped3A : memref<!tpu.dma_semaphore, #tpu.memory_space<semaphore_mem>>) src(%arg12 : memref<128x64xf32, #tpu.memory_space<vmem>>) dst(%dma_wait3A_143 : memref<128x64xf32, #tpu.memory_space<vmem_shared>>)
      tpu.yield
    }) : () -> ()
    %add3A_38 = arith.constant 256 : i32
    %add3A_39 = arith.addi %mul3A_2, %add3A_38 : i32
    "tpu.region"() ({
      %run_scoped3A = tpu.sem_alloc : memref<!tpu.dma_semaphore, #tpu.memory_space<semaphore_mem>>
      %dma_start3A_136 = arith.constant 0 : i32
      %dma_start3A_137 = tpu.memref_slice %arg21[%add3A_39, %dma_start3A_136] : memref<10112x64xf32, #tpu.memory_space<vmem_shared>> -> memref<128x64xf32, #tpu.memory_space<vmem_shared>>
      %dma_start3A_138 = arith.constant 0 : i32
      %dma_start3A_139 = tpu.memref_slice %arg21[%add3A_39, %dma_start3A_138] : memref<10112x64xf32, #tpu.memory_space<vmem_shared>> -> memref<128x64xf32, #tpu.memory_space<vmem_shared>>
      tpu.enqueue_dma source(%arg12 : memref<128x64xf32, #tpu.memory_space<vmem>>) target(%dma_start3A_139 : memref<128x64xf32, #tpu.memory_space<vmem_shared>>) target_semaphore(%run_scoped3A : memref<!tpu.dma_semaphore, #tpu.memory_space<semaphore_mem>>)
      %dma_wait3A_140 = arith.constant 0 : i32
      %dma_wait3A_141 = tpu.memref_slice %arg21[%add3A_39, %dma_wait3A_140] : memref<10112x64xf32, #tpu.memory_space<vmem_shared>> -> memref<128x64xf32, #tpu.memory_space<vmem_shared>>
      %dma_wait3A_142 = arith.constant 0 : i32
      %dma_wait3A_143 = tpu.memref_slice %arg21[%add3A_39, %dma_wait3A_142] : memref<10112x64xf32, #tpu.memory_space<vmem_shared>> -> memref<128x64xf32, #tpu.memory_space<vmem_shared>>
      tpu.wait_dma2 semaphore(%run_scoped3A : memref<!tpu.dma_semaphore, #tpu.memory_space<semaphore_mem>>) src(%arg12 : memref<128x64xf32, #tpu.memory_space<vmem>>) dst(%dma_wait3A_143 : memref<128x64xf32, #tpu.memory_space<vmem_shared>>)
      tpu.yield
    }) : () -> ()
    %add3A_40 = arith.constant 384 : i32
    %add3A_41 = arith.addi %mul3A_2, %add3A_40 : i32
    "tpu.region"() ({
      %run_scoped3A = tpu.sem_alloc : memref<!tpu.dma_semaphore, #tpu.memory_space<semaphore_mem>>
      %dma_start3A_136 = arith.constant 0 : i32
      %dma_start3A_137 = tpu.memref_slice %arg21[%add3A_41, %dma_start3A_136] : memref<10112x64xf32, #tpu.memory_space<vmem_shared>> -> memref<128x64xf32, #tpu.memory_space<vmem_shared>>
      %dma_start3A_138 = arith.constant 0 : i32
      %dma_start3A_139 = tpu.memref_slice %arg21[%add3A_41, %dma_start3A_138] : memref<10112x64xf32, #tpu.memory_space<vmem_shared>> -> memref<128x64xf32, #tpu.memory_space<vmem_shared>>
      tpu.enqueue_dma source(%arg12 : memref<128x64xf32, #tpu.memory_space<vmem>>) target(%dma_start3A_139 : memref<128x64xf32, #tpu.memory_space<vmem_shared>>) target_semaphore(%run_scoped3A : memref<!tpu.dma_semaphore, #tpu.memory_space<semaphore_mem>>)
      %dma_wait3A_140 = arith.constant 0 : i32
      %dma_wait3A_141 = tpu.memref_slice %arg21[%add3A_41, %dma_wait3A_140] : memref<10112x64xf32, #tpu.memory_space<vmem_shared>> -> memref<128x64xf32, #tpu.memory_space<vmem_shared>>
      %dma_wait3A_142 = arith.constant 0 : i32
      %dma_wait3A_143 = tpu.memref_slice %arg21[%add3A_41, %dma_wait3A_142] : memref<10112x64xf32, #tpu.memory_space<vmem_shared>> -> memref<128x64xf32, #tpu.memory_space<vmem_shared>>
      tpu.wait_dma2 semaphore(%run_scoped3A : memref<!tpu.dma_semaphore, #tpu.memory_space<semaphore_mem>>) src(%arg12 : memref<128x64xf32, #tpu.memory_space<vmem>>) dst(%dma_wait3A_143 : memref<128x64xf32, #tpu.memory_space<vmem_shared>>)
      tpu.yield
    }) : () -> ()
    %add3A_42 = arith.constant 512 : i32
    %add3A_43 = arith.addi %mul3A_2, %add3A_42 : i32
    "tpu.region"() ({
      %run_scoped3A = tpu.sem_alloc : memref<!tpu.dma_semaphore, #tpu.memory_space<semaphore_mem>>
      %dma_start3A_136 = arith.constant 0 : i32
      %dma_start3A_137 = arith.constant 0 : i32
      %dma_start3A_138 = tpu.memref_slice %arg12[%dma_start3A_136, %dma_start3A_137] : memref<128x64xf32, #tpu.memory_space<vmem>> -> memref<120x64xf32, #tpu.memory_space<vmem>>
      %dma_start3A_139 = arith.constant 0 : i32
      %dma_start3A_140 = tpu.memref_slice %arg21[%add3A_43, %dma_start3A_139] : memref<10112x64xf32, #tpu.memory_space<vmem_shared>> -> memref<120x64xf32, #tpu.memory_space<vmem_shared>>
      %dma_start3A_141 = arith.constant 0 : i32
      %dma_start3A_142 = tpu.memref_slice %arg21[%add3A_43, %dma_start3A_141] : memref<10112x64xf32, #tpu.memory_space<vmem_shared>> -> memref<120x64xf32, #tpu.memory_space<vmem_shared>>
      %dma_start3A_143 = arith.constant 0 : i32
      %dma_start3A_144 = arith.constant 0 : i32
      %dma_start3A_145 = tpu.memref_slice %arg12[%dma_start3A_143, %dma_start3A_144] : memref<128x64xf32, #tpu.memory_space<vmem>> -> memref<120x64xf32, #tpu.memory_space<vmem>>
      tpu.enqueue_dma source(%dma_start3A_145 : memref<120x64xf32, #tpu.memory_space<vmem>>) target(%dma_start3A_142 : memref<120x64xf32, #tpu.memory_space<vmem_shared>>) target_semaphore(%run_scoped3A : memref<!tpu.dma_semaphore, #tpu.memory_space<semaphore_mem>>)
      %dma_wait3A_146 = arith.constant 0 : i32
      %dma_wait3A_147 = arith.constant 0 : i32
      %dma_wait3A_148 = tpu.memref_slice %arg12[%dma_wait3A_146, %dma_wait3A_147] : memref<128x64xf32, #tpu.memory_space<vmem>> -> memref<120x64xf32, #tpu.memory_space<vmem>>
      %dma_wait3A_149 = arith.constant 0 : i32
      %dma_wait3A_150 = tpu.memref_slice %arg21[%add3A_43, %dma_wait3A_149] : memref<10112x64xf32, #tpu.memory_space<vmem_shared>> -> memref<120x64xf32, #tpu.memory_space<vmem_shared>>
      %dma_wait3A_151 = arith.constant 0 : i32
      %dma_wait3A_152 = tpu.memref_slice %arg21[%add3A_43, %dma_wait3A_151] : memref<10112x64xf32, #tpu.memory_space<vmem_shared>> -> memref<120x64xf32, #tpu.memory_space<vmem_shared>>
      %dma_wait3A_153 = arith.constant 0 : i32
      %dma_wait3A_154 = arith.constant 0 : i32
      %dma_wait3A_155 = tpu.memref_slice %arg12[%dma_wait3A_153, %dma_wait3A_154] : memref<128x64xf32, #tpu.memory_space<vmem>> -> memref<120x64xf32, #tpu.memory_space<vmem>>
      tpu.wait_dma2 semaphore(%run_scoped3A : memref<!tpu.dma_semaphore, #tpu.memory_space<semaphore_mem>>) src(%dma_wait3A_155 : memref<120x64xf32, #tpu.memory_space<vmem>>) dst(%dma_wait3A_152 : memref<120x64xf32, #tpu.memory_space<vmem_shared>>)
      tpu.yield
    }) : () -> ()
    %barrier3A = arith.constant 0 : index
    tpu.barrier barrier_id(%barrier3A)
    %scan3A_44 = arith.constant 0 : i32
    %scan3A_45 = arith.constant 39 : i32
    %scan3A_46 = arith.addi %scan3A_44, %scan3A_45 : i32
    %scan3A_47 = arith.constant 1 : i32
    scf.for %scan3A_136 = %scan3A_44 to %scan3A_46 step %scan3A_47  : i32 {
      %mul3A_137 = arith.constant 4 : i32
      %mul3A_138 = arith.muli %scan3A_136, %mul3A_137 : i32
      %add3A_139 = arith.constant 0 : i32
      %add3A_140 = arith.addi %add3A_139, %mul3A_138 : i32
      %add3A_141 = arith.constant 0 : i32
      %add3A_142 = arith.addi %add3A_140, %add3A_141 : i32
      %dma_wait3A_143 = arith.constant 0 : i32
      %dma_wait3A_144 = tpu.memref_slice %arg6[%add3A_142, %dma_wait3A_143] : memref<160x128xi32, #tpu.memory_space<vmem>> -> memref<1x128xi32, #tpu.memory_space<vmem>>
      %dma_wait3A_145 = tpu.memref_squeeze %dma_wait3A_144 : memref<1x128xi32, #tpu.memory_space<vmem>> -> memref<128xi32, #tpu.memory_space<vmem>>
      %dma_wait3A_146 = arith.constant 0 : i32
      %dma_wait3A_147 = arith.constant 0 : i32
      %dma_wait3A_148 = tpu.memref_slice %arg2[%dma_wait3A_146, %dma_wait3A_147] : memref<20224x64xf32, #tpu.memory_space<hbm>> -> memref<20224x64xf32, #tpu.memory_space<hbm>>
      tpu.wait_indirect_dma semaphore(%arg13 : memref<!tpu.dma_semaphore, #tpu.memory_space<semaphore_mem>>) src(%dma_wait3A_148 : memref<20224x64xf32, #tpu.memory_space<hbm>>) dst(%arg8 : memref<128x64xf32, #tpu.memory_space<vmem>>)
      %add3A_149 = arith.constant 0 : i32
      %add3A_150 = arith.addi %add3A_140, %add3A_149 : i32
      %dma_start3A_151 = arith.constant 0 : i32
      %dma_start3A_152 = tpu.memref_slice %arg7[%add3A_150, %dma_start3A_151] : memref<160x128xi32, #tpu.memory_space<vmem>> -> memref<1x128xi32, #tpu.memory_space<vmem>>
      %dma_start3A_153 = tpu.memref_squeeze %dma_start3A_152 : memref<1x128xi32, #tpu.memory_space<vmem>> -> memref<128xi32, #tpu.memory_space<vmem>>
      %dma_start3A_154 = arith.constant 0 : i32
      %dma_start3A_155 = arith.constant 0 : i32
      %dma_start3A_156 = tpu.memref_slice %arg21[%dma_start3A_154, %dma_start3A_155] : memref<10112x64xf32, #tpu.memory_space<vmem_shared>> -> memref<10112x64xf32, #tpu.memory_space<vmem_shared>>
      tpu.enqueue_indirect_dma source(%arg8 : memref<128x64xf32, #tpu.memory_space<vmem>>) target(%dma_start3A_156 : memref<10112x64xf32, #tpu.memory_space<vmem_shared>>) offsets(%dma_start3A_153 : memref<128xi32, #tpu.memory_space<vmem>>) semaphore(%arg17 : memref<!tpu.dma_semaphore, #tpu.memory_space<semaphore_mem>>) {add = true}
      %add3A_157 = arith.constant 1 : i32
      %add3A_158 = arith.addi %add3A_140, %add3A_157 : i32
      %dma_wait3A_159 = arith.constant 0 : i32
      %dma_wait3A_160 = tpu.memref_slice %arg6[%add3A_158, %dma_wait3A_159] : memref<160x128xi32, #tpu.memory_space<vmem>> -> memref<1x128xi32, #tpu.memory_space<vmem>>
      %dma_wait3A_161 = tpu.memref_squeeze %dma_wait3A_160 : memref<1x128xi32, #tpu.memory_space<vmem>> -> memref<128xi32, #tpu.memory_space<vmem>>
      %dma_wait3A_162 = arith.constant 0 : i32
      %dma_wait3A_163 = arith.constant 0 : i32
      %dma_wait3A_164 = tpu.memref_slice %arg2[%dma_wait3A_162, %dma_wait3A_163] : memref<20224x64xf32, #tpu.memory_space<hbm>> -> memref<20224x64xf32, #tpu.memory_space<hbm>>
      tpu.wait_indirect_dma semaphore(%arg14 : memref<!tpu.dma_semaphore, #tpu.memory_space<semaphore_mem>>) src(%dma_wait3A_164 : memref<20224x64xf32, #tpu.memory_space<hbm>>) dst(%arg9 : memref<128x64xf32, #tpu.memory_space<vmem>>)
      %add3A_165 = arith.constant 1 : i32
      %add3A_166 = arith.addi %add3A_140, %add3A_165 : i32
      %dma_start3A_167 = arith.constant 0 : i32
      %dma_start3A_168 = tpu.memref_slice %arg7[%add3A_166, %dma_start3A_167] : memref<160x128xi32, #tpu.memory_space<vmem>> -> memref<1x128xi32, #tpu.memory_space<vmem>>
      %dma_start3A_169 = tpu.memref_squeeze %dma_start3A_168 : memref<1x128xi32, #tpu.memory_space<vmem>> -> memref<128xi32, #tpu.memory_space<vmem>>
      %dma_start3A_170 = arith.constant 0 : i32
      %dma_start3A_171 = arith.constant 0 : i32
      %dma_start3A_172 = tpu.memref_slice %arg21[%dma_start3A_170, %dma_start3A_171] : memref<10112x64xf32, #tpu.memory_space<vmem_shared>> -> memref<10112x64xf32, #tpu.memory_space<vmem_shared>>
      tpu.enqueue_indirect_dma source(%arg9 : memref<128x64xf32, #tpu.memory_space<vmem>>) target(%dma_start3A_172 : memref<10112x64xf32, #tpu.memory_space<vmem_shared>>) offsets(%dma_start3A_169 : memref<128xi32, #tpu.memory_space<vmem>>) semaphore(%arg18 : memref<!tpu.dma_semaphore, #tpu.memory_space<semaphore_mem>>) {add = true}
      %add3A_173 = arith.constant 2 : i32
      %add3A_174 = arith.addi %add3A_140, %add3A_173 : i32
      %dma_wait3A_175 = arith.constant 0 : i32
      %dma_wait3A_176 = tpu.memref_slice %arg6[%add3A_174, %dma_wait3A_175] : memref<160x128xi32, #tpu.memory_space<vmem>> -> memref<1x128xi32, #tpu.memory_space<vmem>>
      %dma_wait3A_177 = tpu.memref_squeeze %dma_wait3A_176 : memref<1x128xi32, #tpu.memory_space<vmem>> -> memref<128xi32, #tpu.memory_space<vmem>>
      %dma_wait3A_178 = arith.constant 0 : i32
      %dma_wait3A_179 = arith.constant 0 : i32
      %dma_wait3A_180 = tpu.memref_slice %arg2[%dma_wait3A_178, %dma_wait3A_179] : memref<20224x64xf32, #tpu.memory_space<hbm>> -> memref<20224x64xf32, #tpu.memory_space<hbm>>
      tpu.wait_indirect_dma semaphore(%arg15 : memref<!tpu.dma_semaphore, #tpu.memory_space<semaphore_mem>>) src(%dma_wait3A_180 : memref<20224x64xf32, #tpu.memory_space<hbm>>) dst(%arg10 : memref<128x64xf32, #tpu.memory_space<vmem>>)
      %add3A_181 = arith.constant 2 : i32
      %add3A_182 = arith.addi %add3A_140, %add3A_181 : i32
      %dma_start3A_183 = arith.constant 0 : i32
      %dma_start3A_184 = tpu.memref_slice %arg7[%add3A_182, %dma_start3A_183] : memref<160x128xi32, #tpu.memory_space<vmem>> -> memref<1x128xi32, #tpu.memory_space<vmem>>
      %dma_start3A_185 = tpu.memref_squeeze %dma_start3A_184 : memref<1x128xi32, #tpu.memory_space<vmem>> -> memref<128xi32, #tpu.memory_space<vmem>>
      %dma_start3A_186 = arith.constant 0 : i32
      %dma_start3A_187 = arith.constant 0 : i32
      %dma_start3A_188 = tpu.memref_slice %arg21[%dma_start3A_186, %dma_start3A_187] : memref<10112x64xf32, #tpu.memory_space<vmem_shared>> -> memref<10112x64xf32, #tpu.memory_space<vmem_shared>>
      tpu.enqueue_indirect_dma source(%arg10 : memref<128x64xf32, #tpu.memory_space<vmem>>) target(%dma_start3A_188 : memref<10112x64xf32, #tpu.memory_space<vmem_shared>>) offsets(%dma_start3A_185 : memref<128xi32, #tpu.memory_space<vmem>>) semaphore(%arg19 : memref<!tpu.dma_semaphore, #tpu.memory_space<semaphore_mem>>) {add = true}
      %add3A_189 = arith.constant 3 : i32
      %add3A_190 = arith.addi %add3A_140, %add3A_189 : i32
      %dma_wait3A_191 = arith.constant 0 : i32
      %dma_wait3A_192 = tpu.memref_slice %arg6[%add3A_190, %dma_wait3A_191] : memref<160x128xi32, #tpu.memory_space<vmem>> -> memref<1x128xi32, #tpu.memory_space<vmem>>
      %dma_wait3A_193 = tpu.memref_squeeze %dma_wait3A_192 : memref<1x128xi32, #tpu.memory_space<vmem>> -> memref<128xi32, #tpu.memory_space<vmem>>
      %dma_wait3A_194 = arith.constant 0 : i32
      %dma_wait3A_195 = arith.constant 0 : i32
      %dma_wait3A_196 = tpu.memref_slice %arg2[%dma_wait3A_194, %dma_wait3A_195] : memref<20224x64xf32, #tpu.memory_space<hbm>> -> memref<20224x64xf32, #tpu.memory_space<hbm>>
      tpu.wait_indirect_dma semaphore(%arg16 : memref<!tpu.dma_semaphore, #tpu.memory_space<semaphore_mem>>) src(%dma_wait3A_196 : memref<20224x64xf32, #tpu.memory_space<hbm>>) dst(%arg11 : memref<128x64xf32, #tpu.memory_space<vmem>>)
      %add3A_197 = arith.constant 3 : i32
      %add3A_198 = arith.addi %add3A_140, %add3A_197 : i32
      %dma_start3A_199 = arith.constant 0 : i32
      %dma_start3A_200 = tpu.memref_slice %arg7[%add3A_198, %dma_start3A_199] : memref<160x128xi32, #tpu.memory_space<vmem>> -> memref<1x128xi32, #tpu.memory_space<vmem>>
      %dma_start3A_201 = tpu.memref_squeeze %dma_start3A_200 : memref<1x128xi32, #tpu.memory_space<vmem>> -> memref<128xi32, #tpu.memory_space<vmem>>
      %dma_start3A_202 = arith.constant 0 : i32
      %dma_start3A_203 = arith.constant 0 : i32
      %dma_start3A_204 = tpu.memref_slice %arg21[%dma_start3A_202, %dma_start3A_203] : memref<10112x64xf32, #tpu.memory_space<vmem_shared>> -> memref<10112x64xf32, #tpu.memory_space<vmem_shared>>
      tpu.enqueue_indirect_dma source(%arg11 : memref<128x64xf32, #tpu.memory_space<vmem>>) target(%dma_start3A_204 : memref<10112x64xf32, #tpu.memory_space<vmem_shared>>) offsets(%dma_start3A_201 : memref<128xi32, #tpu.memory_space<vmem>>) semaphore(%arg20 : memref<!tpu.dma_semaphore, #tpu.memory_space<semaphore_mem>>) {add = true}
      %add3A_205 = arith.constant 0 : i32
      %add3A_206 = arith.addi %add3A_140, %add3A_205 : i32
      %dma_wait3A_207 = arith.constant 0 : i32
      %dma_wait3A_208 = tpu.memref_slice %arg7[%add3A_206, %dma_wait3A_207] : memref<160x128xi32, #tpu.memory_space<vmem>> -> memref<1x128xi32, #tpu.memory_space<vmem>>
      %dma_wait3A_209 = tpu.memref_squeeze %dma_wait3A_208 : memref<1x128xi32, #tpu.memory_space<vmem>> -> memref<128xi32, #tpu.memory_space<vmem>>
      %dma_wait3A_210 = arith.constant 0 : i32
      %dma_wait3A_211 = arith.constant 0 : i32
      %dma_wait3A_212 = tpu.memref_slice %arg21[%dma_wait3A_210, %dma_wait3A_211] : memref<10112x64xf32, #tpu.memory_space<vmem_shared>> -> memref<10112x64xf32, #tpu.memory_space<vmem_shared>>
      tpu.wait_indirect_dma semaphore(%arg17 : memref<!tpu.dma_semaphore, #tpu.memory_space<semaphore_mem>>) src(%arg8 : memref<128x64xf32, #tpu.memory_space<vmem>>) dst(%dma_wait3A_212 : memref<10112x64xf32, #tpu.memory_space<vmem_shared>>)
      %add3A_213 = arith.constant 0 : i32
      %add3A_214 = arith.addi %add3A_140, %add3A_213 : i32
      %add3A_215 = arith.constant 4 : i32
      %add3A_216 = arith.addi %add3A_214, %add3A_215 : i32
      %dma_start3A_217 = arith.constant 0 : i32
      %dma_start3A_218 = tpu.memref_slice %arg6[%add3A_216, %dma_start3A_217] : memref<160x128xi32, #tpu.memory_space<vmem>> -> memref<1x128xi32, #tpu.memory_space<vmem>>
      %dma_start3A_219 = tpu.memref_squeeze %dma_start3A_218 : memref<1x128xi32, #tpu.memory_space<vmem>> -> memref<128xi32, #tpu.memory_space<vmem>>
      %dma_start3A_220 = arith.constant 0 : i32
      %dma_start3A_221 = arith.constant 0 : i32
      %dma_start3A_222 = tpu.memref_slice %arg2[%dma_start3A_220, %dma_start3A_221] : memref<20224x64xf32, #tpu.memory_space<hbm>> -> memref<20224x64xf32, #tpu.memory_space<hbm>>
      tpu.enqueue_indirect_dma source(%dma_start3A_222 : memref<20224x64xf32, #tpu.memory_space<hbm>>) target(%arg8 : memref<128x64xf32, #tpu.memory_space<vmem>>) offsets(%dma_start3A_219 : memref<128xi32, #tpu.memory_space<vmem>>) semaphore(%arg13 : memref<!tpu.dma_semaphore, #tpu.memory_space<semaphore_mem>>)
      %add3A_223 = arith.constant 1 : i32
      %add3A_224 = arith.addi %add3A_140, %add3A_223 : i32
      %dma_wait3A_225 = arith.constant 0 : i32
      %dma_wait3A_226 = tpu.memref_slice %arg7[%add3A_224, %dma_wait3A_225] : memref<160x128xi32, #tpu.memory_space<vmem>> -> memref<1x128xi32, #tpu.memory_space<vmem>>
      %dma_wait3A_227 = tpu.memref_squeeze %dma_wait3A_226 : memref<1x128xi32, #tpu.memory_space<vmem>> -> memref<128xi32, #tpu.memory_space<vmem>>
      %dma_wait3A_228 = arith.constant 0 : i32
      %dma_wait3A_229 = arith.constant 0 : i32
      %dma_wait3A_230 = tpu.memref_slice %arg21[%dma_wait3A_228, %dma_wait3A_229] : memref<10112x64xf32, #tpu.memory_space<vmem_shared>> -> memref<10112x64xf32, #tpu.memory_space<vmem_shared>>
      tpu.wait_indirect_dma semaphore(%arg18 : memref<!tpu.dma_semaphore, #tpu.memory_space<semaphore_mem>>) src(%arg9 : memref<128x64xf32, #tpu.memory_space<vmem>>) dst(%dma_wait3A_230 : memref<10112x64xf32, #tpu.memory_space<vmem_shared>>)
      %add3A_231 = arith.constant 1 : i32
      %add3A_232 = arith.addi %add3A_140, %add3A_231 : i32
      %add3A_233 = arith.constant 4 : i32
      %add3A_234 = arith.addi %add3A_232, %add3A_233 : i32
      %dma_start3A_235 = arith.constant 0 : i32
      %dma_start3A_236 = tpu.memref_slice %arg6[%add3A_234, %dma_start3A_235] : memref<160x128xi32, #tpu.memory_space<vmem>> -> memref<1x128xi32, #tpu.memory_space<vmem>>
      %dma_start3A_237 = tpu.memref_squeeze %dma_start3A_236 : memref<1x128xi32, #tpu.memory_space<vmem>> -> memref<128xi32, #tpu.memory_space<vmem>>
      %dma_start3A_238 = arith.constant 0 : i32
      %dma_start3A_239 = arith.constant 0 : i32
      %dma_start3A_240 = tpu.memref_slice %arg2[%dma_start3A_238, %dma_start3A_239] : memref<20224x64xf32, #tpu.memory_space<hbm>> -> memref<20224x64xf32, #tpu.memory_space<hbm>>
      tpu.enqueue_indirect_dma source(%dma_start3A_240 : memref<20224x64xf32, #tpu.memory_space<hbm>>) target(%arg9 : memref<128x64xf32, #tpu.memory_space<vmem>>) offsets(%dma_start3A_237 : memref<128xi32, #tpu.memory_space<vmem>>) semaphore(%arg14 : memref<!tpu.dma_semaphore, #tpu.memory_space<semaphore_mem>>)
      %add3A_241 = arith.constant 2 : i32
      %add3A_242 = arith.addi %add3A_140, %add3A_241 : i32
      %dma_wait3A_243 = arith.constant 0 : i32
      %dma_wait3A_244 = tpu.memref_slice %arg7[%add3A_242, %dma_wait3A_243] : memref<160x128xi32, #tpu.memory_space<vmem>> -> memref<1x128xi32, #tpu.memory_space<vmem>>
      %dma_wait3A_245 = tpu.memref_squeeze %dma_wait3A_244 : memref<1x128xi32, #tpu.memory_space<vmem>> -> memref<128xi32, #tpu.memory_space<vmem>>
      %dma_wait3A_246 = arith.constant 0 : i32
      %dma_wait3A_247 = arith.constant 0 : i32
      %dma_wait3A_248 = tpu.memref_slice %arg21[%dma_wait3A_246, %dma_wait3A_247] : memref<10112x64xf32, #tpu.memory_space<vmem_shared>> -> memref<10112x64xf32, #tpu.memory_space<vmem_shared>>
      tpu.wait_indirect_dma semaphore(%arg19 : memref<!tpu.dma_semaphore, #tpu.memory_space<semaphore_mem>>) src(%arg10 : memref<128x64xf32, #tpu.memory_space<vmem>>) dst(%dma_wait3A_248 : memref<10112x64xf32, #tpu.memory_space<vmem_shared>>)
      %add3A_249 = arith.constant 2 : i32
      %add3A_250 = arith.addi %add3A_140, %add3A_249 : i32
      %add3A_251 = arith.constant 4 : i32
      %add3A_252 = arith.addi %add3A_250, %add3A_251 : i32
      %dma_start3A_253 = arith.constant 0 : i32
      %dma_start3A_254 = tpu.memref_slice %arg6[%add3A_252, %dma_start3A_253] : memref<160x128xi32, #tpu.memory_space<vmem>> -> memref<1x128xi32, #tpu.memory_space<vmem>>
      %dma_start3A_255 = tpu.memref_squeeze %dma_start3A_254 : memref<1x128xi32, #tpu.memory_space<vmem>> -> memref<128xi32, #tpu.memory_space<vmem>>
      %dma_start3A_256 = arith.constant 0 : i32
      %dma_start3A_257 = arith.constant 0 : i32
      %dma_start3A_258 = tpu.memref_slice %arg2[%dma_start3A_256, %dma_start3A_257] : memref<20224x64xf32, #tpu.memory_space<hbm>> -> memref<20224x64xf32, #tpu.memory_space<hbm>>
      tpu.enqueue_indirect_dma source(%dma_start3A_258 : memref<20224x64xf32, #tpu.memory_space<hbm>>) target(%arg10 : memref<128x64xf32, #tpu.memory_space<vmem>>) offsets(%dma_start3A_255 : memref<128xi32, #tpu.memory_space<vmem>>) semaphore(%arg15 : memref<!tpu.dma_semaphore, #tpu.memory_space<semaphore_mem>>)
      %add3A_259 = arith.constant 3 : i32
      %add3A_260 = arith.addi %add3A_140, %add3A_259 : i32
      %dma_wait3A_261 = arith.constant 0 : i32
      %dma_wait3A_262 = tpu.memref_slice %arg7[%add3A_260, %dma_wait3A_261] : memref<160x128xi32, #tpu.memory_space<vmem>> -> memref<1x128xi32, #tpu.memory_space<vmem>>
      %dma_wait3A_263 = tpu.memref_squeeze %dma_wait3A_262 : memref<1x128xi32, #tpu.memory_space<vmem>> -> memref<128xi32, #tpu.memory_space<vmem>>
      %dma_wait3A_264 = arith.constant 0 : i32
      %dma_wait3A_265 = arith.constant 0 : i32
      %dma_wait3A_266 = tpu.memref_slice %arg21[%dma_wait3A_264, %dma_wait3A_265] : memref<10112x64xf32, #tpu.memory_space<vmem_shared>> -> memref<10112x64xf32, #tpu.memory_space<vmem_shared>>
      tpu.wait_indirect_dma semaphore(%arg20 : memref<!tpu.dma_semaphore, #tpu.memory_space<semaphore_mem>>) src(%arg11 : memref<128x64xf32, #tpu.memory_space<vmem>>) dst(%dma_wait3A_266 : memref<10112x64xf32, #tpu.memory_space<vmem_shared>>)
      %add3A_267 = arith.constant 3 : i32
      %add3A_268 = arith.addi %add3A_140, %add3A_267 : i32
      %add3A_269 = arith.constant 4 : i32
      %add3A_270 = arith.addi %add3A_268, %add3A_269 : i32
      %dma_start3A_271 = arith.constant 0 : i32
      %dma_start3A_272 = tpu.memref_slice %arg6[%add3A_270, %dma_start3A_271] : memref<160x128xi32, #tpu.memory_space<vmem>> -> memref<1x128xi32, #tpu.memory_space<vmem>>
      %dma_start3A_273 = tpu.memref_squeeze %dma_start3A_272 : memref<1x128xi32, #tpu.memory_space<vmem>> -> memref<128xi32, #tpu.memory_space<vmem>>
      %dma_start3A_274 = arith.constant 0 : i32
      %dma_start3A_275 = arith.constant 0 : i32
      %dma_start3A_276 = tpu.memref_slice %arg2[%dma_start3A_274, %dma_start3A_275] : memref<20224x64xf32, #tpu.memory_space<hbm>> -> memref<20224x64xf32, #tpu.memory_space<hbm>>
      tpu.enqueue_indirect_dma source(%dma_start3A_276 : memref<20224x64xf32, #tpu.memory_space<hbm>>) target(%arg11 : memref<128x64xf32, #tpu.memory_space<vmem>>) offsets(%dma_start3A_273 : memref<128xi32, #tpu.memory_space<vmem>>) semaphore(%arg16 : memref<!tpu.dma_semaphore, #tpu.memory_space<semaphore_mem>>)
    }
    %scan3A_48 = arith.constant 39 : i32
    %dma_wait3A = arith.constant 156 : i32
    %dma_wait3A_49 = arith.constant 0 : i32
    %dma_wait3A_50 = tpu.memref_slice %arg6[%dma_wait3A, %dma_wait3A_49] : memref<160x128xi32, #tpu.memory_space<vmem>> -> memref<1x128xi32, #tpu.memory_space<vmem>>
    %dma_wait3A_51 = tpu.memref_squeeze %dma_wait3A_50 : memref<1x128xi32, #tpu.memory_space<vmem>> -> memref<128xi32, #tpu.memory_space<vmem>>
    %dma_wait3A_52 = arith.constant 0 : i32
    %dma_wait3A_53 = arith.constant 0 : i32
    %dma_wait3A_54 = tpu.memref_slice %arg2[%dma_wait3A_52, %dma_wait3A_53] : memref<20224x64xf32, #tpu.memory_space<hbm>> -> memref<20224x64xf32, #tpu.memory_space<hbm>>
    tpu.wait_indirect_dma semaphore(%arg13 : memref<!tpu.dma_semaphore, #tpu.memory_space<semaphore_mem>>) src(%dma_wait3A_54 : memref<20224x64xf32, #tpu.memory_space<hbm>>) dst(%arg8 : memref<128x64xf32, #tpu.memory_space<vmem>>)
    %dma_start3A_55 = arith.constant 156 : i32
    %dma_start3A_56 = arith.constant 0 : i32
    %dma_start3A_57 = tpu.memref_slice %arg7[%dma_start3A_55, %dma_start3A_56] : memref<160x128xi32, #tpu.memory_space<vmem>> -> memref<1x128xi32, #tpu.memory_space<vmem>>
    %dma_start3A_58 = tpu.memref_squeeze %dma_start3A_57 : memref<1x128xi32, #tpu.memory_space<vmem>> -> memref<128xi32, #tpu.memory_space<vmem>>
    %dma_start3A_59 = arith.constant 0 : i32
    %dma_start3A_60 = arith.constant 0 : i32
    %dma_start3A_61 = tpu.memref_slice %arg21[%dma_start3A_59, %dma_start3A_60] : memref<10112x64xf32, #tpu.memory_space<vmem_shared>> -> memref<10112x64xf32, #tpu.memory_space<vmem_shared>>
    tpu.enqueue_indirect_dma source(%arg8 : memref<128x64xf32, #tpu.memory_space<vmem>>) target(%dma_start3A_61 : memref<10112x64xf32, #tpu.memory_space<vmem_shared>>) offsets(%dma_start3A_58 : memref<128xi32, #tpu.memory_space<vmem>>) semaphore(%arg17 : memref<!tpu.dma_semaphore, #tpu.memory_space<semaphore_mem>>) {add = true}
    %dma_wait3A_62 = arith.constant 157 : i32
    %dma_wait3A_63 = arith.constant 0 : i32
    %dma_wait3A_64 = tpu.memref_slice %arg6[%dma_wait3A_62, %dma_wait3A_63] : memref<160x128xi32, #tpu.memory_space<vmem>> -> memref<1x128xi32, #tpu.memory_space<vmem>>
    %dma_wait3A_65 = tpu.memref_squeeze %dma_wait3A_64 : memref<1x128xi32, #tpu.memory_space<vmem>> -> memref<128xi32, #tpu.memory_space<vmem>>
    %dma_wait3A_66 = arith.constant 0 : i32
    %dma_wait3A_67 = arith.constant 0 : i32
    %dma_wait3A_68 = tpu.memref_slice %arg2[%dma_wait3A_66, %dma_wait3A_67] : memref<20224x64xf32, #tpu.memory_space<hbm>> -> memref<20224x64xf32, #tpu.memory_space<hbm>>
    tpu.wait_indirect_dma semaphore(%arg14 : memref<!tpu.dma_semaphore, #tpu.memory_space<semaphore_mem>>) src(%dma_wait3A_68 : memref<20224x64xf32, #tpu.memory_space<hbm>>) dst(%arg9 : memref<128x64xf32, #tpu.memory_space<vmem>>)
    %dma_start3A_69 = arith.constant 157 : i32
    %dma_start3A_70 = arith.constant 0 : i32
    %dma_start3A_71 = tpu.memref_slice %arg7[%dma_start3A_69, %dma_start3A_70] : memref<160x128xi32, #tpu.memory_space<vmem>> -> memref<1x128xi32, #tpu.memory_space<vmem>>
    %dma_start3A_72 = tpu.memref_squeeze %dma_start3A_71 : memref<1x128xi32, #tpu.memory_space<vmem>> -> memref<128xi32, #tpu.memory_space<vmem>>
    %dma_start3A_73 = arith.constant 0 : i32
    %dma_start3A_74 = arith.constant 0 : i32
    %dma_start3A_75 = tpu.memref_slice %arg21[%dma_start3A_73, %dma_start3A_74] : memref<10112x64xf32, #tpu.memory_space<vmem_shared>> -> memref<10112x64xf32, #tpu.memory_space<vmem_shared>>
    tpu.enqueue_indirect_dma source(%arg9 : memref<128x64xf32, #tpu.memory_space<vmem>>) target(%dma_start3A_75 : memref<10112x64xf32, #tpu.memory_space<vmem_shared>>) offsets(%dma_start3A_72 : memref<128xi32, #tpu.memory_space<vmem>>) semaphore(%arg18 : memref<!tpu.dma_semaphore, #tpu.memory_space<semaphore_mem>>) {add = true}
    %dma_wait3A_76 = arith.constant 158 : i32
    %dma_wait3A_77 = arith.constant 0 : i32
    %dma_wait3A_78 = tpu.memref_slice %arg6[%dma_wait3A_76, %dma_wait3A_77] : memref<160x128xi32, #tpu.memory_space<vmem>> -> memref<1x128xi32, #tpu.memory_space<vmem>>
    %dma_wait3A_79 = tpu.memref_squeeze %dma_wait3A_78 : memref<1x128xi32, #tpu.memory_space<vmem>> -> memref<128xi32, #tpu.memory_space<vmem>>
    %dma_wait3A_80 = arith.constant 0 : i32
    %dma_wait3A_81 = arith.constant 0 : i32
    %dma_wait3A_82 = tpu.memref_slice %arg2[%dma_wait3A_80, %dma_wait3A_81] : memref<20224x64xf32, #tpu.memory_space<hbm>> -> memref<20224x64xf32, #tpu.memory_space<hbm>>
    tpu.wait_indirect_dma semaphore(%arg15 : memref<!tpu.dma_semaphore, #tpu.memory_space<semaphore_mem>>) src(%dma_wait3A_82 : memref<20224x64xf32, #tpu.memory_space<hbm>>) dst(%arg10 : memref<128x64xf32, #tpu.memory_space<vmem>>)
    %dma_start3A_83 = arith.constant 158 : i32
    %dma_start3A_84 = arith.constant 0 : i32
    %dma_start3A_85 = tpu.memref_slice %arg7[%dma_start3A_83, %dma_start3A_84] : memref<160x128xi32, #tpu.memory_space<vmem>> -> memref<1x128xi32, #tpu.memory_space<vmem>>
    %dma_start3A_86 = tpu.memref_squeeze %dma_start3A_85 : memref<1x128xi32, #tpu.memory_space<vmem>> -> memref<128xi32, #tpu.memory_space<vmem>>
    %dma_start3A_87 = arith.constant 0 : i32
    %dma_start3A_88 = arith.constant 0 : i32
    %dma_start3A_89 = tpu.memref_slice %arg21[%dma_start3A_87, %dma_start3A_88] : memref<10112x64xf32, #tpu.memory_space<vmem_shared>> -> memref<10112x64xf32, #tpu.memory_space<vmem_shared>>
    tpu.enqueue_indirect_dma source(%arg10 : memref<128x64xf32, #tpu.memory_space<vmem>>) target(%dma_start3A_89 : memref<10112x64xf32, #tpu.memory_space<vmem_shared>>) offsets(%dma_start3A_86 : memref<128xi32, #tpu.memory_space<vmem>>) semaphore(%arg19 : memref<!tpu.dma_semaphore, #tpu.memory_space<semaphore_mem>>) {add = true}
    %dma_wait3A_90 = arith.constant 159 : i32
    %dma_wait3A_91 = arith.constant 0 : i32
    %dma_wait3A_92 = tpu.memref_slice %arg6[%dma_wait3A_90, %dma_wait3A_91] : memref<160x128xi32, #tpu.memory_space<vmem>> -> memref<1x128xi32, #tpu.memory_space<vmem>>
    %dma_wait3A_93 = tpu.memref_squeeze %dma_wait3A_92 : memref<1x128xi32, #tpu.memory_space<vmem>> -> memref<128xi32, #tpu.memory_space<vmem>>
    %dma_wait3A_94 = arith.constant 0 : i32
    %dma_wait3A_95 = arith.constant 0 : i32
    %dma_wait3A_96 = tpu.memref_slice %arg2[%dma_wait3A_94, %dma_wait3A_95] : memref<20224x64xf32, #tpu.memory_space<hbm>> -> memref<20224x64xf32, #tpu.memory_space<hbm>>
    tpu.wait_indirect_dma semaphore(%arg16 : memref<!tpu.dma_semaphore, #tpu.memory_space<semaphore_mem>>) src(%dma_wait3A_96 : memref<20224x64xf32, #tpu.memory_space<hbm>>) dst(%arg11 : memref<128x64xf32, #tpu.memory_space<vmem>>)
    %dma_start3A_97 = arith.constant 159 : i32
    %dma_start3A_98 = arith.constant 0 : i32
    %dma_start3A_99 = tpu.memref_slice %arg7[%dma_start3A_97, %dma_start3A_98] : memref<160x128xi32, #tpu.memory_space<vmem>> -> memref<1x128xi32, #tpu.memory_space<vmem>>
    %dma_start3A_100 = tpu.memref_squeeze %dma_start3A_99 : memref<1x128xi32, #tpu.memory_space<vmem>> -> memref<128xi32, #tpu.memory_space<vmem>>
    %dma_start3A_101 = arith.constant 0 : i32
    %dma_start3A_102 = arith.constant 0 : i32
    %dma_start3A_103 = tpu.memref_slice %arg21[%dma_start3A_101, %dma_start3A_102] : memref<10112x64xf32, #tpu.memory_space<vmem_shared>> -> memref<10112x64xf32, #tpu.memory_space<vmem_shared>>
    tpu.enqueue_indirect_dma source(%arg11 : memref<128x64xf32, #tpu.memory_space<vmem>>) target(%dma_start3A_103 : memref<10112x64xf32, #tpu.memory_space<vmem_shared>>) offsets(%dma_start3A_100 : memref<128xi32, #tpu.memory_space<vmem>>) semaphore(%arg20 : memref<!tpu.dma_semaphore, #tpu.memory_space<semaphore_mem>>) {add = true}
    %dma_wait3A_104 = arith.constant 156 : i32
    %dma_wait3A_105 = arith.constant 0 : i32
    %dma_wait3A_106 = tpu.memref_slice %arg7[%dma_wait3A_104, %dma_wait3A_105] : memref<160x128xi32, #tpu.memory_space<vmem>> -> memref<1x128xi32, #tpu.memory_space<vmem>>
    %dma_wait3A_107 = tpu.memref_squeeze %dma_wait3A_106 : memref<1x128xi32, #tpu.memory_space<vmem>> -> memref<128xi32, #tpu.memory_space<vmem>>
    %dma_wait3A_108 = arith.constant 0 : i32
    %dma_wait3A_109 = arith.constant 0 : i32
    %dma_wait3A_110 = tpu.memref_slice %arg21[%dma_wait3A_108, %dma_wait3A_109] : memref<10112x64xf32, #tpu.memory_space<vmem_shared>> -> memref<10112x64xf32, #tpu.memory_space<vmem_shared>>
    tpu.wait_indirect_dma semaphore(%arg17 : memref<!tpu.dma_semaphore, #tpu.memory_space<semaphore_mem>>) src(%arg8 : memref<128x64xf32, #tpu.memory_space<vmem>>) dst(%dma_wait3A_110 : memref<10112x64xf32, #tpu.memory_space<vmem_shared>>)
    %dma_wait3A_111 = arith.constant 157 : i32
    %dma_wait3A_112 = arith.constant 0 : i32
    %dma_wait3A_113 = tpu.memref_slice %arg7[%dma_wait3A_111, %dma_wait3A_112] : memref<160x128xi32, #tpu.memory_space<vmem>> -> memref<1x128xi32, #tpu.memory_space<vmem>>
    %dma_wait3A_114 = tpu.memref_squeeze %dma_wait3A_113 : memref<1x128xi32, #tpu.memory_space<vmem>> -> memref<128xi32, #tpu.memory_space<vmem>>
    %dma_wait3A_115 = arith.constant 0 : i32
    %dma_wait3A_116 = arith.constant 0 : i32
    %dma_wait3A_117 = tpu.memref_slice %arg21[%dma_wait3A_115, %dma_wait3A_116] : memref<10112x64xf32, #tpu.memory_space<vmem_shared>> -> memref<10112x64xf32, #tpu.memory_space<vmem_shared>>
    tpu.wait_indirect_dma semaphore(%arg18 : memref<!tpu.dma_semaphore, #tpu.memory_space<semaphore_mem>>) src(%arg9 : memref<128x64xf32, #tpu.memory_space<vmem>>) dst(%dma_wait3A_117 : memref<10112x64xf32, #tpu.memory_space<vmem_shared>>)
    %dma_wait3A_118 = arith.constant 158 : i32
    %dma_wait3A_119 = arith.constant 0 : i32
    %dma_wait3A_120 = tpu.memref_slice %arg7[%dma_wait3A_118, %dma_wait3A_119] : memref<160x128xi32, #tpu.memory_space<vmem>> -> memref<1x128xi32, #tpu.memory_space<vmem>>
    %dma_wait3A_121 = tpu.memref_squeeze %dma_wait3A_120 : memref<1x128xi32, #tpu.memory_space<vmem>> -> memref<128xi32, #tpu.memory_space<vmem>>
    %dma_wait3A_122 = arith.constant 0 : i32
    %dma_wait3A_123 = arith.constant 0 : i32
    %dma_wait3A_124 = tpu.memref_slice %arg21[%dma_wait3A_122, %dma_wait3A_123] : memref<10112x64xf32, #tpu.memory_space<vmem_shared>> -> memref<10112x64xf32, #tpu.memory_space<vmem_shared>>
    tpu.wait_indirect_dma semaphore(%arg19 : memref<!tpu.dma_semaphore, #tpu.memory_space<semaphore_mem>>) src(%arg10 : memref<128x64xf32, #tpu.memory_space<vmem>>) dst(%dma_wait3A_124 : memref<10112x64xf32, #tpu.memory_space<vmem_shared>>)
    %dma_wait3A_125 = arith.constant 159 : i32
    %dma_wait3A_126 = arith.constant 0 : i32
    %dma_wait3A_127 = tpu.memref_slice %arg7[%dma_wait3A_125, %dma_wait3A_126] : memref<160x128xi32, #tpu.memory_space<vmem>> -> memref<1x128xi32, #tpu.memory_space<vmem>>
    %dma_wait3A_128 = tpu.memref_squeeze %dma_wait3A_127 : memref<1x128xi32, #tpu.memory_space<vmem>> -> memref<128xi32, #tpu.memory_space<vmem>>
    %dma_wait3A_129 = arith.constant 0 : i32
    %dma_wait3A_130 = arith.constant 0 : i32
    %dma_wait3A_131 = tpu.memref_slice %arg21[%dma_wait3A_129, %dma_wait3A_130] : memref<10112x64xf32, #tpu.memory_space<vmem_shared>> -> memref<10112x64xf32, #tpu.memory_space<vmem_shared>>
    tpu.wait_indirect_dma semaphore(%arg20 : memref<!tpu.dma_semaphore, #tpu.memory_space<semaphore_mem>>) src(%arg11 : memref<128x64xf32, #tpu.memory_space<vmem>>) dst(%dma_wait3A_131 : memref<10112x64xf32, #tpu.memory_space<vmem_shared>>)
    %barrier3A_132 = arith.constant 0 : index
    tpu.barrier barrier_id(%barrier3A_132)
    %mul3A_133 = arith.constant 10112 : i32
    %mul3A_134 = arith.muli %arg0, %mul3A_133 : i32
    %add3A_135 = arith.addi %mul3A_134, %mul3A_2 : i32
    "tpu.region"() ({
      %run_scoped3A = tpu.sem_alloc : memref<!tpu.dma_semaphore, #tpu.memory_space<semaphore_mem>>
      %dma_start3A_136 = arith.constant 0 : i32
      %dma_start3A_137 = tpu.memref_slice %arg5[%add3A_135, %dma_start3A_136] : memref<20224x64xf32, #tpu.memory_space<hbm>> -> memref<632x64xf32, #tpu.memory_space<hbm>>
      %dma_start3A_138 = arith.constant 0 : i32
      %dma_start3A_139 = tpu.memref_slice %arg21[%mul3A_2, %dma_start3A_138] : memref<10112x64xf32, #tpu.memory_space<vmem_shared>> -> memref<632x64xf32, #tpu.memory_space<vmem_shared>>
      tpu.enqueue_dma source(%dma_start3A_139 : memref<632x64xf32, #tpu.memory_space<vmem_shared>>) target(%dma_start3A_137 : memref<632x64xf32, #tpu.memory_space<hbm>>) target_semaphore(%run_scoped3A : memref<!tpu.dma_semaphore, #tpu.memory_space<semaphore_mem>>)
      %dma_wait3A_140 = arith.constant 0 : i32
      %dma_wait3A_141 = tpu.memref_slice %arg5[%add3A_135, %dma_wait3A_140] : memref<20224x64xf32, #tpu.memory_space<hbm>> -> memref<632x64xf32, #tpu.memory_space<hbm>>
      %dma_wait3A_142 = arith.constant 0 : i32
      %dma_wait3A_143 = tpu.memref_slice %arg21[%mul3A_2, %dma_wait3A_142] : memref<10112x64xf32, #tpu.memory_space<vmem_shared>> -> memref<632x64xf32, #tpu.memory_space<vmem_shared>>
      tpu.wait_dma2 semaphore(%run_scoped3A : memref<!tpu.dma_semaphore, #tpu.memory_space<semaphore_mem>>) src(%dma_wait3A_143 : memref<632x64xf32, #tpu.memory_space<vmem_shared>>) dst(%dma_wait3A_141 : memref<632x64xf32, #tpu.memory_space<hbm>>)
      tpu.yield
    }) : () -> ()
    return
  }
}

module attributes {stable_mosaic.version = 14 : i64} {
  func.func @body(%arg0: memref<10000x128xf32, #tpu.memory_space<vmem>>, %arg1: memref<128x128xf32, #tpu.memory_space<vmem>>, %arg2: memref<20224x16xf32, #tpu.memory_space<vmem>>, %arg3: memref<10112x128xf32, #tpu.memory_space<vmem>>, %arg4: memref<10112x1xf32, #tpu.memory_space<vmem>>, %arg5: memref<10112x128xf32, #tpu.memory_space<vmem>>) attributes {dimension_semantics = [], scalar_prefetch = 0 : i64, scratch_operands = 0 : i64, tpu.core_type = #tpu.core_type<tc>} {
    %get3A = arith.constant 0 : index
    %get3A_0 = arith.constant 0 : index
    %get3A_1 = vector.load %arg0[%get3A, %get3A_0] : memref<10000x128xf32, #tpu.memory_space<vmem>>, vector<10000x128xf32>
    %get3A_2 = arith.constant 0 : index
    %get3A_3 = arith.constant 0 : index
    %get3A_4 = vector.load %arg1[%get3A_2, %get3A_3] : memref<128x128xf32, #tpu.memory_space<vmem>>, vector<128x128xf32>
    %dot_general3A = arith.constant dense<0.000000e+00> : vector<10000x128xf32>
    %dot_general3A_5 = tpu.matmul %get3A_1, %get3A_4, %dot_general3A {dimension_numbers = #tpu.dot_dimension_numbers<[1], [0], [0], [1], [0, 0, 1, 1], [], []>, transpose_lhs_hint = false} : vector<10000x128xf32>, vector<128x128xf32>, vector<10000x128xf32> -> vector<10000x128xf32>
    %get3A_6 = arith.constant 0 : index
    %get3A_7 = arith.constant 0 : index
    %get3A_8 = vector.load %arg2[%get3A_6, %get3A_7] : memref<20224x16xf32, #tpu.memory_space<vmem>>, vector<10112x1xf32>
    %get3A_9 = arith.constant 10112 : index
    %get3A_10 = arith.constant 0 : index
    %get3A_11 = vector.load %arg2[%get3A_9, %get3A_10] : memref<20224x16xf32, #tpu.memory_space<vmem>>, vector<10112x1xf32>
    %add3A = arith.addf %get3A_8, %get3A_11 : vector<10112x1xf32>
    %add3A_12 = arith.constant 1.000000e+00 : f32
    %add3A_13 = vector.broadcast %add3A_12 : f32 to vector<10112x1xf32>
    %add3A_14 = arith.addf %add3A, %add3A_13 : vector<10112x1xf32>
    %rsqrt3A = math.rsqrt %add3A_14 : vector<10112x1xf32>
    %swap3A = arith.constant 0 : index
    %swap3A_15 = arith.constant 0 : index
    %swap3A_16 = vector.load %arg4[%swap3A, %swap3A_15] : memref<10112x1xf32, #tpu.memory_space<vmem>>, vector<10112x1xf32>
    tpu.vector_store %arg4[%swap3A, %swap3A_15], %rsqrt3A {strides = array<i32>} : memref<10112x1xf32, #tpu.memory_space<vmem>>, vector<10112x1xf32>,
    %swap3A_17 = arith.constant 0 : index
    %swap3A_18 = arith.constant 0 : index
    %swap3A_19 = vector.load %arg3[%swap3A_17, %swap3A_18] : memref<10112x128xf32, #tpu.memory_space<vmem>>, vector<10000x128xf32>
    tpu.vector_store %arg3[%swap3A_17, %swap3A_18], %dot_general3A_5 {strides = array<i32>} : memref<10112x128xf32, #tpu.memory_space<vmem>>, vector<10000x128xf32>,
    %slice3A = vector.extract_strided_slice %rsqrt3A {offsets = [0, 0], sizes = [10000, 1], strides = [1, 1]} : vector<10112x1xf32> to vector<10000x1xf32>
    %mul3A = vector.broadcast %slice3A : vector<10000x1xf32> to vector<10000x128xf32>
    %mul3A_20 = arith.mulf %dot_general3A_5, %mul3A : vector<10000x128xf32>
    %swap3A_21 = arith.constant 0 : index
    %swap3A_22 = arith.constant 0 : index
    %swap3A_23 = vector.load %arg5[%swap3A_21, %swap3A_22] : memref<10112x128xf32, #tpu.memory_space<vmem>>, vector<10000x128xf32>
    tpu.vector_store %arg5[%swap3A_21, %swap3A_22], %mul3A_20 {strides = array<i32>} : memref<10112x128xf32, #tpu.memory_space<vmem>>, vector<10000x128xf32>,
    return
  }
}

module attributes {stable_mosaic.version = 14 : i64} {
  func.func @body(%arg0: memref<20224x64xf32, #tpu.memory_space<vmem>>, %arg1: memref<10112x128xf32, #tpu.memory_space<vmem>>, %arg2: memref<10112x1xf32, #tpu.memory_space<vmem>>, %arg3: memref<1x128xf32, #tpu.memory_space<vmem>>, %arg4: memref<128x64xf32, #tpu.memory_space<vmem>>, %arg5: memref<10112x64xf32, #tpu.memory_space<vmem>>, %arg6: memref<10112x64xf32, #tpu.memory_space<vmem>>) attributes {dimension_semantics = [], scalar_prefetch = 0 : i64, scratch_operands = 0 : i64, tpu.core_type = #tpu.core_type<tc>} {
    %get3A = arith.constant 0 : index
    %get3A_0 = arith.constant 0 : index
    %get3A_1 = vector.load %arg2[%get3A, %get3A_0] : memref<10112x1xf32, #tpu.memory_space<vmem>>, vector<10000x1xf32>
    %get3A_2 = arith.constant 0 : index
    %get3A_3 = arith.constant 0 : index
    %get3A_4 = vector.load %arg0[%get3A_2, %get3A_3] : memref<20224x64xf32, #tpu.memory_space<vmem>>, vector<10000x64xf32>
    %get3A_5 = arith.constant 10112 : index
    %get3A_6 = arith.constant 0 : index
    %get3A_7 = vector.load %arg0[%get3A_5, %get3A_6] : memref<20224x64xf32, #tpu.memory_space<vmem>>, vector<10000x64xf32>
    %concatenate3A = tpu.concatenate %get3A_4, %get3A_7 in 1 : vector<10000x64xf32>, vector<10000x64xf32> -> vector<10000x128xf32>
    %mul3A = vector.broadcast %get3A_1 : vector<10000x1xf32> to vector<10000x128xf32>
    %mul3A_8 = arith.mulf %concatenate3A, %mul3A : vector<10000x128xf32>
    %get3A_9 = arith.constant 0 : index
    %get3A_10 = arith.constant 0 : index
    %get3A_11 = vector.load %arg1[%get3A_9, %get3A_10] : memref<10112x128xf32, #tpu.memory_space<vmem>>, vector<10000x128xf32>
    %mul3A_12 = arith.mulf %get3A_1, %get3A_1 : vector<10000x1xf32>
    %mul3A_13 = vector.broadcast %mul3A_12 : vector<10000x1xf32> to vector<10000x128xf32>
    %mul3A_14 = arith.mulf %get3A_11, %mul3A_13 : vector<10000x128xf32>
    %add3A = arith.addf %mul3A_8, %mul3A_14 : vector<10000x128xf32>
    %get3A_15 = arith.constant 0 : index
    %get3A_16 = arith.constant 0 : index
    %get3A_17 = vector.load %arg3[%get3A_15, %get3A_16] : memref<1x128xf32, #tpu.memory_space<vmem>>, vector<1x128xf32>
    %add3A_18 = vector.broadcast %get3A_17 : vector<1x128xf32> to vector<10000x128xf32>
    %add3A_19 = arith.addf %add3A, %add3A_18 : vector<10000x128xf32>
    %max3A = arith.constant 0.000000e+00 : f32
    %max3A_20 = vector.broadcast %max3A : f32 to vector<10000x128xf32>
    %max3A_21 = arith.maximumf %add3A_19, %max3A_20 : vector<10000x128xf32>
    %get3A_22 = arith.constant 0 : index
    %get3A_23 = arith.constant 0 : index
    %get3A_24 = vector.load %arg4[%get3A_22, %get3A_23] : memref<128x64xf32, #tpu.memory_space<vmem>>, vector<128x64xf32>
    %dot_general3A = arith.constant dense<0.000000e+00> : vector<10000x64xf32>
    %dot_general3A_25 = tpu.matmul %max3A_21, %get3A_24, %dot_general3A {dimension_numbers = #tpu.dot_dimension_numbers<[1], [0], [0], [1], [0, 0, 1, 1], [], []>, transpose_lhs_hint = false} : vector<10000x128xf32>, vector<128x64xf32>, vector<10000x64xf32> -> vector<10000x64xf32>
    %swap3A = arith.constant 0 : index
    %swap3A_26 = arith.constant 0 : index
    %swap3A_27 = vector.load %arg5[%swap3A, %swap3A_26] : memref<10112x64xf32, #tpu.memory_space<vmem>>, vector<10000x64xf32>
    tpu.vector_store %arg5[%swap3A, %swap3A_26], %dot_general3A_25 {strides = array<i32>} : memref<10112x64xf32, #tpu.memory_space<vmem>>, vector<10000x64xf32>,
    %mul3A_28 = vector.broadcast %get3A_1 : vector<10000x1xf32> to vector<10000x64xf32>
    %mul3A_29 = arith.mulf %dot_general3A_25, %mul3A_28 : vector<10000x64xf32>
    %swap3A_30 = arith.constant 0 : index
    %swap3A_31 = arith.constant 0 : index
    %swap3A_32 = vector.load %arg6[%swap3A_30, %swap3A_31] : memref<10112x64xf32, #tpu.memory_space<vmem>>, vector<10000x64xf32>
    tpu.vector_store %arg6[%swap3A_30, %swap3A_31], %mul3A_29 {strides = array<i32>} : memref<10112x64xf32, #tpu.memory_space<vmem>>, vector<10000x64xf32>,
    return
  }
}

module attributes {stable_mosaic.version = 14 : i64} {
  func.func @body(%arg0: memref<20224x64xf32, #tpu.memory_space<vmem>>, %arg1: memref<10112x64xf32, #tpu.memory_space<vmem>>, %arg2: memref<10112x1xf32, #tpu.memory_space<vmem>>, %arg3: memref<1x64xf32, #tpu.memory_space<vmem>>, %arg4: memref<64x32xf32, #tpu.memory_space<vmem>>, %arg5: memref<1x32xf32, #tpu.memory_space<vmem>>, %arg6: memref<10000x32xf32, #tpu.memory_space<vmem>>) attributes {dimension_semantics = [], scalar_prefetch = 0 : i64, scratch_operands = 0 : i64, tpu.core_type = #tpu.core_type<tc>} {
    %get3A = arith.constant 0 : index
    %get3A_0 = arith.constant 0 : index
    %get3A_1 = vector.load %arg2[%get3A, %get3A_0] : memref<10112x1xf32, #tpu.memory_space<vmem>>, vector<10000x1xf32>
    %get3A_2 = arith.constant 0 : index
    %get3A_3 = arith.constant 0 : index
    %get3A_4 = vector.load %arg0[%get3A_2, %get3A_3] : memref<20224x64xf32, #tpu.memory_space<vmem>>, vector<10000x64xf32>
    %get3A_5 = arith.constant 10112 : index
    %get3A_6 = arith.constant 0 : index
    %get3A_7 = vector.load %arg0[%get3A_5, %get3A_6] : memref<20224x64xf32, #tpu.memory_space<vmem>>, vector<10000x64xf32>
    %add3A = arith.addf %get3A_4, %get3A_7 : vector<10000x64xf32>
    %mul3A = vector.broadcast %get3A_1 : vector<10000x1xf32> to vector<10000x64xf32>
    %mul3A_8 = arith.mulf %add3A, %mul3A : vector<10000x64xf32>
    %get3A_9 = arith.constant 0 : index
    %get3A_10 = arith.constant 0 : index
    %get3A_11 = vector.load %arg1[%get3A_9, %get3A_10] : memref<10112x64xf32, #tpu.memory_space<vmem>>, vector<10000x64xf32>
    %mul3A_12 = arith.mulf %get3A_1, %get3A_1 : vector<10000x1xf32>
    %mul3A_13 = vector.broadcast %mul3A_12 : vector<10000x1xf32> to vector<10000x64xf32>
    %mul3A_14 = arith.mulf %get3A_11, %mul3A_13 : vector<10000x64xf32>
    %add3A_15 = arith.addf %mul3A_8, %mul3A_14 : vector<10000x64xf32>
    %get3A_16 = arith.constant 0 : index
    %get3A_17 = arith.constant 0 : index
    %get3A_18 = vector.load %arg3[%get3A_16, %get3A_17] : memref<1x64xf32, #tpu.memory_space<vmem>>, vector<1x64xf32>
    %add3A_19 = vector.broadcast %get3A_18 : vector<1x64xf32> to vector<10000x64xf32>
    %add3A_20 = arith.addf %add3A_15, %add3A_19 : vector<10000x64xf32>
    %max3A = arith.constant 0.000000e+00 : f32
    %max3A_21 = vector.broadcast %max3A : f32 to vector<10000x64xf32>
    %max3A_22 = arith.maximumf %add3A_20, %max3A_21 : vector<10000x64xf32>
    %get3A_23 = arith.constant 0 : index
    %get3A_24 = arith.constant 0 : index
    %get3A_25 = vector.load %arg4[%get3A_23, %get3A_24] : memref<64x32xf32, #tpu.memory_space<vmem>>, vector<64x32xf32>
    %dot_general3A = arith.constant dense<0.000000e+00> : vector<10000x32xf32>
    %dot_general3A_26 = tpu.matmul %max3A_22, %get3A_25, %dot_general3A {dimension_numbers = #tpu.dot_dimension_numbers<[1], [0], [0], [1], [0, 0, 1, 1], [], []>, transpose_lhs_hint = false} : vector<10000x64xf32>, vector<64x32xf32>, vector<10000x32xf32> -> vector<10000x32xf32>
    %get3A_27 = arith.constant 0 : index
    %get3A_28 = arith.constant 0 : index
    %get3A_29 = vector.load %arg5[%get3A_27, %get3A_28] : memref<1x32xf32, #tpu.memory_space<vmem>>, vector<1x32xf32>
    %add3A_30 = vector.broadcast %get3A_29 : vector<1x32xf32> to vector<10000x32xf32>
    %add3A_31 = arith.addf %dot_general3A_26, %add3A_30 : vector<10000x32xf32>
    %swap3A = arith.constant 0 : index
    %swap3A_32 = arith.constant 0 : index
    %swap3A_33 = vector.load %arg6[%swap3A, %swap3A_32] : memref<10000x32xf32, #tpu.memory_space<vmem>>, vector<10000x32xf32>
    tpu.vector_store %arg6[%swap3A, %swap3A_32], %add3A_31 {strides = array<i32>} : memref<10000x32xf32, #tpu.memory_space<vmem>>, vector<10000x32xf32>,
    return
  }
}

</mosaic_0001>

<sc_bundles>
// kernel: kernel.11.cloned.1.call-start
scs
__scs_entry_jumppad:
0x0: {  	(pc) =	sbr.rel $0x88, $3  }
0x1: {  	(tag) =	ssettag $0x0;
	lr =	simm.s32 $0x1  }
0x2: {  	[smem:$0x3F99] =	sst lr;
	_ =	strace $0xD0000000  }
0x3: {  	_ = 	snop  }
0x4: {  	_ = 	snop  }
0x5: {  	_ = 	snop  }
0x6: {  	_ = 	snop  }
0x7: {  	_ = 	snop  }
__scs_overlays_trampoline_lowered:
0x8: {  	[smem:$0x3FA8] =	sst s0  }
0x9: {  	[smem:$0x3FA9] =	sst s1  }
0xa: {  	[smem:$0x3FAA] =	sst s2  }
0xb: {  	[smem:$0x3FAB] =	sst s3  }
0xc: {  	[smem:$0x3FAC] =	sst s4  }
0xd: {  	[smem:$0x3FAD] =	sst s5  }
0xe: {  	[smem:$0x3FAE] =	sst s6  }
0xf: {  	[smem:$0x3FAF] =	sst s7  }
0x10: {  	[smem:$0x3FB0] =	sst s8  }
0x11: {  	[smem:$0x3FB1] =	sst s9;
	s0 =	simm.s32 @!p0 $0x0  }
0x12: {  	s1 =	sld [smem:$0x3F97];
	s0 =	simm.s32 @p0 $0x1  }
0x13: {  	[smem:$0x3FB2] =	sst s0;
	s0 =	simm.s32 @!p1 $0x0  }
0x14: {  	s2 =	sld [smem:$0x3F96];
	s0 =	simm.s32 @p1 $0x1  }
0x15: {  	[smem:$0x3FB3] =	sst s0;
	s0 =	simm.s32 @!p2 $0x0  }
0x16: {  	s3 =	sld [smem:$0x3FDB];
	s0 =	simm.s32 @p2 $0x1  }
0x17: {  	s4 =	simm.s32 $0x1BF5;
	[smem:$0x3FB5] =	sst s0  }
0x18: {  	s0 =	sld [smem:$0x3F98];
	_ =	swait.ge [sflag:s4], $0x0  }
0x19: {  	s7 =	sld [smem:$0x3F99]  }
0x1a: {  	s8 =	sadd.s32 $0xFFFFE003, lr  }
0x1b: {  	s9 =	sadd.s32 $0xFFFFFEF7, lr;
	s5 =	simm.s32 $0xFFFFFFFF;
	p2 =	slt.u32 s8, $0xFFFFF086  }
0x1c: {  	p1 =	slt.u32 s9, $0xF7A;
	s5 =	simm.s32 @!p2 $0x0  }
0x1d: {  	s5 =	simm.s32 @p1 $0x1;
	p0 =	seq.s32 s7, s2  }
0x1e: {  	s7 =	smul.u32 @!p0 $0xF7A, s2;
	p2 =	seq.s32 @!p0 s5, $0x0  }
0x1f: {  	s9 =	smul.u32 $0xF7A, s1;
	s8 =	simm.s32 @!p0 $0x1BF5;
	p2 =	por !p2, p0  }
0x20: {  	[sflag:s8] =	ssyncset.s32 @!p0 $0xFFFFF086;
	s6 =	sadd.s32 @!p0 s3, s7;
	s7 =	simm.s32 @!p0 $0x108  }
0x21: {  	s3 =	sadd.s32 s3, s9;
	s6 =	sadd.s32 @!p0 $0x88, s6;
	s7 =	simm.s32 @p2 $0x1082  }
0x22: {  	[simem:s7], [sflag:s8] =	dma.local @!p0 [hbm:s6], $0xF7A  }
0x23: {  	s9 =	sor.u32 $0xD0000000, s2;
	s6 =	simm.s32 $0x108;
	_ =	swait.ge @!p0 [sflag:s8], $0x0  }
0x24: {  	s3 =	sadd.s32 $0x88, s3;
	s6 =	simm.s32 @!p1 $0x1082;
	[sflag:s4] =	ssyncset.s32 $0xFFFFF086  }
0x25: {  	[simem:s6], [sflag:s4] =	dma.local [hbm:s3], $0xF7A  }
0x26: {  	[smem:$0x3F99] =	sst s1;
	(tag) =	ssettag s2;
	_ =	strace s9  }
0x27: {  	s1 =	sld [smem:$0x3FA9]  }
0x28: {  	s2 =	sld [smem:$0x3FAA]  }
0x29: {  	s4 =	sld [smem:$0x3FAC]  }
0x2a: {  	p0 =	seq.s32 s5, $0x0;
	s5 =	sld [smem:$0x3FAD]  }
0x2b: {  	s6 =	sld [smem:$0x3FAE]  }
0x2c: {  	s7 =	sld [smem:$0x3FAF]  }
0x2d: {  	s3 =	simm.s32 $0x108;
	s8 =	sld [smem:$0x3FB0]  }
0x2e: {  	s3 =	simm.s32 @!p0 $0x1082;
	s9 =	sld [smem:$0x3FB1]  }
0x2f: {  	lr =	sadd.s32 s0, s3;
	s0 =	sld [smem:$0x3FA8]  }
0x30: {  	s3 =	sld [smem:$0x3FAB]  }
0x31: {  	[smem:$0x3FB4] =	sst s10  }
0x32: {  	s10 =	sld [smem:$0x3FB2];
	_ =	sdelay $0x3  }
0x33: {  	p0 =	seq.s32 s10, $0x1;
	s10 =	sld [smem:$0x3FB4];
	_ =	sdelay $0x3  }
0x34: {  	[smem:$0x3FB4] =	sst s10  }
0x35: {  	s10 =	sld [smem:$0x3FB3];
	_ =	sdelay $0x3  }
0x36: {  	p1 =	seq.s32 s10, $0x1;
	s10 =	sld [smem:$0x3FB4];
	_ =	sdelay $0x3  }
0x37: {  	[smem:$0x3FB4] =	sst s10  }
0x38: {  	s10 =	sld [smem:$0x3FB5]  }
0x39: {  	_ = 	snop;
	(pc) =	sbr.ind lr, $3  }
0x3a: {  	_ = 	snop  }
0x3b: {  	_ = 	snop  }
0x3c: {  	p2 =	seq.s32 s10, $0x1;
	s10 =	sld [smem:$0x3FB4]  }
0x3d: {  	_ =	shalt  }
0x3e: {  	_ =	shalt  }
0x3f: {  	_ =	shalt  }
0x40: {  	_ =	shalt  }
0x41: {  	_ =	shalt  }
0x42: {  	_ =	shalt  }
0x43: {  	_ =	shalt  }
0x44: {  	_ =	shalt  }
0x45: {  	_ =	shalt  }
0x46: {  	_ =	shalt  }
0x47: {  	_ =	shalt  }
0x48: {  	_ =	shalt  }
0x49: {  	_ =	shalt  }
0x4a: {  	_ =	shalt  }
0x4b: {  	_ =	shalt  }
0x4c: {  	_ =	shalt  }
0x4d: {  	_ =	shalt  }
0x4e: {  	_ =	shalt  }
0x4f: {  	_ =	shalt  }
0x50: {  	_ =	shalt  }
0x51: {  	_ =	shalt  }
0x52: {  	_ =	shalt  }
0x53: {  	_ =	shalt  }
0x54: {  	_ =	shalt  }
0x55: {  	_ =	shalt  }
0x56: {  	_ =	shalt  }
0x57: {  	_ =	shalt  }
0x58: {  	_ =	shalt  }
0x59: {  	_ =	shalt  }
0x5a: {  	_ =	shalt  }
0x5b: {  	_ =	shalt  }
0x5c: {  	_ =	shalt  }
0x5d: {  	_ =	shalt  }
0x5e: {  	_ =	shalt  }
0x5f: {  	_ =	shalt  }
0x60: {  	_ =	shalt  }
0x61: {  	_ =	shalt  }
0x62: {  	_ =	shalt  }
0x63: {  	_ =	shalt  }
0x64: {  	_ =	shalt  }
0x65: {  	_ =	shalt  }
0x66: {  	_ =	shalt  }
0x67: {  	_ =	shalt  }
0x68: {  	_ =	shalt  }
0x69: {  	_ =	shalt  }
0x6a: {  	_ =	shalt  }
0x6b: {  	_ =	shalt  }
0x6c: {  	_ =	shalt  }
0x6d: {  	_ =	shalt  }
0x6e: {  	_ =	shalt  }
0x6f: {  	_ =	shalt  }
0x70: {  	_ =	shalt  }
0x71: {  	_ =	shalt  }
0x72: {  	_ =	shalt  }
0x73: {  	_ =	shalt  }
0x74: {  	_ =	shalt  }
0x75: {  	_ =	shalt  }
0x76: {  	_ =	shalt  }
0x77: {  	_ =	shalt  }
0x78: {  	_ =	shalt  }
0x79: {  	_ =	shalt  }
0x7a: {  	_ =	shalt  }
0x7b: {  	_ =	shalt  }
0x7c: {  	_ =	shalt  }
0x7d: {  	_ =	shalt  }
0x7e: {  	_ =	shalt  }
0x7f: {  	_ =	shalt  }
0x80: {  	_ =	shalt  }
0x81: {  	_ =	shalt  }
0x82: {  	_ =	shalt  }
0x83: {  	_ =	shalt  }
0x84: {  	_ =	shalt  }
0x85: {  	_ =	shalt  }
0x86: {  	_ =	shalt  }
0x87: {  	_ =	shalt  }
.Lfunc_end0:
.L_simem_size_0:
called_computation.1_lowered:
.L_overlay_start_0:
0x88: {  	s2 =	sld [smem:$0x3FD9]  }
0x89: {  	s3 =	sld [smem:$0x3FFE];
	_ =	sdelay $0x1  }
0x8a: {  	s1 =	srdreg.scid  }
0x8b: {  	s0 =	sand.u32 $0x1, s1  }
0x8c: {  	s16 =	sshll.u32 s0, $0xA;
	s2 =	sadd.s32 s3, s2  }
0x8d: {  	s2 =	sadd.s32 s2, s16  }
0x8e: {  	[smem:$0x3FC0] =	sst s2  }
0x8f: {  	_ = 	snop  }
0x90: {  	(tm) =	ssettm $0x1  }
0x91: {  	s17 =	sld [smem:$0x3FFB];
	_ =	sdelay $0x3  }
0x92: {  	_ =	strace s17  }
0x93: {  	s2 =	sld [smem:$0x3FFC];
	_ =	sdelay $0x3  }
0x94: {  	_ =	strace s2  }
0x95: {  	s2 =	sld [smem:$0x3FFD];
	_ =	sdelay $0x3  }
0x96: {  	_ =	strace s2  }
0x97: {  	_ =	strace $0x8FFFFFFF  }
0x98: {  	s18 =	sld [smem:$0x3FDB];
	_ =	sdelay $0x1  }
0x99: {  	s19 =	simm.s32 $_scs_section_size  }
0x9a: {  	s4 =	simm.s32 $_size__tile_overlayer_lowered;
	s5 =	simm.s32 $_tile_overlayer_lowered  }
0x9b: {  	s22 =	simm.s32 $0x1BFF;
	s21 =	sshll.u32 s5, $0x1;
	s2 =	sadd.s32 s19, s18  }
0x9c: {  	s6 =	simm.s32 $0x0;
	s20 =	sshll.u32 s4, $0x1;
	s4 =	sadd.s32 s21, s2  }
0x9d: {  	[timem:s6], [sflag:s22] =	dma.local [hbm:s4], s20  }
0x9e: {  	_ =	swait.ge [sflag:s22], s20  }
0x9f: {  	s3 =	ssub.s32 $0x0, s20;
	[sflag:s22] =	ssyncset.done $0x0  }
0xa0: {  	[sflag:s22] =	ssyncadd.s32 s3;
	_ =	sdelay $0x1  }
0xa1: {  	s23 =	simm.s32 $0x1B8B  }
0xa2: {  	_ =	swait.ge [sflag:s23], $0x1  }
0xa3: {  	[sflag:s23] =	ssyncset.done $0x0  }
0xa4: {  	s25 =	simm.s32 $0x1B8E;
	s24 =	sld [smem:$0x3FFE];
	[sflag:s23] =	ssyncadd.s32 $0xFFFFFFFF  }
0xa5: {  	s26 =	simm.s32 $execute0_lowered;
	[smem:$0x3FD2] =	sst s25  }
0xa6: {  	s4 =	sshll.u32 s26, $0x1;
	_ =	strace $0x80000049;
	[dreg:$0x1] =	wrdreg $0xFFFFFFFF  }
0xa7: {  	s28 =	simm.s32 $_size_execute0_lowered;
	s2 =	sadd.s32 s2, s4;
	[dreg:$0x0] =	wrdreg $0x0  }
0xa8: {  	s4 =	sshll.u32 s28, $0x1;
	[dreg:$0x2] =	wrdreg s2  }
0xa9: {  	[dreg:$0x3] =	wrdreg s4  }
0xaa: {  	[dreg:$0x4] =	wrdreg $0xC0  }
0xab: {  	_ =	task [dreg:s6], $0x5FFFF  }
0xac: {  	[dreg:$0x1] =	wrdreg $0xFFFFFFFF  }
0xad: {  	[dreg:$0x0] =	wrdreg $0x60  }
0xae: {  	[dreg:$0x2] =	wrdreg s24  }
0xaf: {  	[dreg:$0x3] =	wrdreg $0x140000  }
0xb0: {  	[dreg:$0x4] =	wrdreg $0x9  }
0xb1: {  	_ =	task.clear_ibuf [dreg:s6], $0x5FFFF;
	_ =	strace $0x90000049  }
0xb2: {  	s29 =	simm.s32 $0x9;
	_ =	strace $0x8000004B  }
0xb3: {  	_ =	swait.ge [sflag:s29], $0x1  }
0xb4: {  	[sflag:s29] =	ssyncadd.s32 $0xFFFFFFFF  }
0xb5: {  	_ =	strace $0x9000004B  }
0xb6: {  	_ =	sfence  }
0xb7: {  	s30 =	sld [smem:$0x0];
	_ =	sdelay $0x2  }
0xb8: {  	s31 =	sshll.u32 s1, $0xD;
	s1 =	sshrl.u32 s1, $0x2  }
0xb9: {  	s3 =	sand.u32 $0x4000, s31;
	s1 =	sadd.s32 s1, s30  }
0xba: {  	s0 =	sor.u32 s3, s0;
	s1 =	sshll.u32 s1, $0x11  }
0xbb: {  	s0 =	sor.u32 s1, s0  }
0xbc: {  	s0 =	sadd.s32 $0x8F2B, s0  }
0xbd: {  	[sflag:s0] =	ssyncadd.remote.s32 $0x1  }
0xbe: {  	_ =	sfence.sel $0xFFFF  }
0xbf: {  	[dreg:$0x0] =	wrdreg $0xFFFFFFFF;
	(pc) =	sbr.abs _section_cstart, $3  }
0xc0: {  	[dreg:$0x1] =	wrdreg $0xFFFFFFFF  }
0xc1: {  	_ =	task.clear_ibuf [dreg:s6], $0x2FFFF;
	_ =	strace $0x9FFFFFFF  }
0xc2: {  	(tm) =	ssettm $0x7FFFFFFF  }
0xc3: {  	_ =	shalt  }
tec
execute0_lowered:
.L_overlay_start_1:
0x0: {  	(tag) =	ssettag $0x1  }
0x1: {  	s0 =	srdreg.scid;
	s5 =	rddreg [dreg:$0x0]  }
0x2: {  	s9 =	stileid.u32;
	s2 =	rddreg [dreg:$0x1]  }
0x3: {  	s3 =	simm.s32 $0x0;
	s14 =	simm.s32 $0x9;
	s16 =	simm.s32 $0x80  }
0x4: {  	s17 =	simm.s32 $0xA000;
	s18 =	simm.s32 $0xC000;
	s20 =	simm.s32 $0xE000  }
0x5: {  	s22 =	simm.s32 $0x10000;
	s23 =	simm.s32 $0x12000;
	s28 =	simm.s32 $0x4  }
0x6: {  	s29 =	simm.s32 $0x5;
	s30 =	simm.s32 $0x6;
	s31 =	simm.s32 $0x7  }
0x7: {  	s15 =	simm.s32 $0x0;
	s0 =	sand.u32 $0x1, s0;
	s6 =	smul.u32 $0xA00, s9  }
0x8: {  	[smem:$0x7FF] =	sst s3;
	s7 =	smul.u32 $0x13C0, s9;
	s4 =	sadd.s32 $0x2A000, s5  }
0x9: {  	s1 =	sshll.u32 s0, $0x4;
	_ =	strace $0x8000004A;
	s8 =	smul.u32 $0x13C00, s0  }
0xa: {  	s0 =	ssub.s32 $0x2, s0;
	s1 =	sor.u32 s9, s1;
	s9 =	smul.u32 $0x27800, s9  }
0xb: {  	s10 =	sadd.s32 s6, s5;
	s25 =	sshrl.u32 s0, $0x1;
	s1 =	smul.u32 $0xA00, s1  }
0xc: {  	s24 =	sadd.s32 s7, s8;
	s0 =	ssub.s32 s0, s25;
	s7 =	sadd.s32 $0xC000, s10  }
0xd: {  	s25 =	simm.s32 $0x2;
	s12 =	sadd.s32 s24, s5;
	s26 =	sshrl.u32 s9, $0x2  }
0xe: {  	s13 =	smax.u32 s0, $0x1;
	s24 =	simm.s32 $0x1;
	s1 =	sadd.s32 s1, s5  }
0xf: {  	s6 =	sadd.s32 s26, s2;
	s12 =	sadd.s32 $0x51800, s12;
	s26 =	simm.s32 $0x3  }
0x10: {  	s5 =	sadd.s32 $0x16000, s1;
	s8 =	sadd.s32 $0x2000, s6;
	s9 =	sadd.s32 $0x4000, s6  }
0x11: {  	v0 =	vimm.f32 $0.0e+00;
	s10 =	sadd.s32 $0x6000, s6;
	s11 =	sadd.s32 $0x8000, s6;
	s1 =	simm.s32 $0x8  }
.LBB2_1:
0x12: {  	[tilespmem:s3], [sflag:$0x9] =	stream.linear.gather [hbm4b:s5+s3], $0x5000, $0x38;
	[tilespmem:$0x1DE00] =	vst v63  }
0x13: {  	_ =	swait.ge [sflag:s14], $0x5000  }
0x14: {  	[sflag:s14] =	ssyncset.done $0x0  }
0x15: {  	s0 =	simm.s32 $0x5000;
	[sflag:s14] =	ssyncadd.s32 $0xFFFFB000  }
0x16: {  	[tilespmem:s0], [sflag:$0x9] =	stream.linear.gather [hbm4b:s7+s3], $0x5000, $0x38;
	[tilespmem:$0x1DE00] =	vst v63  }
0x17: {  	_ =	swait.ge [sflag:s14], $0x5000  }
0x18: {  	[sflag:s14] =	ssyncset.done $0x0  }
0x19: {  	[sflag:s14] =	ssyncadd.s32 $0xFFFFB000  }
0x1a: {  	[tilespmem:s17], [sflag:$0x1] =	stream.indirect.gather [hbm4b:s4+s16], $0x40, s3, s16, $0xb8;
	[tilespmem:$0x1DE00] =	vst v63  }
0x1b: {  	_ = 	snop  }
0x1c: {  	[tilespmem:s18], [sflag:$0x2] =	stream.indirect.gather [hbm4b:s4+s16], $0x40, s16, s16, $0xb8;
	[tilespmem:$0x1DE00] =	vst v63  }
0x1d: {  	s19 =	simm.s32 $0x100  }
0x1e: {  	[tilespmem:s20], [sflag:$0x3] =	stream.indirect.gather [hbm4b:s4+s16], $0x40, s19, s16, $0xb8;
	[tilespmem:$0x1DE00] =	vst v63  }
0x1f: {  	s21 =	simm.s32 $0x180;
	s0 =	simm.s32 $0x0;
	s19 =	simm.s32 $0x100  }
0x20: {  	[tilespmem:s22], [sflag:$0x4] =	stream.indirect.gather [hbm4b:s4+s16], $0x40, s21, s16, $0xb8;
	[tilespmem:$0x1DE00] =	vst v63  }
.LBB2_2:
0x21: {  	p0 =	sne.s32 s19, $0x7F00;
	[tilespmem:s0+$0x12030] =	vst v0;
	s21 =	smov.u32 s19;
	s19 =	sadd.s32 $0x100, s19  }
.Ltmp0:
0x22: {  	[tilespmem:s0+$0x12020] =	vst v0;
	(pc) =	sbr.rel @p0 .LBB2_2-.Ltmp0, $3  }
0x23: {  	[tilespmem:s0+$0x12000] =	vst v0  }
0x24: {  	[tilespmem:s0+$0x12010] =	vst v0;
	_ =	sdelay $0x1  }
0x25: {  	s0 =	sshra.s32 s21, $0x2  }
0x26: {  	[tilespmem:s0+$0x12030] =	vst v0  }
0x27: {  	[tilespmem:s0+$0x12020] =	vst v0  }
0x28: {  	[tilespmem:s0+$0x12000] =	vst v0  }
0x29: {  	[tilespmem:s0+$0x12010] =	vst v0  }
0x2a: {  	[spmem:s6] =	stream.linear.scatter [tilespmem:s23], [sflag:$0x9], $0x2000, $0x38;
	[tilespmem:$0x1DE00] =	vst v63  }
0x2b: {  	_ =	swait.ge [sflag:s14], $0x2000  }
0x2c: {  	[sflag:s14] =	ssyncset.done $0x0  }
0x2d: {  	[sflag:s14] =	ssyncadd.s32 $0xFFFFE000  }
0x2e: {  	[spmem:s8] =	stream.linear.scatter [tilespmem:s23], [sflag:$0x9], $0x2000, $0x38;
	[tilespmem:$0x1DE00] =	vst v63  }
0x2f: {  	_ =	swait.ge [sflag:s14], $0x2000  }
0x30: {  	[sflag:s14] =	ssyncset.done $0x0  }
0x31: {  	[sflag:s14] =	ssyncadd.s32 $0xFFFFE000  }
0x32: {  	[spmem:s9] =	stream.linear.scatter [tilespmem:s23], [sflag:$0x9], $0x2000, $0x38;
	[tilespmem:$0x1DE00] =	vst v63  }
0x33: {  	_ =	swait.ge [sflag:s14], $0x2000  }
0x34: {  	[sflag:s14] =	ssyncset.done $0x0  }
0x35: {  	[sflag:s14] =	ssyncadd.s32 $0xFFFFE000  }
0x36: {  	[spmem:s10] =	stream.linear.scatter [tilespmem:s23], [sflag:$0x9], $0x2000, $0x38;
	[tilespmem:$0x1DE00] =	vst v63  }
0x37: {  	_ =	swait.ge [sflag:s14], $0x2000  }
0x38: {  	[sflag:s14] =	ssyncset.done $0x0  }
0x39: {  	[sflag:s14] =	ssyncadd.s32 $0xFFFFE000  }
0x3a: {  	[spmem:s11] =	stream.linear.scatter [tilespmem:s23], [sflag:$0x9], $0x1E00, $0x38;
	[tilespmem:$0x1DE00] =	vst v63  }
0x3b: {  	_ =	swait.ge [sflag:s14], $0x1E00  }
0x3c: {  	[sflag:s14] =	ssyncset.done $0x0  }
0x3d: {  	[sflag:s14] =	ssyncadd.s32 $0xFFFFE200  }
0x3e: {  	[bflag:$0x0] =	sbarrier.arrive $0xFFFF  }
0x3f: {  	_ =	swait.ge [sflag:s24], $0x2000  }
0x40: {  	[sflag:s24] =	ssyncset.done $0x0  }
0x41: {  	s21 =	simm.s32 $0x5000;
	[sflag:s24] =	ssyncadd.s32 $0xFFFFE000  }
0x42: {  	[spmem:s2] =	stream.indirect.scatter.add.f32 [tilespmem:s17], [sflag:$0x5], $0x40, s21, s16, $0xb8;
	[tilespmem:$0x1DE00] =	vst v63  }
0x43: {  	_ =	swait.ge [sflag:s25], $0x2000  }
0x44: {  	[sflag:s25] =	ssyncset.done $0x0  }
0x45: {  	s19 =	simm.s32 $0x5080;
	[sflag:s25] =	ssyncadd.s32 $0xFFFFE000  }
0x46: {  	[spmem:s2] =	stream.indirect.scatter.add.f32 [tilespmem:s18], [sflag:$0x6], $0x40, s19, s16, $0xb8;
	[tilespmem:$0x1DE00] =	vst v63  }
0x47: {  	_ =	swait.ge [sflag:s26], $0x2000  }
0x48: {  	[sflag:s26] =	ssyncset.done $0x0  }
0x49: {  	s21 =	simm.s32 $0x5100;
	[sflag:s26] =	ssyncadd.s32 $0xFFFFE000  }
0x4a: {  	[spmem:s2] =	stream.indirect.scatter.add.f32 [tilespmem:s20], [sflag:$0x7], $0x40, s21, s16, $0xb8;
	[tilespmem:$0x1DE00] =	vst v63  }
0x4b: {  	_ =	swait.ge [sflag:s28], $0x2000  }
0x4c: {  	[sflag:s28] =	ssyncset.done $0x0  }
0x4d: {  	s19 =	simm.s32 $0x5180;
	[sflag:s28] =	ssyncadd.s32 $0xFFFFE000  }
0x4e: {  	[spmem:s2] =	stream.indirect.scatter.add.f32 [tilespmem:s22], [sflag:$0x8], $0x40, s19, s16, $0xb8;
	[tilespmem:$0x1DE00] =	vst v63  }
0x4f: {  	_ =	swait.ge [sflag:s29], $0x2000  }
0x50: {  	[sflag:s29] =	ssyncset.done $0x0  }
0x51: {  	s21 =	simm.s32 $0x200;
	[sflag:s29] =	ssyncadd.s32 $0xFFFFE000  }
0x52: {  	[tilespmem:s17], [sflag:$0x1] =	stream.indirect.gather [hbm4b:s4+s16], $0x40, s21, s16, $0xb8;
	[tilespmem:$0x1DE00] =	vst v63  }
0x53: {  	_ =	swait.ge [sflag:s30], $0x2000  }
0x54: {  	[sflag:s30] =	ssyncset.done $0x0  }
0x55: {  	s19 =	simm.s32 $0x280;
	[sflag:s30] =	ssyncadd.s32 $0xFFFFE000  }
0x56: {  	[tilespmem:s18], [sflag:$0x2] =	stream.indirect.gather [hbm4b:s4+s16], $0x40, s19, s16, $0xb8;
	[tilespmem:$0x1DE00] =	vst v63  }
0x57: {  	_ =	swait.ge [sflag:s31], $0x2000  }
0x58: {  	[sflag:s31] =	ssyncset.done $0x0  }
0x59: {  	s21 =	simm.s32 $0x300;
	[sflag:s31] =	ssyncadd.s32 $0xFFFFE000  }
0x5a: {  	[tilespmem:s20], [sflag:$0x3] =	stream.indirect.gather [hbm4b:s4+s16], $0x40, s21, s16, $0xb8;
	[tilespmem:$0x1DE00] =	vst v63  }
0x5b: {  	_ =	swait.ge [sflag:s1], $0x2000  }
0x5c: {  	[sflag:s1] =	ssyncset.done $0x0  }
0x5d: {  	s0 =	simm.s32 $0x800;
	s19 =	simm.s32 $0x380;
	[sflag:s1] =	ssyncadd.s32 $0xFFFFE000  }
.LBB2_4:
0x5e: {  	[tilespmem:s22], [sflag:$0x4] =	stream.indirect.gather [hbm4b:s4+s16], $0x40, s19, s16, $0xb8;
	[tilespmem:$0x1DE00] =	vst v63  }
0x5f: {  	s19 =	smov.u32 s0  }
0x60: {  	p0 =	sne.s32 s0, $0x13000;
	s0 =	sadd.s32 $0x800, s0;
	_ =	swait.ge [sflag:s24], $0x2000  }
0x61: {  	s19 =	sshra.s32 s19, $0x2;
	[sflag:s24] =	ssyncset.done $0x0  }
0x62: {  	s21 =	sadd.s32 $0x5000, s19;
	[sflag:s24] =	ssyncadd.s32 $0xFFFFE000  }
0x63: {  	[spmem:s2] =	stream.indirect.scatter.add.f32 [tilespmem:s17], [sflag:$0x5], $0x40, s21, s16, $0xb8;
	[tilespmem:$0x1DE00] =	vst v63  }
0x64: {  	_ =	swait.ge [sflag:s25], $0x2000  }
0x65: {  	[sflag:s25] =	ssyncset.done $0x0  }
0x66: {  	s21 =	sadd.s32 $0x5080, s19;
	[sflag:s25] =	ssyncadd.s32 $0xFFFFE000  }
0x67: {  	[spmem:s2] =	stream.indirect.scatter.add.f32 [tilespmem:s18], [sflag:$0x6], $0x40, s21, s16, $0xb8;
	[tilespmem:$0x1DE00] =	vst v63  }
0x68: {  	_ =	swait.ge [sflag:s26], $0x2000  }
0x69: {  	[sflag:s26] =	ssyncset.done $0x0  }
0x6a: {  	s21 =	sadd.s32 $0x5100, s19;
	[sflag:s26] =	ssyncadd.s32 $0xFFFFE000  }
0x6b: {  	[spmem:s2] =	stream.indirect.scatter.add.f32 [tilespmem:s20], [sflag:$0x7], $0x40, s21, s16, $0xb8;
	[tilespmem:$0x1DE00] =	vst v63  }
0x6c: {  	_ =	swait.ge [sflag:s28], $0x2000  }
0x6d: {  	[sflag:s28] =	ssyncset.done $0x0  }
0x6e: {  	s21 =	sadd.s32 $0x5180, s19;
	[sflag:s28] =	ssyncadd.s32 $0xFFFFE000  }
0x6f: {  	[spmem:s2] =	stream.indirect.scatter.add.f32 [tilespmem:s22], [sflag:$0x8], $0x40, s21, s16, $0xb8;
	[tilespmem:$0x1DE00] =	vst v63  }
0x70: {  	_ =	swait.ge [sflag:s29], $0x2000  }
0x71: {  	[sflag:s29] =	ssyncset.done $0x0  }
0x72: {  	s21 =	sadd.s32 $0x200, s19;
	[sflag:s29] =	ssyncadd.s32 $0xFFFFE000  }
0x73: {  	[tilespmem:s17], [sflag:$0x1] =	stream.indirect.gather [hbm4b:s4+s16], $0x40, s21, s16, $0xb8;
	[tilespmem:$0x1DE00] =	vst v63  }
0x74: {  	_ =	swait.ge [sflag:s30], $0x2000  }
0x75: {  	[sflag:s30] =	ssyncset.done $0x0  }
0x76: {  	s21 =	sadd.s32 $0x280, s19;
	[sflag:s30] =	ssyncadd.s32 $0xFFFFE000  }
0x77: {  	[tilespmem:s18], [sflag:$0x2] =	stream.indirect.gather [hbm4b:s4+s16], $0x40, s21, s16, $0xb8;
	[tilespmem:$0x1DE00] =	vst v63  }
0x78: {  	_ =	swait.ge [sflag:s31], $0x2000  }
0x79: {  	[sflag:s31] =	ssyncset.done $0x0  }
.Ltmp1:
0x7a: {  	s21 =	sadd.s32 $0x300, s19;
	[sflag:s31] =	ssyncadd.s32 $0xFFFFE000;
	(pc) =	sbr.rel @p0 .LBB2_4-.Ltmp1, $4  }
0x7b: {  	[tilespmem:s20], [sflag:$0x3] =	stream.indirect.gather [hbm4b:s4+s16], $0x40, s21, s16, $0xb8;
	[tilespmem:$0x1DE00] =	vst v63  }
0x7c: {  	_ =	swait.ge [sflag:s1], $0x2000  }
0x7d: {  	[sflag:s1] =	ssyncset.done $0x0  }
0x7e: {  	s19 =	sadd.s32 $0x380, s19;
	[sflag:s1] =	ssyncadd.s32 $0xFFFFE000  }
0x7f: {  	[tilespmem:s22], [sflag:$0x4] =	stream.indirect.gather [hbm4b:s4+s16], $0x40, s19, s16, $0xb8;
	[tilespmem:$0x1DE00] =	vst v63  }
0x80: {  	_ =	swait.ge [sflag:s24], $0x2000  }
0x81: {  	[sflag:s24] =	ssyncset.done $0x0  }
0x82: {  	s0 =	simm.s32 $0x9E00;
	[sflag:s24] =	ssyncadd.s32 $0xFFFFE000  }
0x83: {  	[spmem:s2] =	stream.indirect.scatter.add.f32 [tilespmem:s17], [sflag:$0x5], $0x40, s0, s16, $0xb8;
	[tilespmem:$0x1DE00] =	vst v63  }
0x84: {  	_ =	swait.ge [sflag:s25], $0x2000  }
0x85: {  	[sflag:s25] =	ssyncset.done $0x0  }
0x86: {  	s21 =	simm.s32 $0x9E80;
	[sflag:s25] =	ssyncadd.s32 $0xFFFFE000  }
0x87: {  	[spmem:s2] =	stream.indirect.scatter.add.f32 [tilespmem:s18], [sflag:$0x6], $0x40, s21, s16, $0xb8;
	[tilespmem:$0x1DE00] =	vst v63  }
0x88: {  	_ =	swait.ge [sflag:s26], $0x2000  }
0x89: {  	[sflag:s26] =	ssyncset.done $0x0  }
0x8a: {  	s19 =	simm.s32 $0x9F00;
	[sflag:s26] =	ssyncadd.s32 $0xFFFFE000  }
0x8b: {  	[spmem:s2] =	stream.indirect.scatter.add.f32 [tilespmem:s20], [sflag:$0x7], $0x40, s19, s16, $0xb8;
	[tilespmem:$0x1DE00] =	vst v63  }
0x8c: {  	_ =	swait.ge [sflag:s28], $0x2000  }
0x8d: {  	[sflag:s28] =	ssyncset.done $0x0  }
0x8e: {  	s21 =	simm.s32 $0x9F80;
	[sflag:s28] =	ssyncadd.s32 $0xFFFFE000  }
0x8f: {  	[spmem:s2] =	stream.indirect.scatter.add.f32 [tilespmem:s22], [sflag:$0x8], $0x40, s21, s16, $0xb8;
	[tilespmem:$0x1DE00] =	vst v63  }
0x90: {  	_ =	swait.ge [sflag:s29], $0x2000  }
0x91: {  	[sflag:s29] =	ssyncset.done $0x0  }
0x92: {  	[sflag:s29] =	ssyncadd.s32 $0xFFFFE000  }
0x93: {  	_ =	swait.ge [sflag:s30], $0x2000  }
0x94: {  	[sflag:s30] =	ssyncset.done $0x0  }
0x95: {  	[sflag:s30] =	ssyncadd.s32 $0xFFFFE000  }
0x96: {  	_ =	swait.ge [sflag:s31], $0x2000  }
0x97: {  	[sflag:s31] =	ssyncset.done $0x0  }
0x98: {  	[sflag:s31] =	ssyncadd.s32 $0xFFFFE000  }
0x99: {  	s19 =	stileid.u32;
	_ =	swait.ge [sflag:s1], $0x2000  }
0x9a: {  	s15 =	sadd.s32 $0x1, s15;
	s0 =	sshll.u32 s19, $0x6;
	[sflag:s1] =	ssyncset.done $0x0  }
0x9b: {  	p0 =	sne.s32 s15, s13;
	s0 =	sor.u32 $0x1C09, s0;
	[sflag:s1] =	ssyncadd.s32 $0xFFFFE000  }
.Ltmp2:
0x9c: {  	s21 =	sshrl.u32 s6, $0x3;
	[bflag:$0x0] =	sbarrier.arrive $0xFFFF;
	(pc) =	sbr.rel @p0 .LBB2_1-.Ltmp2, $4  }
0x9d: {  	[hbm:s12], [sflag:s0] =	dma.local [spmem:s21], $0x13C0  }
0x9e: {  	_ =	swait.ge [sflag:s14], $0x13C0  }
0x9f: {  	[sflag:s14] =	ssyncset.done $0x0  }
0xa0: {  	[sflag:s14] =	ssyncadd.s32 $0xFFFFEC40  }
0xa1: {  	_ =	sfence.sel $0x180000  }
0xa2: {  	[bflag:$0x0] =	sbarrier.arrive $0xFFFF  }
0xa3: {  	_ =	strace $0x9000004A  }
0xa4: {  	s0 =	stileid.u32;
	[bflag:$0x2] =	sbarrier.arrive $0xFFFF  }
0xa5: {  	p0 =	sne.s32 s0, $0x0;
	s0 =	rddreg [dreg:$0x2]  }
0xa6: {  	s0 =	sadd.s32 @!p0 $0x100000, s0  }
0xa7: {  	[sflag:s0] =	ssyncadd.tile.s32 @!p0 $0x1;
	_ =	shalt  }
.Lfunc_end2:
_tile_overlayer_lowered:
.L_overlay_start_2:
0xa8: {  	(tag) =	ssettag $0x2  }
0xa9: {  	s0 =	rddreg [dreg:$0x0];
	s2 =	stileid.u32  }
0xaa: {  	s1 =	rddreg [dreg:$0x1];
	p0 =	sne.s32 s2, $0x0  }
0xab: {  	s3 =	rddreg [dreg:$0x2];
	[bflag:$0x3] =	sbarrier.arrive $0xFFFF;
	s2 =	simm.s32 @!p0 $0x1C09  }
0xac: {  	[timem:s3], [sflag:s2] =	dma.local @!p0 [hbm:s0], s1  }
0xad: {  	s0 =	simm.s32 @!p0 $0x9  }
0xae: {  	_ =	swait.ge @!p0 [sflag:s0], s1  }
0xaf: {  	s1 =	ssub.s32 @!p0 $0x0, s1;
	[sflag:s0] =	ssyncset.done @!p0 $0x0  }
0xb0: {  	[sflag:s0] =	ssyncadd.s32 @!p0 s1  }
0xb1: {  	[bflag:$0x3] =	sbarrier.arrive $0xFFFF  }
0xb2: {  	_ =	shalt  }

// kernel: kernel.14.cloned.1.call-start
scs
__scs_entry_jumppad:
0x0: {  	(pc) =	sbr.rel $0x88, $3  }
0x1: {  	(tag) =	ssettag $0x0;
	lr =	simm.s32 $0x1  }
0x2: {  	[smem:$0x3F99] =	sst lr;
	_ =	strace $0xD0000000  }
0x3: {  	_ = 	snop  }
0x4: {  	_ = 	snop  }
0x5: {  	_ = 	snop  }
0x6: {  	_ = 	snop  }
0x7: {  	_ = 	snop  }
__scs_overlays_trampoline_lowered:
0x8: {  	[smem:$0x3FA8] =	sst s0  }
0x9: {  	[smem:$0x3FA9] =	sst s1  }
0xa: {  	[smem:$0x3FAA] =	sst s2  }
0xb: {  	[smem:$0x3FAB] =	sst s3  }
0xc: {  	[smem:$0x3FAC] =	sst s4  }
0xd: {  	[smem:$0x3FAD] =	sst s5  }
0xe: {  	[smem:$0x3FAE] =	sst s6  }
0xf: {  	[smem:$0x3FAF] =	sst s7  }
0x10: {  	[smem:$0x3FB0] =	sst s8  }
0x11: {  	[smem:$0x3FB1] =	sst s9;
	s0 =	simm.s32 @!p0 $0x0  }
0x12: {  	s1 =	sld [smem:$0x3F97];
	s0 =	simm.s32 @p0 $0x1  }
0x13: {  	[smem:$0x3FB2] =	sst s0;
	s0 =	simm.s32 @!p1 $0x0  }
0x14: {  	s2 =	sld [smem:$0x3F96];
	s0 =	simm.s32 @p1 $0x1  }
0x15: {  	[smem:$0x3FB3] =	sst s0;
	s0 =	simm.s32 @!p2 $0x0  }
0x16: {  	s3 =	sld [smem:$0x3FDB];
	s0 =	simm.s32 @p2 $0x1  }
0x17: {  	s4 =	simm.s32 $0x1BF5;
	[smem:$0x3FB5] =	sst s0  }
0x18: {  	s0 =	sld [smem:$0x3F98];
	_ =	swait.ge [sflag:s4], $0x0  }
0x19: {  	s7 =	sld [smem:$0x3F99]  }
0x1a: {  	s8 =	sadd.s32 $0xFFFFE003, lr  }
0x1b: {  	s9 =	sadd.s32 $0xFFFFFEF7, lr;
	s5 =	simm.s32 $0xFFFFFFFF;
	p2 =	slt.u32 s8, $0xFFFFF086  }
0x1c: {  	p1 =	slt.u32 s9, $0xF7A;
	s5 =	simm.s32 @!p2 $0x0  }
0x1d: {  	s5 =	simm.s32 @p1 $0x1;
	p0 =	seq.s32 s7, s2  }
0x1e: {  	s7 =	smul.u32 @!p0 $0xF7A, s2;
	p2 =	seq.s32 @!p0 s5, $0x0  }
0x1f: {  	s9 =	smul.u32 $0xF7A, s1;
	s8 =	simm.s32 @!p0 $0x1BF5;
	p2 =	por !p2, p0  }
0x20: {  	[sflag:s8] =	ssyncset.s32 @!p0 $0xFFFFF086;
	s6 =	sadd.s32 @!p0 s3, s7;
	s7 =	simm.s32 @!p0 $0x108  }
0x21: {  	s3 =	sadd.s32 s3, s9;
	s6 =	sadd.s32 @!p0 $0x88, s6;
	s7 =	simm.s32 @p2 $0x1082  }
0x22: {  	[simem:s7], [sflag:s8] =	dma.local @!p0 [hbm:s6], $0xF7A  }
0x23: {  	s9 =	sor.u32 $0xD0000000, s2;
	s6 =	simm.s32 $0x108;
	_ =	swait.ge @!p0 [sflag:s8], $0x0  }
0x24: {  	s3 =	sadd.s32 $0x88, s3;
	s6 =	simm.s32 @!p1 $0x1082;
	[sflag:s4] =	ssyncset.s32 $0xFFFFF086  }
0x25: {  	[simem:s6], [sflag:s4] =	dma.local [hbm:s3], $0xF7A  }
0x26: {  	[smem:$0x3F99] =	sst s1;
	(tag) =	ssettag s2;
	_ =	strace s9  }
0x27: {  	s1 =	sld [smem:$0x3FA9]  }
0x28: {  	s2 =	sld [smem:$0x3FAA]  }
0x29: {  	s4 =	sld [smem:$0x3FAC]  }
0x2a: {  	p0 =	seq.s32 s5, $0x0;
	s5 =	sld [smem:$0x3FAD]  }
0x2b: {  	s6 =	sld [smem:$0x3FAE]  }
0x2c: {  	s7 =	sld [smem:$0x3FAF]  }
0x2d: {  	s3 =	simm.s32 $0x108;
	s8 =	sld [smem:$0x3FB0]  }
0x2e: {  	s3 =	simm.s32 @!p0 $0x1082;
	s9 =	sld [smem:$0x3FB1]  }
0x2f: {  	lr =	sadd.s32 s0, s3;
	s0 =	sld [smem:$0x3FA8]  }
0x30: {  	s3 =	sld [smem:$0x3FAB]  }
0x31: {  	[smem:$0x3FB4] =	sst s10  }
0x32: {  	s10 =	sld [smem:$0x3FB2];
	_ =	sdelay $0x3  }
0x33: {  	p0 =	seq.s32 s10, $0x1;
	s10 =	sld [smem:$0x3FB4];
	_ =	sdelay $0x3  }
0x34: {  	[smem:$0x3FB4] =	sst s10  }
0x35: {  	s10 =	sld [smem:$0x3FB3];
	_ =	sdelay $0x3  }
0x36: {  	p1 =	seq.s32 s10, $0x1;
	s10 =	sld [smem:$0x3FB4];
	_ =	sdelay $0x3  }
0x37: {  	[smem:$0x3FB4] =	sst s10  }
0x38: {  	s10 =	sld [smem:$0x3FB5]  }
0x39: {  	_ = 	snop;
	(pc) =	sbr.ind lr, $3  }
0x3a: {  	_ = 	snop  }
0x3b: {  	_ = 	snop  }
0x3c: {  	p2 =	seq.s32 s10, $0x1;
	s10 =	sld [smem:$0x3FB4]  }
0x3d: {  	_ =	shalt  }
0x3e: {  	_ =	shalt  }
0x3f: {  	_ =	shalt  }
0x40: {  	_ =	shalt  }
0x41: {  	_ =	shalt  }
0x42: {  	_ =	shalt  }
0x43: {  	_ =	shalt  }
0x44: {  	_ =	shalt  }
0x45: {  	_ =	shalt  }
0x46: {  	_ =	shalt  }
0x47: {  	_ =	shalt  }
0x48: {  	_ =	shalt  }
0x49: {  	_ =	shalt  }
0x4a: {  	_ =	shalt  }
0x4b: {  	_ =	shalt  }
0x4c: {  	_ =	shalt  }
0x4d: {  	_ =	shalt  }
0x4e: {  	_ =	shalt  }
0x4f: {  	_ =	shalt  }
0x50: {  	_ =	shalt  }
0x51: {  	_ =	shalt  }
0x52: {  	_ =	shalt  }
0x53: {  	_ =	shalt  }
0x54: {  	_ =	shalt  }
0x55: {  	_ =	shalt  }
0x56: {  	_ =	shalt  }
0x57: {  	_ =	shalt  }
0x58: {  	_ =	shalt  }
0x59: {  	_ =	shalt  }
0x5a: {  	_ =	shalt  }
0x5b: {  	_ =	shalt  }
0x5c: {  	_ =	shalt  }
0x5d: {  	_ =	shalt  }
0x5e: {  	_ =	shalt  }
0x5f: {  	_ =	shalt  }
0x60: {  	_ =	shalt  }
0x61: {  	_ =	shalt  }
0x62: {  	_ =	shalt  }
0x63: {  	_ =	shalt  }
0x64: {  	_ =	shalt  }
0x65: {  	_ =	shalt  }
0x66: {  	_ =	shalt  }
0x67: {  	_ =	shalt  }
0x68: {  	_ =	shalt  }
0x69: {  	_ =	shalt  }
0x6a: {  	_ =	shalt  }
0x6b: {  	_ =	shalt  }
0x6c: {  	_ =	shalt  }
0x6d: {  	_ =	shalt  }
0x6e: {  	_ =	shalt  }
0x6f: {  	_ =	shalt  }
0x70: {  	_ =	shalt  }
0x71: {  	_ =	shalt  }
0x72: {  	_ =	shalt  }
0x73: {  	_ =	shalt  }
0x74: {  	_ =	shalt  }
0x75: {  	_ =	shalt  }
0x76: {  	_ =	shalt  }
0x77: {  	_ =	shalt  }
0x78: {  	_ =	shalt  }
0x79: {  	_ =	shalt  }
0x7a: {  	_ =	shalt  }
0x7b: {  	_ =	shalt  }
0x7c: {  	_ =	shalt  }
0x7d: {  	_ =	shalt  }
0x7e: {  	_ =	shalt  }
0x7f: {  	_ =	shalt  }
0x80: {  	_ =	shalt  }
0x81: {  	_ =	shalt  }
0x82: {  	_ =	shalt  }
0x83: {  	_ =	shalt  }
0x84: {  	_ =	shalt  }
0x85: {  	_ =	shalt  }
0x86: {  	_ =	shalt  }
0x87: {  	_ =	shalt  }
.Lfunc_end0:
.L_simem_size_0:
called_computation.2_lowered:
.L_overlay_start_0:
0x88: {  	s2 =	sld [smem:$0x3FD9]  }
0x89: {  	s3 =	sld [smem:$0x3FFE];
	_ =	sdelay $0x1  }
0x8a: {  	s1 =	srdreg.scid  }
0x8b: {  	s0 =	sand.u32 $0x1, s1  }
0x8c: {  	s16 =	sshll.u32 s0, $0xA;
	s2 =	sadd.s32 s3, s2  }
0x8d: {  	s2 =	sadd.s32 s2, s16  }
0x8e: {  	[smem:$0x3FC0] =	sst s2  }
0x8f: {  	_ = 	snop  }
0x90: {  	(tm) =	ssettm $0x1  }
0x91: {  	s17 =	sld [smem:$0x3FFB];
	_ =	sdelay $0x3  }
0x92: {  	_ =	strace s17  }
0x93: {  	s2 =	sld [smem:$0x3FFC];
	_ =	sdelay $0x3  }
0x94: {  	_ =	strace s2  }
0x95: {  	s2 =	sld [smem:$0x3FFD];
	_ =	sdelay $0x3  }
0x96: {  	_ =	strace s2  }
0x97: {  	_ =	strace $0x8FFFFFFF  }
0x98: {  	s18 =	sld [smem:$0x3FDB];
	_ =	sdelay $0x1  }
0x99: {  	s19 =	simm.s32 $_scs_section_size  }
0x9a: {  	s4 =	simm.s32 $_size__tile_overlayer_lowered;
	s5 =	simm.s32 $_tile_overlayer_lowered  }
0x9b: {  	s22 =	simm.s32 $0x1BFF;
	s21 =	sshll.u32 s5, $0x1;
	s2 =	sadd.s32 s19, s18  }
0x9c: {  	s6 =	simm.s32 $0x0;
	s20 =	sshll.u32 s4, $0x1;
	s4 =	sadd.s32 s21, s2  }
0x9d: {  	[timem:s6], [sflag:s22] =	dma.local [hbm:s4], s20  }
0x9e: {  	_ =	swait.ge [sflag:s22], s20  }
0x9f: {  	s3 =	ssub.s32 $0x0, s20;
	[sflag:s22] =	ssyncset.done $0x0  }
0xa0: {  	[sflag:s22] =	ssyncadd.s32 s3;
	_ =	sdelay $0x1  }
0xa1: {  	s23 =	simm.s32 $0x1B8B  }
0xa2: {  	_ =	swait.ge [sflag:s23], $0x1  }
0xa3: {  	[sflag:s23] =	ssyncset.done $0x0  }
0xa4: {  	s25 =	simm.s32 $0x1B8E;
	s24 =	sld [smem:$0x3FFE];
	[sflag:s23] =	ssyncadd.s32 $0xFFFFFFFF  }
0xa5: {  	s26 =	simm.s32 $execute0_lowered;
	[smem:$0x3FD2] =	sst s25  }
0xa6: {  	s4 =	sshll.u32 s26, $0x1;
	_ =	strace $0x8000004C;
	[dreg:$0x1] =	wrdreg $0xFFFFFFFF  }
0xa7: {  	s28 =	simm.s32 $_size_execute0_lowered;
	s2 =	sadd.s32 s2, s4;
	[dreg:$0x0] =	wrdreg $0x0  }
0xa8: {  	s4 =	sshll.u32 s28, $0x1;
	[dreg:$0x2] =	wrdreg s2  }
0xa9: {  	[dreg:$0x3] =	wrdreg s4  }
0xaa: {  	[dreg:$0x4] =	wrdreg $0xC0  }
0xab: {  	_ =	task [dreg:s6], $0x5FFFF  }
0xac: {  	[dreg:$0x1] =	wrdreg $0xFFFFFFFF  }
0xad: {  	[dreg:$0x0] =	wrdreg $0x60  }
0xae: {  	[dreg:$0x2] =	wrdreg s24  }
0xaf: {  	[dreg:$0x3] =	wrdreg $0xF0000  }
0xb0: {  	[dreg:$0x4] =	wrdreg $0x9  }
0xb1: {  	_ =	task.clear_ibuf [dreg:s6], $0x5FFFF;
	_ =	strace $0x9000004C  }
0xb2: {  	s29 =	simm.s32 $0x9;
	_ =	strace $0x8000004E  }
0xb3: {  	_ =	swait.ge [sflag:s29], $0x1  }
0xb4: {  	[sflag:s29] =	ssyncadd.s32 $0xFFFFFFFF  }
0xb5: {  	_ =	strace $0x9000004E  }
0xb6: {  	_ =	sfence  }
0xb7: {  	s30 =	sld [smem:$0x0];
	_ =	sdelay $0x2  }
0xb8: {  	s31 =	sshll.u32 s1, $0xD;
	s1 =	sshrl.u32 s1, $0x2  }
0xb9: {  	s3 =	sand.u32 $0x4000, s31;
	s1 =	sadd.s32 s1, s30  }
0xba: {  	s0 =	sor.u32 s3, s0;
	s1 =	sshll.u32 s1, $0x11  }
0xbb: {  	s0 =	sor.u32 s1, s0  }
0xbc: {  	s0 =	sadd.s32 $0x8F2B, s0  }
0xbd: {  	[sflag:s0] =	ssyncadd.remote.s32 $0x1  }
0xbe: {  	_ =	sfence.sel $0xFFFF  }
0xbf: {  	[dreg:$0x0] =	wrdreg $0xFFFFFFFF;
	(pc) =	sbr.abs _section_cstart, $3  }
0xc0: {  	[dreg:$0x1] =	wrdreg $0xFFFFFFFF  }
0xc1: {  	_ =	task.clear_ibuf [dreg:s6], $0x2FFFF;
	_ =	strace $0x9FFFFFFF  }
0xc2: {  	(tm) =	ssettm $0x7FFFFFFF  }
0xc3: {  	_ =	shalt  }
tec
execute0_lowered:
.L_overlay_start_1:
0x0: {  	(tag) =	ssettag $0x1  }
0x1: {  	s0 =	srdreg.scid;
	s5 =	rddreg [dreg:$0x0]  }
0x2: {  	s8 =	stileid.u32;
	s2 =	rddreg [dreg:$0x1];
	s3 =	simm.s32 $0x0  }
0x3: {  	s14 =	simm.s32 $0x9;
	s16 =	simm.s32 $0x80;
	s17 =	simm.s32 $0x5000  }
0x4: {  	s18 =	simm.s32 $0x7000;
	s20 =	simm.s32 $0x9000;
	s22 =	simm.s32 $0xB000  }
0x5: {  	s23 =	simm.s32 $0xD000;
	s24 =	simm.s32 $0x1;
	s28 =	simm.s32 $0x4  }
0x6: {  	s29 =	simm.s32 $0x5;
	s30 =	simm.s32 $0x6;
	s31 =	simm.s32 $0x7  }
0x7: {  	s0 =	sand.u32 $0x1, s0;
	s6 =	smul.u32 $0x13C0, s8;
	[smem:$0x7FF] =	sst s3  }
0x8: {  	s4 =	sadd.s32 $0x16000, s5;
	s1 =	sshll.u32 s0, $0x4;
	s7 =	smul.u32 $0x13C00, s0  }
0x9: {  	s0 =	ssub.s32 $0x2, s0;
	s1 =	sor.u32 s8, s1;
	s8 =	smul.u32 $0x27800, s8  }
0xa: {  	_ =	strace $0x8000004D;
	s25 =	sshrl.u32 s0, $0x1;
	s1 =	smul.u32 $0x500, s1  }
0xb: {  	s6 =	sadd.s32 s6, s7;
	s0 =	ssub.s32 s0, s25;
	s25 =	simm.s32 $0x2  }
0xc: {  	s12 =	sadd.s32 s6, s5;
	s26 =	sshrl.u32 s8, $0x2;
	s13 =	smax.u32 s0, $0x1  }
0xd: {  	s0 =	simm.s32 $0x0;
	s1 =	sadd.s32 s1, s5;
	s6 =	sadd.s32 s26, s2  }
0xe: {  	s12 =	sadd.s32 $0x29C00, s12;
	s26 =	simm.s32 $0x3;
	s5 =	sadd.s32 $0x2000, s1  }
0xf: {  	s7 =	sadd.s32 $0xC000, s1;
	s8 =	sadd.s32 $0x2000, s6;
	s9 =	sadd.s32 $0x4000, s6  }
0x10: {  	v0 =	vimm.f32 $0.0e+00;
	s10 =	sadd.s32 $0x6000, s6;
	s11 =	sadd.s32 $0x8000, s6;
	s1 =	simm.s32 $0x8  }
.LBB2_1:
0x11: {  	[tilespmem:s3], [sflag:$0x9] =	stream.linear.gather [hbm4b:s5+s3], $0x2800, $0x38;
	[tilespmem:$0x18E00] =	vst v63  }
0x12: {  	_ =	swait.ge [sflag:s14], $0x2800  }
0x13: {  	[sflag:s14] =	ssyncset.done $0x0  }
0x14: {  	s15 =	simm.s32 $0x2800;
	[sflag:s14] =	ssyncadd.s32 $0xFFFFD800  }
0x15: {  	[tilespmem:s15], [sflag:$0x9] =	stream.linear.gather [hbm4b:s7+s3], $0x2800, $0x38;
	[tilespmem:$0x18E00] =	vst v63  }
0x16: {  	_ =	swait.ge [sflag:s14], $0x2800  }
0x17: {  	[sflag:s14] =	ssyncset.done $0x0  }
0x18: {  	[sflag:s14] =	ssyncadd.s32 $0xFFFFD800  }
0x19: {  	[tilespmem:s17], [sflag:$0x1] =	stream.indirect.gather [hbm4b:s4+s16], $0x40, s3, s16, $0xb8;
	[tilespmem:$0x18E00] =	vst v63  }
0x1a: {  	_ = 	snop  }
0x1b: {  	[tilespmem:s18], [sflag:$0x2] =	stream.indirect.gather [hbm4b:s4+s16], $0x40, s16, s16, $0xb8;
	[tilespmem:$0x18E00] =	vst v63  }
0x1c: {  	s19 =	simm.s32 $0x100  }
0x1d: {  	[tilespmem:s20], [sflag:$0x3] =	stream.indirect.gather [hbm4b:s4+s16], $0x40, s19, s16, $0xb8;
	[tilespmem:$0x18E00] =	vst v63  }
0x1e: {  	s21 =	simm.s32 $0x180;
	s15 =	simm.s32 $0x0;
	s19 =	simm.s32 $0x100  }
0x1f: {  	[tilespmem:s22], [sflag:$0x4] =	stream.indirect.gather [hbm4b:s4+s16], $0x40, s21, s16, $0xb8;
	[tilespmem:$0x18E00] =	vst v63  }
.LBB2_2:
0x20: {  	p0 =	sne.s32 s19, $0x7F00;
	[tilespmem:s15+$0xD030] =	vst v0;
	s21 =	smov.u32 s19;
	s19 =	sadd.s32 $0x100, s19  }
.Ltmp0:
0x21: {  	[tilespmem:s15+$0xD020] =	vst v0;
	(pc) =	sbr.rel @p0 .LBB2_2-.Ltmp0, $3  }
0x22: {  	[tilespmem:s15+$0xD000] =	vst v0  }
0x23: {  	[tilespmem:s15+$0xD010] =	vst v0;
	_ =	sdelay $0x1  }
0x24: {  	s15 =	sshra.s32 s21, $0x2  }
0x25: {  	[tilespmem:s15+$0xD030] =	vst v0  }
0x26: {  	[tilespmem:s15+$0xD020] =	vst v0  }
0x27: {  	[tilespmem:s15+$0xD000] =	vst v0  }
0x28: {  	[tilespmem:s15+$0xD010] =	vst v0  }
0x29: {  	[spmem:s6] =	stream.linear.scatter [tilespmem:s23], [sflag:$0x9], $0x2000, $0x38;
	[tilespmem:$0x18E00] =	vst v63  }
0x2a: {  	_ =	swait.ge [sflag:s14], $0x2000  }
0x2b: {  	[sflag:s14] =	ssyncset.done $0x0  }
0x2c: {  	[sflag:s14] =	ssyncadd.s32 $0xFFFFE000  }
0x2d: {  	[spmem:s8] =	stream.linear.scatter [tilespmem:s23], [sflag:$0x9], $0x2000, $0x38;
	[tilespmem:$0x18E00] =	vst v63  }
0x2e: {  	_ =	swait.ge [sflag:s14], $0x2000  }
0x2f: {  	[sflag:s14] =	ssyncset.done $0x0  }
0x30: {  	[sflag:s14] =	ssyncadd.s32 $0xFFFFE000  }
0x31: {  	[spmem:s9] =	stream.linear.scatter [tilespmem:s23], [sflag:$0x9], $0x2000, $0x38;
	[tilespmem:$0x18E00] =	vst v63  }
0x32: {  	_ =	swait.ge [sflag:s14], $0x2000  }
0x33: {  	[sflag:s14] =	ssyncset.done $0x0  }
0x34: {  	[sflag:s14] =	ssyncadd.s32 $0xFFFFE000  }
0x35: {  	[spmem:s10] =	stream.linear.scatter [tilespmem:s23], [sflag:$0x9], $0x2000, $0x38;
	[tilespmem:$0x18E00] =	vst v63  }
0x36: {  	_ =	swait.ge [sflag:s14], $0x2000  }
0x37: {  	[sflag:s14] =	ssyncset.done $0x0  }
0x38: {  	[sflag:s14] =	ssyncadd.s32 $0xFFFFE000  }
0x39: {  	[spmem:s11] =	stream.linear.scatter [tilespmem:s23], [sflag:$0x9], $0x1E00, $0x38;
	[tilespmem:$0x18E00] =	vst v63  }
0x3a: {  	_ =	swait.ge [sflag:s14], $0x1E00  }
0x3b: {  	[sflag:s14] =	ssyncset.done $0x0  }
0x3c: {  	[sflag:s14] =	ssyncadd.s32 $0xFFFFE200  }
0x3d: {  	[bflag:$0x0] =	sbarrier.arrive $0xFFFF  }
0x3e: {  	_ =	swait.ge [sflag:s24], $0x2000  }
0x3f: {  	[sflag:s24] =	ssyncset.done $0x0  }
0x40: {  	s21 =	simm.s32 $0x2800;
	[sflag:s24] =	ssyncadd.s32 $0xFFFFE000  }
0x41: {  	[spmem:s2] =	stream.indirect.scatter.add.f32 [tilespmem:s17], [sflag:$0x5], $0x40, s21, s16, $0xb8;
	[tilespmem:$0x18E00] =	vst v63  }
0x42: {  	_ =	swait.ge [sflag:s25], $0x2000  }
0x43: {  	[sflag:s25] =	ssyncset.done $0x0  }
0x44: {  	s19 =	simm.s32 $0x2880;
	[sflag:s25] =	ssyncadd.s32 $0xFFFFE000  }
0x45: {  	[spmem:s2] =	stream.indirect.scatter.add.f32 [tilespmem:s18], [sflag:$0x6], $0x40, s19, s16, $0xb8;
	[tilespmem:$0x18E00] =	vst v63  }
0x46: {  	_ =	swait.ge [sflag:s26], $0x2000  }
0x47: {  	[sflag:s26] =	ssyncset.done $0x0  }
0x48: {  	s21 =	simm.s32 $0x2900;
	[sflag:s26] =	ssyncadd.s32 $0xFFFFE000  }
0x49: {  	[spmem:s2] =	stream.indirect.scatter.add.f32 [tilespmem:s20], [sflag:$0x7], $0x40, s21, s16, $0xb8;
	[tilespmem:$0x18E00] =	vst v63  }
0x4a: {  	_ =	swait.ge [sflag:s28], $0x2000  }
0x4b: {  	[sflag:s28] =	ssyncset.done $0x0  }
0x4c: {  	s19 =	simm.s32 $0x2980;
	[sflag:s28] =	ssyncadd.s32 $0xFFFFE000  }
0x4d: {  	[spmem:s2] =	stream.indirect.scatter.add.f32 [tilespmem:s22], [sflag:$0x8], $0x40, s19, s16, $0xb8;
	[tilespmem:$0x18E00] =	vst v63  }
0x4e: {  	_ =	swait.ge [sflag:s29], $0x2000  }
0x4f: {  	[sflag:s29] =	ssyncset.done $0x0  }
0x50: {  	s21 =	simm.s32 $0x200;
	[sflag:s29] =	ssyncadd.s32 $0xFFFFE000  }
0x51: {  	[tilespmem:s17], [sflag:$0x1] =	stream.indirect.gather [hbm4b:s4+s16], $0x40, s21, s16, $0xb8;
	[tilespmem:$0x18E00] =	vst v63  }
0x52: {  	_ =	swait.ge [sflag:s30], $0x2000  }
0x53: {  	[sflag:s30] =	ssyncset.done $0x0  }
0x54: {  	s19 =	simm.s32 $0x280;
	[sflag:s30] =	ssyncadd.s32 $0xFFFFE000  }
0x55: {  	[tilespmem:s18], [sflag:$0x2] =	stream.indirect.gather [hbm4b:s4+s16], $0x40, s19, s16, $0xb8;
	[tilespmem:$0x18E00] =	vst v63  }
0x56: {  	_ =	swait.ge [sflag:s31], $0x2000  }
0x57: {  	[sflag:s31] =	ssyncset.done $0x0  }
0x58: {  	s21 =	simm.s32 $0x300;
	[sflag:s31] =	ssyncadd.s32 $0xFFFFE000  }
0x59: {  	[tilespmem:s20], [sflag:$0x3] =	stream.indirect.gather [hbm4b:s4+s16], $0x40, s21, s16, $0xb8;
	[tilespmem:$0x18E00] =	vst v63  }
0x5a: {  	_ =	swait.ge [sflag:s1], $0x2000  }
0x5b: {  	[sflag:s1] =	ssyncset.done $0x0  }
0x5c: {  	s15 =	simm.s32 $0x800;
	s19 =	simm.s32 $0x380;
	[sflag:s1] =	ssyncadd.s32 $0xFFFFE000  }
.LBB2_4:
0x5d: {  	[tilespmem:s22], [sflag:$0x4] =	stream.indirect.gather [hbm4b:s4+s16], $0x40, s19, s16, $0xb8;
	[tilespmem:$0x18E00] =	vst v63  }
0x5e: {  	s19 =	smov.u32 s15  }
0x5f: {  	p0 =	sne.s32 s15, $0x9000;
	s15 =	sadd.s32 $0x800, s15;
	_ =	swait.ge [sflag:s24], $0x2000  }
0x60: {  	s19 =	sshra.s32 s19, $0x2;
	[sflag:s24] =	ssyncset.done $0x0  }
0x61: {  	s21 =	sadd.s32 $0x2800, s19;
	[sflag:s24] =	ssyncadd.s32 $0xFFFFE000  }
0x62: {  	[spmem:s2] =	stream.indirect.scatter.add.f32 [tilespmem:s17], [sflag:$0x5], $0x40, s21, s16, $0xb8;
	[tilespmem:$0x18E00] =	vst v63  }
0x63: {  	_ =	swait.ge [sflag:s25], $0x2000  }
0x64: {  	[sflag:s25] =	ssyncset.done $0x0  }
0x65: {  	s21 =	sadd.s32 $0x2880, s19;
	[sflag:s25] =	ssyncadd.s32 $0xFFFFE000  }
0x66: {  	[spmem:s2] =	stream.indirect.scatter.add.f32 [tilespmem:s18], [sflag:$0x6], $0x40, s21, s16, $0xb8;
	[tilespmem:$0x18E00] =	vst v63  }
0x67: {  	_ =	swait.ge [sflag:s26], $0x2000  }
0x68: {  	[sflag:s26] =	ssyncset.done $0x0  }
0x69: {  	s21 =	sadd.s32 $0x2900, s19;
	[sflag:s26] =	ssyncadd.s32 $0xFFFFE000  }
0x6a: {  	[spmem:s2] =	stream.indirect.scatter.add.f32 [tilespmem:s20], [sflag:$0x7], $0x40, s21, s16, $0xb8;
	[tilespmem:$0x18E00] =	vst v63  }
0x6b: {  	_ =	swait.ge [sflag:s28], $0x2000  }
0x6c: {  	[sflag:s28] =	ssyncset.done $0x0  }
0x6d: {  	s21 =	sadd.s32 $0x2980, s19;
	[sflag:s28] =	ssyncadd.s32 $0xFFFFE000  }
0x6e: {  	[spmem:s2] =	stream.indirect.scatter.add.f32 [tilespmem:s22], [sflag:$0x8], $0x40, s21, s16, $0xb8;
	[tilespmem:$0x18E00] =	vst v63  }
0x6f: {  	_ =	swait.ge [sflag:s29], $0x2000  }
0x70: {  	[sflag:s29] =	ssyncset.done $0x0  }
0x71: {  	s21 =	sadd.s32 $0x200, s19;
	[sflag:s29] =	ssyncadd.s32 $0xFFFFE000  }
0x72: {  	[tilespmem:s17], [sflag:$0x1] =	stream.indirect.gather [hbm4b:s4+s16], $0x40, s21, s16, $0xb8;
	[tilespmem:$0x18E00] =	vst v63  }
0x73: {  	_ =	swait.ge [sflag:s30], $0x2000  }
0x74: {  	[sflag:s30] =	ssyncset.done $0x0  }
0x75: {  	s21 =	sadd.s32 $0x280, s19;
	[sflag:s30] =	ssyncadd.s32 $0xFFFFE000  }
0x76: {  	[tilespmem:s18], [sflag:$0x2] =	stream.indirect.gather [hbm4b:s4+s16], $0x40, s21, s16, $0xb8;
	[tilespmem:$0x18E00] =	vst v63  }
0x77: {  	_ =	swait.ge [sflag:s31], $0x2000  }
0x78: {  	[sflag:s31] =	ssyncset.done $0x0  }
.Ltmp1:
0x79: {  	s21 =	sadd.s32 $0x300, s19;
	[sflag:s31] =	ssyncadd.s32 $0xFFFFE000;
	(pc) =	sbr.rel @p0 .LBB2_4-.Ltmp1, $4  }
0x7a: {  	[tilespmem:s20], [sflag:$0x3] =	stream.indirect.gather [hbm4b:s4+s16], $0x40, s21, s16, $0xb8;
	[tilespmem:$0x18E00] =	vst v63  }
0x7b: {  	_ =	swait.ge [sflag:s1], $0x2000  }
0x7c: {  	[sflag:s1] =	ssyncset.done $0x0  }
0x7d: {  	s19 =	sadd.s32 $0x380, s19;
	[sflag:s1] =	ssyncadd.s32 $0xFFFFE000  }
0x7e: {  	[tilespmem:s22], [sflag:$0x4] =	stream.indirect.gather [hbm4b:s4+s16], $0x40, s19, s16, $0xb8;
	[tilespmem:$0x18E00] =	vst v63  }
0x7f: {  	_ =	swait.ge [sflag:s24], $0x2000  }
0x80: {  	[sflag:s24] =	ssyncset.done $0x0  }
0x81: {  	s15 =	simm.s32 $0x4E00;
	[sflag:s24] =	ssyncadd.s32 $0xFFFFE000  }
0x82: {  	[spmem:s2] =	stream.indirect.scatter.add.f32 [tilespmem:s17], [sflag:$0x5], $0x40, s15, s16, $0xb8;
	[tilespmem:$0x18E00] =	vst v63  }
0x83: {  	_ =	swait.ge [sflag:s25], $0x2000  }
0x84: {  	[sflag:s25] =	ssyncset.done $0x0  }
0x85: {  	s21 =	simm.s32 $0x4E80;
	[sflag:s25] =	ssyncadd.s32 $0xFFFFE000  }
0x86: {  	[spmem:s2] =	stream.indirect.scatter.add.f32 [tilespmem:s18], [sflag:$0x6], $0x40, s21, s16, $0xb8;
	[tilespmem:$0x18E00] =	vst v63  }
0x87: {  	_ =	swait.ge [sflag:s26], $0x2000  }
0x88: {  	[sflag:s26] =	ssyncset.done $0x0  }
0x89: {  	s19 =	simm.s32 $0x4F00;
	[sflag:s26] =	ssyncadd.s32 $0xFFFFE000  }
0x8a: {  	[spmem:s2] =	stream.indirect.scatter.add.f32 [tilespmem:s20], [sflag:$0x7], $0x40, s19, s16, $0xb8;
	[tilespmem:$0x18E00] =	vst v63  }
0x8b: {  	_ =	swait.ge [sflag:s28], $0x2000  }
0x8c: {  	[sflag:s28] =	ssyncset.done $0x0  }
0x8d: {  	s21 =	simm.s32 $0x4F80;
	[sflag:s28] =	ssyncadd.s32 $0xFFFFE000  }
0x8e: {  	[spmem:s2] =	stream.indirect.scatter.add.f32 [tilespmem:s22], [sflag:$0x8], $0x40, s21, s16, $0xb8;
	[tilespmem:$0x18E00] =	vst v63  }
0x8f: {  	_ =	swait.ge [sflag:s29], $0x2000  }
0x90: {  	[sflag:s29] =	ssyncset.done $0x0  }
0x91: {  	[sflag:s29] =	ssyncadd.s32 $0xFFFFE000  }
0x92: {  	_ =	swait.ge [sflag:s30], $0x2000  }
0x93: {  	[sflag:s30] =	ssyncset.done $0x0  }
0x94: {  	[sflag:s30] =	ssyncadd.s32 $0xFFFFE000  }
0x95: {  	_ =	swait.ge [sflag:s31], $0x2000  }
0x96: {  	[sflag:s31] =	ssyncset.done $0x0  }
0x97: {  	[sflag:s31] =	ssyncadd.s32 $0xFFFFE000  }
0x98: {  	s19 =	stileid.u32;
	_ =	swait.ge [sflag:s1], $0x2000  }
0x99: {  	s0 =	sadd.s32 $0x1, s0;
	s15 =	sshll.u32 s19, $0x6;
	[sflag:s1] =	ssyncset.done $0x0  }
0x9a: {  	p0 =	sne.s32 s0, s13;
	s15 =	sor.u32 $0x1C09, s15;
	[sflag:s1] =	ssyncadd.s32 $0xFFFFE000  }
.Ltmp2:
0x9b: {  	s21 =	sshrl.u32 s6, $0x3;
	[bflag:$0x0] =	sbarrier.arrive $0xFFFF;
	(pc) =	sbr.rel @p0 .LBB2_1-.Ltmp2, $4  }
0x9c: {  	[hbm:s12], [sflag:s15] =	dma.local [spmem:s21], $0x13C0  }
0x9d: {  	_ =	swait.ge [sflag:s14], $0x13C0  }
0x9e: {  	[sflag:s14] =	ssyncset.done $0x0  }
0x9f: {  	[sflag:s14] =	ssyncadd.s32 $0xFFFFEC40  }
0xa0: {  	_ =	sfence.sel $0x180000  }
0xa1: {  	[bflag:$0x0] =	sbarrier.arrive $0xFFFF  }
0xa2: {  	_ =	strace $0x9000004D  }
0xa3: {  	s0 =	stileid.u32;
	[bflag:$0x2] =	sbarrier.arrive $0xFFFF  }
0xa4: {  	p0 =	sne.s32 s0, $0x0;
	s0 =	rddreg [dreg:$0x2]  }
0xa5: {  	s0 =	sadd.s32 @!p0 $0x100000, s0  }
0xa6: {  	[sflag:s0] =	ssyncadd.tile.s32 @!p0 $0x1;
	_ =	shalt  }
.Lfunc_end2:
_tile_overlayer_lowered:
.L_overlay_start_2:
0xa7: {  	(tag) =	ssettag $0x2  }
0xa8: {  	s0 =	rddreg [dreg:$0x0];
	s2 =	stileid.u32  }
0xa9: {  	s1 =	rddreg [dreg:$0x1];
	p0 =	sne.s32 s2, $0x0  }
0xaa: {  	s3 =	rddreg [dreg:$0x2];
	[bflag:$0x3] =	sbarrier.arrive $0xFFFF;
	s2 =	simm.s32 @!p0 $0x1C09  }
0xab: {  	[timem:s3], [sflag:s2] =	dma.local @!p0 [hbm:s0], s1  }
0xac: {  	s0 =	simm.s32 @!p0 $0x9  }
0xad: {  	_ =	swait.ge @!p0 [sflag:s0], s1  }
0xae: {  	s1 =	ssub.s32 @!p0 $0x0, s1;
	[sflag:s0] =	ssyncset.done @!p0 $0x0  }
0xaf: {  	[sflag:s0] =	ssyncadd.s32 @!p0 s1  }
0xb0: {  	[bflag:$0x3] =	sbarrier.arrive $0xFFFF  }
0xb1: {  	_ =	shalt  }

// kernel: kernel.8.cloned.1.call-start
scs
__scs_entry_jumppad:
0x0: {  	(pc) =	sbr.rel $0x88, $3  }
0x1: {  	(tag) =	ssettag $0x0;
	lr =	simm.s32 $0x1  }
0x2: {  	[smem:$0x3F99] =	sst lr;
	_ =	strace $0xD0000000  }
0x3: {  	_ = 	snop  }
0x4: {  	_ = 	snop  }
0x5: {  	_ = 	snop  }
0x6: {  	_ = 	snop  }
0x7: {  	_ = 	snop  }
__scs_overlays_trampoline_lowered:
0x8: {  	[smem:$0x3FA8] =	sst s0  }
0x9: {  	[smem:$0x3FA9] =	sst s1  }
0xa: {  	[smem:$0x3FAA] =	sst s2  }
0xb: {  	[smem:$0x3FAB] =	sst s3  }
0xc: {  	[smem:$0x3FAC] =	sst s4  }
0xd: {  	[smem:$0x3FAD] =	sst s5  }
0xe: {  	[smem:$0x3FAE] =	sst s6  }
0xf: {  	[smem:$0x3FAF] =	sst s7  }
0x10: {  	[smem:$0x3FB0] =	sst s8  }
0x11: {  	[smem:$0x3FB1] =	sst s9;
	s0 =	simm.s32 @!p0 $0x0  }
0x12: {  	s1 =	sld [smem:$0x3F97];
	s0 =	simm.s32 @p0 $0x1  }
0x13: {  	[smem:$0x3FB2] =	sst s0;
	s0 =	simm.s32 @!p1 $0x0  }
0x14: {  	s2 =	sld [smem:$0x3F96];
	s0 =	simm.s32 @p1 $0x1  }
0x15: {  	[smem:$0x3FB3] =	sst s0;
	s0 =	simm.s32 @!p2 $0x0  }
0x16: {  	s3 =	sld [smem:$0x3FDB];
	s0 =	simm.s32 @p2 $0x1  }
0x17: {  	s4 =	simm.s32 $0x1BF5;
	[smem:$0x3FB5] =	sst s0  }
0x18: {  	s0 =	sld [smem:$0x3F98];
	_ =	swait.ge [sflag:s4], $0x0  }
0x19: {  	s7 =	sld [smem:$0x3F99]  }
0x1a: {  	s8 =	sadd.s32 $0xFFFFE003, lr  }
0x1b: {  	s9 =	sadd.s32 $0xFFFFFEF7, lr;
	s5 =	simm.s32 $0xFFFFFFFF;
	p2 =	slt.u32 s8, $0xFFFFF086  }
0x1c: {  	p1 =	slt.u32 s9, $0xF7A;
	s5 =	simm.s32 @!p2 $0x0  }
0x1d: {  	s5 =	simm.s32 @p1 $0x1;
	p0 =	seq.s32 s7, s2  }
0x1e: {  	s7 =	smul.u32 @!p0 $0xF7A, s2;
	p2 =	seq.s32 @!p0 s5, $0x0  }
0x1f: {  	s9 =	smul.u32 $0xF7A, s1;
	s8 =	simm.s32 @!p0 $0x1BF5;
	p2 =	por !p2, p0  }
0x20: {  	[sflag:s8] =	ssyncset.s32 @!p0 $0xFFFFF086;
	s6 =	sadd.s32 @!p0 s3, s7;
	s7 =	simm.s32 @!p0 $0x108  }
0x21: {  	s3 =	sadd.s32 s3, s9;
	s6 =	sadd.s32 @!p0 $0x88, s6;
	s7 =	simm.s32 @p2 $0x1082  }
0x22: {  	[simem:s7], [sflag:s8] =	dma.local @!p0 [hbm:s6], $0xF7A  }
0x23: {  	s9 =	sor.u32 $0xD0000000, s2;
	s6 =	simm.s32 $0x108;
	_ =	swait.ge @!p0 [sflag:s8], $0x0  }
0x24: {  	s3 =	sadd.s32 $0x88, s3;
	s6 =	simm.s32 @!p1 $0x1082;
	[sflag:s4] =	ssyncset.s32 $0xFFFFF086  }
0x25: {  	[simem:s6], [sflag:s4] =	dma.local [hbm:s3], $0xF7A  }
0x26: {  	[smem:$0x3F99] =	sst s1;
	(tag) =	ssettag s2;
	_ =	strace s9  }
0x27: {  	s1 =	sld [smem:$0x3FA9]  }
0x28: {  	s2 =	sld [smem:$0x3FAA]  }
0x29: {  	s4 =	sld [smem:$0x3FAC]  }
0x2a: {  	p0 =	seq.s32 s5, $0x0;
	s5 =	sld [smem:$0x3FAD]  }
0x2b: {  	s6 =	sld [smem:$0x3FAE]  }
0x2c: {  	s7 =	sld [smem:$0x3FAF]  }
0x2d: {  	s3 =	simm.s32 $0x108;
	s8 =	sld [smem:$0x3FB0]  }
0x2e: {  	s3 =	simm.s32 @!p0 $0x1082;
	s9 =	sld [smem:$0x3FB1]  }
0x2f: {  	lr =	sadd.s32 s0, s3;
	s0 =	sld [smem:$0x3FA8]  }
0x30: {  	s3 =	sld [smem:$0x3FAB]  }
0x31: {  	[smem:$0x3FB4] =	sst s10  }
0x32: {  	s10 =	sld [smem:$0x3FB2];
	_ =	sdelay $0x3  }
0x33: {  	p0 =	seq.s32 s10, $0x1;
	s10 =	sld [smem:$0x3FB4];
	_ =	sdelay $0x3  }
0x34: {  	[smem:$0x3FB4] =	sst s10  }
0x35: {  	s10 =	sld [smem:$0x3FB3];
	_ =	sdelay $0x3  }
0x36: {  	p1 =	seq.s32 s10, $0x1;
	s10 =	sld [smem:$0x3FB4];
	_ =	sdelay $0x3  }
0x37: {  	[smem:$0x3FB4] =	sst s10  }
0x38: {  	s10 =	sld [smem:$0x3FB5]  }
0x39: {  	_ = 	snop;
	(pc) =	sbr.ind lr, $3  }
0x3a: {  	_ = 	snop  }
0x3b: {  	_ = 	snop  }
0x3c: {  	p2 =	seq.s32 s10, $0x1;
	s10 =	sld [smem:$0x3FB4]  }
0x3d: {  	_ =	shalt  }
0x3e: {  	_ =	shalt  }
0x3f: {  	_ =	shalt  }
0x40: {  	_ =	shalt  }
0x41: {  	_ =	shalt  }
0x42: {  	_ =	shalt  }
0x43: {  	_ =	shalt  }
0x44: {  	_ =	shalt  }
0x45: {  	_ =	shalt  }
0x46: {  	_ =	shalt  }
0x47: {  	_ =	shalt  }
0x48: {  	_ =	shalt  }
0x49: {  	_ =	shalt  }
0x4a: {  	_ =	shalt  }
0x4b: {  	_ =	shalt  }
0x4c: {  	_ =	shalt  }
0x4d: {  	_ =	shalt  }
0x4e: {  	_ =	shalt  }
0x4f: {  	_ =	shalt  }
0x50: {  	_ =	shalt  }
0x51: {  	_ =	shalt  }
0x52: {  	_ =	shalt  }
0x53: {  	_ =	shalt  }
0x54: {  	_ =	shalt  }
0x55: {  	_ =	shalt  }
0x56: {  	_ =	shalt  }
0x57: {  	_ =	shalt  }
0x58: {  	_ =	shalt  }
0x59: {  	_ =	shalt  }
0x5a: {  	_ =	shalt  }
0x5b: {  	_ =	shalt  }
0x5c: {  	_ =	shalt  }
0x5d: {  	_ =	shalt  }
0x5e: {  	_ =	shalt  }
0x5f: {  	_ =	shalt  }
0x60: {  	_ =	shalt  }
0x61: {  	_ =	shalt  }
0x62: {  	_ =	shalt  }
0x63: {  	_ =	shalt  }
0x64: {  	_ =	shalt  }
0x65: {  	_ =	shalt  }
0x66: {  	_ =	shalt  }
0x67: {  	_ =	shalt  }
0x68: {  	_ =	shalt  }
0x69: {  	_ =	shalt  }
0x6a: {  	_ =	shalt  }
0x6b: {  	_ =	shalt  }
0x6c: {  	_ =	shalt  }
0x6d: {  	_ =	shalt  }
0x6e: {  	_ =	shalt  }
0x6f: {  	_ =	shalt  }
0x70: {  	_ =	shalt  }
0x71: {  	_ =	shalt  }
0x72: {  	_ =	shalt  }
0x73: {  	_ =	shalt  }
0x74: {  	_ =	shalt  }
0x75: {  	_ =	shalt  }
0x76: {  	_ =	shalt  }
0x77: {  	_ =	shalt  }
0x78: {  	_ =	shalt  }
0x79: {  	_ =	shalt  }
0x7a: {  	_ =	shalt  }
0x7b: {  	_ =	shalt  }
0x7c: {  	_ =	shalt  }
0x7d: {  	_ =	shalt  }
0x7e: {  	_ =	shalt  }
0x7f: {  	_ =	shalt  }
0x80: {  	_ =	shalt  }
0x81: {  	_ =	shalt  }
0x82: {  	_ =	shalt  }
0x83: {  	_ =	shalt  }
0x84: {  	_ =	shalt  }
0x85: {  	_ =	shalt  }
0x86: {  	_ =	shalt  }
0x87: {  	_ =	shalt  }
.Lfunc_end0:
.L_simem_size_0:
called_computation_lowered:
.L_overlay_start_0:
0x88: {  	s2 =	sld [smem:$0x3FD9]  }
0x89: {  	s3 =	sld [smem:$0x3FFE];
	_ =	sdelay $0x1  }
0x8a: {  	s1 =	srdreg.scid  }
0x8b: {  	s0 =	sand.u32 $0x1, s1  }
0x8c: {  	s17 =	sshll.u32 s0, $0xA;
	s2 =	sadd.s32 s3, s2  }
0x8d: {  	s2 =	sadd.s32 s2, s17  }
0x8e: {  	[smem:$0x3FC0] =	sst s2  }
0x8f: {  	_ = 	snop  }
0x90: {  	s2 =	sld [smem:$0x3FD0];
	(tm) =	ssettm $0x1  }
0x91: {  	s18 =	sld [smem:$0x3FFB];
	_ =	sdelay $0x3  }
0x92: {  	_ =	strace s18  }
0x93: {  	s3 =	sld [smem:$0x3FFC];
	_ =	sdelay $0x3  }
0x94: {  	_ =	strace s3  }
0x95: {  	s3 =	sld [smem:$0x3FFD];
	_ =	sdelay $0x3  }
0x96: {  	_ =	strace s3  }
0x97: {  	_ =	strace $0x8FFFFFFF  }
0x98: {  	s19 =	sld [smem:$0x3FDB];
	_ =	sdelay $0x1  }
0x99: {  	s4 =	simm.s32 $_scs_section_size  }
0x9a: {  	s5 =	simm.s32 $_size__tile_overlayer_lowered;
	s6 =	simm.s32 $_tile_overlayer_lowered  }
0x9b: {  	s22 =	simm.s32 $0x1BFF;
	s21 =	sshll.u32 s6, $0x1;
	s3 =	sadd.s32 s4, s19  }
0x9c: {  	s7 =	simm.s32 $0x0;
	s20 =	sshll.u32 s5, $0x1;
	s5 =	sadd.s32 s21, s3  }
0x9d: {  	[timem:s7], [sflag:s22] =	dma.local [hbm:s5], s20  }
0x9e: {  	_ =	swait.ge [sflag:s22], s20  }
0x9f: {  	s4 =	ssub.s32 $0x0, s20;
	[sflag:s22] =	ssyncset.done $0x0  }
0xa0: {  	[sflag:s22] =	ssyncadd.s32 s4;
	_ =	sdelay $0x1  }
0xa1: {  	s23 =	simm.s32 $0x1B8B  }
0xa2: {  	_ =	swait.ge [sflag:s23], $0x1  }
0xa3: {  	[sflag:s23] =	ssyncset.done $0x0  }
0xa4: {  	s25 =	simm.s32 $0x1B8E;
	s24 =	sld [smem:$0x3FFE];
	[sflag:s23] =	ssyncadd.s32 $0xFFFFFFFF  }
0xa5: {  	s26 =	simm.s32 $execute0_lowered;
	[smem:$0x3FD2] =	sst s25  }
0xa6: {  	s5 =	sshll.u32 s26, $0x1;
	_ =	strace $0x80000046;
	[dreg:$0x1] =	wrdreg $0xFFFFFFFF  }
0xa7: {  	s28 =	simm.s32 $_size_execute0_lowered;
	s3 =	sadd.s32 s3, s5;
	[dreg:$0x0] =	wrdreg $0x0  }
0xa8: {  	s5 =	sshll.u32 s28, $0x1;
	[dreg:$0x2] =	wrdreg s3  }
0xa9: {  	[dreg:$0x3] =	wrdreg s5  }
0xaa: {  	[dreg:$0x4] =	wrdreg $0xC0  }
0xab: {  	_ =	task [dreg:s7], $0x5FFFF  }
0xac: {  	[dreg:$0x1] =	wrdreg $0xFFFFFFFF  }
0xad: {  	[dreg:$0x0] =	wrdreg $0x60  }
0xae: {  	[dreg:$0x2] =	wrdreg s24  }
0xaf: {  	[dreg:$0x3] =	wrdreg s2  }
0xb0: {  	[dreg:$0x4] =	wrdreg $0x38000  }
0xb1: {  	[dreg:$0x5] =	wrdreg $0x9  }
0xb2: {  	_ =	task.clear_ibuf [dreg:s7], $0x6FFFF;
	_ =	strace $0x90000046  }
0xb3: {  	s29 =	simm.s32 $0x9;
	_ =	strace $0x80000048  }
0xb4: {  	_ =	swait.ge [sflag:s29], $0x1  }
0xb5: {  	[sflag:s29] =	ssyncadd.s32 $0xFFFFFFFF  }
0xb6: {  	_ =	strace $0x90000048  }
0xb7: {  	_ =	sfence  }
0xb8: {  	s30 =	sld [smem:$0x0];
	_ =	sdelay $0x2  }
0xb9: {  	s31 =	sshll.u32 s1, $0xD;
	s1 =	sshrl.u32 s1, $0x2  }
0xba: {  	s3 =	sand.u32 $0x4000, s31;
	s1 =	sadd.s32 s1, s30  }
0xbb: {  	s0 =	sor.u32 s3, s0;
	s1 =	sshll.u32 s1, $0x11  }
0xbc: {  	s0 =	sor.u32 s1, s0  }
0xbd: {  	s0 =	sadd.s32 $0x8F2B, s0  }
0xbe: {  	[sflag:s0] =	ssyncadd.remote.s32 $0x1  }
0xbf: {  	_ =	sfence.sel $0xFFFF  }
0xc0: {  	[dreg:$0x0] =	wrdreg $0xFFFFFFFF;
	(pc) =	sbr.abs _section_cstart, $3  }
0xc1: {  	[dreg:$0x1] =	wrdreg $0xFFFFFFFF  }
0xc2: {  	_ =	task.clear_ibuf [dreg:s7], $0x2FFFF;
	_ =	strace $0x9FFFFFFF  }
0xc3: {  	(tm) =	ssettm $0x7FFFFFFF  }
tec
execute0_lowered:
.L_overlay_start_1:
0x0: {  	(tag) =	ssettag $0x1  }
0x1: {  	s4 =	rddreg [dreg:$0x0]  }
0x2: {  	s0 =	srdreg.scid;
	s10 =	rddreg [dreg:$0x1]  }
0x3: {  	s2 =	rddreg [dreg:$0x2];
	s1 =	stileid.u32  }
0x4: {  	s3 =	simm.s32 $0x0;
	s13 =	simm.s32 $0x3000;
	s14 =	simm.s32 $0x80  }
0x5: {  	s15 =	simm.s32 $0x2800;
	s5 =	sand.u32 $0x1, s0;
	s0 =	rddreg [dreg:$0x3]  }
0x6: {  	s18 =	simm.s32 $0x0;
	[smem:$0x7FF] =	sst s3;
	s7 =	smul.u32 $0x9E00, s1  }
0x7: {  	s8 =	smul.u32 $0x4F0, s1;
	s16 =	sshll.u32 s1, $0x6;
	s6 =	sshll.u32 s5, $0x4  }
0x8: {  	_ =	strace $0x80000047;
	s31 =	ssub.s32 $0x2, s5;
	s11 =	smul.u32 $0x4F00, s5  }
0x9: {  	s16 =	sor.u32 $0x1C01, s16;
	s6 =	sor.u32 s1, s6;
	s7 =	sshrl.u32 s7, $0x2  }
0xa: {  	s9 =	sshrl.u32 s31, $0x1;
	s6 =	smul.u32 $0x500, s6;
	s5 =	sadd.s32 s7, s2  }
0xb: {  	s12 =	ssub.s32 s31, s9;
	s11 =	sadd.s32 s8, s11;
	s7 =	sadd.s32 $0x1000, s5  }
0xc: {  	s8 =	sadd.s32 $0x1800, s5;
	s9 =	sadd.s32 $0x2000, s5;
	s10 =	sadd.s32 s10, s11  }
0xd: {  	s11 =	smax.u32 s12, $0x1;
	s12 =	simm.s32 $0x1;
	s4 =	sadd.s32 s6, s4  }
0xe: {  	v0 =	vimm.f32 $1.000000000e+00;
	v1 =	vimm.f32 $0.0e+00;
	s17 =	sshrl.u32 s5, $0x3;
	s6 =	sadd.s32 $0x800, s5;
	s4 =	sadd.s32 $0xC000, s4  }
.LBB2_1:
0xf: {  	[tilespmem:s3], [sflag:$0x1] =	stream.linear.gather [hbm4b:s4+s3], $0x2800, $0x38;
	[tilespmem:$0x5F80] =	vst v63  }
0x10: {  	_ =	swait.ge [sflag:s12], $0x2800  }
0x11: {  	[sflag:s12] =	ssyncset.done $0x0  }
0x12: {  	s19 =	simm.s32 $0x40;
	s20 =	simm.s32 $0x0;
	[sflag:s12] =	ssyncadd.s32 $0xFFFFD800  }
.LBB2_2:
0x13: {  	p0 =	sne.s32 s19, $0x1FC0;
	[tilespmem:s20+$0x2800] =	vst v0;
	s21 =	smov.u32 s19;
	s19 =	sadd.s32 $0x40, s19  }
.Ltmp0:
0x14: {  	[tilespmem:s20+$0x3000] =	vst v1;
	(pc) =	sbr.rel @p0 .LBB2_2-.Ltmp0, $2  }
0x15: {  	_ =	sdelay $0x2  }
0x16: {  	s20 =	sshra.s32 s21, $0x2  }
0x17: {  	[tilespmem:s20+$0x2800] =	vst v0  }
0x18: {  	[tilespmem:s20+$0x3000] =	vst v1  }
0x19: {  	[spmem:s5] =	stream.linear.scatter [tilespmem:s13], [sflag:$0x1], $0x800, $0x38;
	[tilespmem:$0x5F80] =	vst v63  }
0x1a: {  	_ =	swait.ge [sflag:s12], $0x800  }
0x1b: {  	[sflag:s12] =	ssyncset.done $0x0  }
0x1c: {  	[sflag:s12] =	ssyncadd.s32 $0xFFFFF800  }
0x1d: {  	[spmem:s6] =	stream.linear.scatter [tilespmem:s13], [sflag:$0x1], $0x800, $0x38;
	[tilespmem:$0x5F80] =	vst v63  }
0x1e: {  	_ =	swait.ge [sflag:s12], $0x800  }
0x1f: {  	[sflag:s12] =	ssyncset.done $0x0  }
0x20: {  	[sflag:s12] =	ssyncadd.s32 $0xFFFFF800  }
0x21: {  	[spmem:s7] =	stream.linear.scatter [tilespmem:s13], [sflag:$0x1], $0x800, $0x38;
	[tilespmem:$0x5F80] =	vst v63  }
0x22: {  	_ =	swait.ge [sflag:s12], $0x800  }
0x23: {  	[sflag:s12] =	ssyncset.done $0x0  }
0x24: {  	[sflag:s12] =	ssyncadd.s32 $0xFFFFF800  }
0x25: {  	[spmem:s8] =	stream.linear.scatter [tilespmem:s13], [sflag:$0x1], $0x800, $0x38;
	[tilespmem:$0x5F80] =	vst v63  }
0x26: {  	_ =	swait.ge [sflag:s12], $0x800  }
0x27: {  	[sflag:s12] =	ssyncset.done $0x0  }
0x28: {  	[sflag:s12] =	ssyncadd.s32 $0xFFFFF800  }
0x29: {  	[spmem:s9] =	stream.linear.scatter [tilespmem:s13], [sflag:$0x1], $0x780, $0x38;
	[tilespmem:$0x5F80] =	vst v63  }
0x2a: {  	_ =	swait.ge [sflag:s12], $0x780  }
0x2b: {  	[sflag:s12] =	ssyncset.done $0x0  }
0x2c: {  	[sflag:s12] =	ssyncadd.s32 $0xFFFFF880  }
0x2d: {  	s19 =	simm.s32 $0x0;
	[bflag:$0x0] =	sbarrier.arrive $0xFFFF  }
0x2e: {  	[spmem:s2] =	stream.indirect.scatter.add.f32 [tilespmem:s15], [sflag:$0x1], $0x10, s19, s14, $0xb8;
	[tilespmem:$0x5F80] =	vst v63  }
0x2f: {  	_ =	swait.ge [sflag:s12], $0x800  }
0x30: {  	s19 =	simm.s32 $0x200;
	[sflag:s12] =	ssyncset.done $0x0  }
.LBB2_4:
0x31: {  	s20 =	sshra.s32 s19, $0x2;
	[sflag:s12] =	ssyncadd.s32 $0xFFFFF800;
	p0 =	sne.s32 s19, $0x9E00  }
0x32: {  	[spmem:s2] =	stream.indirect.scatter.add.f32 [tilespmem:s15], [sflag:$0x1], $0x10, s20, s14, $0xb8;
	[tilespmem:$0x5F80] =	vst v63  }
.Ltmp1:
0x33: {  	_ = 	snop;
	(pc) =	sbr.rel @p0 .LBB2_4-.Ltmp1, $4  }
0x34: {  	_ = 	snop  }
0x35: {  	s19 =	sadd.s32 $0x200, s19  }
0x36: {  	_ =	swait.ge [sflag:s12], $0x800  }
0x37: {  	[sflag:s12] =	ssyncset.done $0x0  }
0x38: {  	s18 =	sadd.s32 $0x1, s18  }
0x39: {  	[sflag:s12] =	ssyncadd.s32 $0xFFFFF800;
	p0 =	sne.s32 s18, s11  }
.Ltmp2:
0x3a: {  	[bflag:$0x0] =	sbarrier.arrive $0xFFFF;
	(pc) =	sbr.rel @p0 .LBB2_1-.Ltmp2, $4  }
0x3b: {  	[hbm:s10], [sflag:s16] =	dma.local [spmem:s17], $0x4F0  }
0x3c: {  	_ =	swait.ge [sflag:s12], $0x4F0  }
0x3d: {  	[sflag:s12] =	ssyncset.done $0x0  }
0x3e: {  	[sflag:s12] =	ssyncadd.s32 $0xFFFFFB10  }
0x3f: {  	_ =	sfence.sel $0x180000  }
0x40: {  	[bflag:$0x0] =	sbarrier.arrive $0xFFFF  }
0x41: {  	p0 =	sne.s32 s1, $0x0;
	_ =	strace $0x90000047  }
0x42: {  	s0 =	sadd.s32 @!p0 $0x100000, s0;
	[bflag:$0x2] =	sbarrier.arrive $0xFFFF  }
0x43: {  	[sflag:s0] =	ssyncadd.tile.s32 @!p0 $0x1;
	_ =	shalt  }
.Lfunc_end2:
_tile_overlayer_lowered:
.L_overlay_start_2:
0x44: {  	(tag) =	ssettag $0x2  }
0x45: {  	s0 =	rddreg [dreg:$0x0];
	s2 =	stileid.u32  }
0x46: {  	s1 =	rddreg [dreg:$0x1];
	p0 =	sne.s32 s2, $0x0  }
0x47: {  	s3 =	rddreg [dreg:$0x2];
	[bflag:$0x3] =	sbarrier.arrive $0xFFFF;
	s2 =	simm.s32 @!p0 $0x1C01  }
0x48: {  	[timem:s3], [sflag:s2] =	dma.local @!p0 [hbm:s0], s1  }
0x49: {  	s0 =	simm.s32 @!p0 $0x1  }
0x4a: {  	_ =	swait.ge @!p0 [sflag:s0], s1  }
0x4b: {  	s1 =	ssub.s32 @!p0 $0x0, s1;
	[sflag:s0] =	ssyncset.done @!p0 $0x0  }
0x4c: {  	[sflag:s0] =	ssyncadd.s32 @!p0 s1  }
0x4d: {  	[bflag:$0x3] =	sbarrier.arrive $0xFFFF  }
0x4e: {  	_ =	shalt  }

</sc_bundles>
